<compile_context>
chip_gen: v7x
topology: tpu7x:2x2x1
jax: 0.10.2.dev20260603
libtpu: 0.0.44.dev20260713+nightly
codegen_flags: <defaults>
</compile_context>

<pallas_src>
import functools

import jax
import jax.numpy as jnp
from jax import lax
from jax.experimental import pallas as pl
from jax.experimental.pallas import tpu as pltpu
from jax.experimental.pallas import tpu_sc as plsc

N_NODES = 10000
T = 12
D = 128
E = 320000
K = 3

NUM_SC = 2
NUM_TILES = 16
T_PER_SC = T // NUM_SC
CPT = D // NUM_TILES
LANES = 16
GSIZE = 16

CHUNK = 1280
NCHUNK = E // CHUNK
SUBG = CHUNK // 128
NGRP = CHUNK // GSIZE


_NB1 = 1000


def _k1_body(h_ref, w_ref, out_ref):
    x = h_ref[...].reshape(_NB1 * T, D)
    out_ref[...] = jnp.dot(x, w_ref[...],
                           preferred_element_type=jnp.float32).reshape(_NB1, T, D)


def _hw_dense(H, W):
    grid = (N_NODES // _NB1,)
    return pl.pallas_call(
        _k1_body,
        grid=grid,
        in_specs=[
            pl.BlockSpec((_NB1, T, D), lambda n: (n, 0, 0)),
            pl.BlockSpec((D, D), lambda n: (0, 0)),
        ],
        out_specs=pl.BlockSpec((_NB1, T, D), lambda n: (n, 0, 0)),
        out_shape=jax.ShapeDtypeStruct((N_NODES, T, D), jnp.float32),
    )(H, W)


NT = N_NODES * T
BCH = 1250
NBCH = NT // BCH


def _sc_body(hws, colT, row, val, zpl, out, table,
             colc0, colc1, rowc0, rowc1, valc0, valc1, ix, g0, g1, acc,
             se0, se1, sg0, sg1):
    c = lax.axis_index("c")
    s = lax.axis_index("s")

    esems = (se0, se1)
    gsems = (sg0, sg1)
    colcs = (colc0, colc1)
    rowcs = (rowc0, rowc1)
    valcs = (valc0, valc1)
    gbufs = (g0, g1)
    iota = lax.iota(jnp.int32, LANES)

    def edge_issue(slot, j):
        ofs = j * CHUNK
        pltpu.async_copy(colT.at[pl.ds(ofs, CHUNK)], colcs[slot], esems[slot])
        pltpu.async_copy(row.at[pl.ds(ofs, CHUNK)], rowcs[slot], esems[slot])
        pltpu.async_copy(val.at[pl.ds(ofs, CHUNK)], valcs[slot], esems[slot])

    def edge_wait(slot, j):
        ofs = j * CHUNK
        pltpu.make_async_copy(colT.at[pl.ds(ofs, CHUNK)], colcs[slot],
                              esems[slot]).wait()
        pltpu.make_async_copy(row.at[pl.ds(ofs, CHUNK)], rowcs[slot],
                              esems[slot]).wait()
        pltpu.make_async_copy(val.at[pl.ds(ofs, CHUNK)], valcs[slot],
                              esems[slot]).wait()

    sec = (c * NUM_TILES + s) * NT

    def build_read(slot, j):
        pltpu.async_copy(
            hws.at[pl.ds(j * BCH, BCH), pl.ds(s * CPT, CPT)],
            gbufs[slot].at[pl.ds(0, BCH)], esems[slot])

    def build_read_wait(slot, j):
        pltpu.make_async_copy(
            hws.at[pl.ds(j * BCH, BCH), pl.ds(s * CPT, CPT)],
            gbufs[slot].at[pl.ds(0, BCH)], esems[slot]).wait()

    build_read(0, 0)

    @pl.loop(0, NBCH, step=2)
    def _(j0):
        for b in range(2):
            j = j0 + b

            build_read_wait(b, j)

            @pl.when(j + 1 < NBCH)
            def _():
                build_read(1 - b, j + 1)

            pltpu.sync_copy(gbufs[b].at[pl.ds(0, BCH)],
                            table.at[pl.ds(sec + j * BCH, BCH)])

    def ix_compute(slot, t):
        base = sec + t

        @plsc.parallel_loop(0, SUBG, unroll=2)
        def _(q):
            for p in range(128 // LANES):
                sl = pl.ds(q * 128 + p * LANES, LANES)
                ix[slot * SUBG + q, pl.ds(p * LANES, LANES)] = (
                    colcs[slot][sl] + base)

    def gather_issue(slot):
        for q in range(SUBG):
            pltpu.async_copy(table.at[ix.at[slot * SUBG + q]],
                             gbufs[slot].at[pl.ds(q * 128, 128)], gsems[slot])

    def gather_wait(slot):
        for q in range(SUBG):
            pltpu.make_async_copy(table.at[ix.at[slot * SUBG + q]],
                                  gbufs[slot].at[pl.ds(q * 128, 128)],
                                  gsems[slot]).wait()

    def accumulate(slot):
        gb = gbufs[slot]
        rc = rowcs[slot]
        vc = valcs[slot]

        @plsc.parallel_loop(0, NGRP, unroll=2)
        def _(g):
            sl = pl.ds(g * GSIZE, GSIZE)
            rowv = rc[sl]
            valv = vc[sl]
            ev = iota + g * GSIZE
            for ch in range(CPT):
                cv = jnp.full((LANES,), ch, jnp.int32)
                x = plsc.load_gather(gb, [ev, cv])
                plsc.addupdate_scatter(acc, [rowv, cv], x * valv)

    @pl.loop(0, T_PER_SC)
    def _(tl):
        t = c * T_PER_SC + tl

        pltpu.sync_copy(zpl, acc)

        edge_issue(0, 0)
        edge_wait(0, 0)
        ix_compute(0, t)
        gather_issue(0)
        edge_issue(1, 1)

        @pl.loop(0, NCHUNK, step=2)
        def _(j0):
            for b in range(2):
                j = j0 + b
                nb = 1 - b

                @pl.when(j + 1 < NCHUNK)
                def _():
                    edge_wait(nb, j + 1)
                    ix_compute(nb, t)
                    gather_issue(nb)

                gather_wait(b)
                accumulate(b)

                @pl.when(j + 2 < NCHUNK)
                def _():
                    edge_issue(b, j + 2)

        pltpu.sync_copy(acc, out.at[:, t, pl.ds(s * CPT, CPT)])


_sc_spmm = functools.partial(
    pl.kernel,
    out_type=(jax.ShapeDtypeStruct((N_NODES, T, D), jnp.float32),
              jax.ShapeDtypeStruct((NUM_SC * NUM_TILES * NT, CPT),
                                   jnp.float32)),
    mesh=plsc.VectorSubcoreMesh(core_axis_name="c", subcore_axis_name="s"),
    compiler_params=pltpu.CompilerParams(needs_layout_passes=False,
                                         use_tc_tiling_on_sc=False),
    scratch_types=[
        pltpu.VMEM((CHUNK,), jnp.int32),
        pltpu.VMEM((CHUNK,), jnp.int32),
        pltpu.VMEM((CHUNK,), jnp.int32),
        pltpu.VMEM((CHUNK,), jnp.int32),
        pltpu.VMEM((CHUNK,), jnp.float32),
        pltpu.VMEM((CHUNK,), jnp.float32),
        pltpu.VMEM((2 * SUBG, 128), jnp.int32),
        pltpu.VMEM((CHUNK, CPT), jnp.float32),
        pltpu.VMEM((CHUNK, CPT), jnp.float32),
        pltpu.VMEM((N_NODES, CPT), jnp.float32),
        pltpu.SemaphoreType.DMA,
        pltpu.SemaphoreType.DMA,
        pltpu.SemaphoreType.DMA,
        pltpu.SemaphoreType.DMA,
    ],
)(_sc_body)


_NB2 = 400


def _k3_body(p_ref, h_ref, b_ref, wf_ref, bf_ref, wg_ref, bg_ref,
             gam_ref, bet_ref, out_ref):
    g = jnp.maximum(p_ref[...] + b_ref[...][None], 0.0)
    x = g.reshape(_NB2 * T, D)

    def conv(w_ref, bias_ref):
        m = [jnp.dot(x, w_ref[k], preferred_element_type=jnp.float32)
             .reshape(_NB2, T, D) for k in range(K)]
        z1 = jnp.zeros((_NB2, 1, D), jnp.float32)
        z2 = jnp.zeros((_NB2, 2, D), jnp.float32)
        return (m[2]
                + jnp.concatenate([z1, m[1][:, :T - 1, :]], axis=1)
                + jnp.concatenate([z2, m[0][:, :T - 2, :]], axis=1)
                + bias_ref[...][None])

    f = conv(wf_ref, bf_ref)
    gg = conv(wg_ref, bg_ref)
    h = jnp.tanh(f) * jax.nn.sigmoid(gg)
    r = h + h_ref[...]
    mu = jnp.mean(r, axis=-1, keepdims=True)
    var = jnp.mean((r - mu) ** 2, axis=-1, keepdims=True)
    out_ref[...] = ((r - mu) * lax.rsqrt(var + 1e-5) * gam_ref[...][None]
                    + bet_ref[...][None])


def _fuse_temporal(P, H, b, Wfk, bf, Wgk, bg, gamma, beta):
    grid = (N_NODES // _NB2,)
    vec = pl.BlockSpec((1, D), lambda n: (0, 0))
    return pl.pallas_call(
        _k3_body,
        grid=grid,
        in_specs=[
            pl.BlockSpec((_NB2, T, D), lambda n: (n, 0, 0)),
            pl.BlockSpec((_NB2, T, D), lambda n: (n, 0, 0)),
            vec,
            pl.BlockSpec((K, D, D), lambda n: (0, 0, 0)),
            vec,
            pl.BlockSpec((K, D, D), lambda n: (0, 0, 0)),
            vec,
            vec,
            vec,
        ],
        out_specs=pl.BlockSpec((_NB2, T, D), lambda n: (n, 0, 0)),
        out_shape=jax.ShapeDtypeStruct((N_NODES, T, D), jnp.float32),
    )(P, H, b.reshape(1, D), Wfk, bf.reshape(1, D), Wgk, bg.reshape(1, D),
      gamma.reshape(1, D), beta.reshape(1, D))


def kernel(H, A_indices, A_values, W, b, Wf, bf, Wg, bg, gamma, beta):
    hws = _hw_dense(H, W).reshape(NT, D)

    row = A_indices[0].astype(jnp.int32)
    colT = A_indices[1].astype(jnp.int32) * T
    val = A_values.astype(jnp.float32)
    zpl = jnp.zeros((N_NODES, CPT), jnp.float32)

    P, _ = _sc_spmm(hws, colT, row, val, zpl)

    Wfk = jnp.transpose(Wf, (2, 1, 0))
    Wgk = jnp.transpose(Wg, (2, 1, 0))
    return _fuse_temporal(P, H, b, Wfk, bf, Wgk, bg, gamma, beta)

# --- scband reference (transcript-rebuilt; emitter-appended) ---
"""Pipeline reference for scband-spatio-temporal-fusion-block-17497696764293 (READ-ONLY COPY).

The authoritative reference and input builder live on the scoring server;
editing this copy changes nothing except your own understanding.
"""

import jax, jax.numpy as jnp
import numpy as np

N_NODES = 10000
T = 12
D_IN = 128
D_HID = 128
E = 320000
K = 3


def setup_inputs(seed: int = 0) -> dict:
    key = jax.random.key(seed)
    ks = jax.random.split(key, 12)
    H = jax.random.normal(ks[0], (N_NODES, T, D_IN), dtype=jnp.float32)
    A_indices = jax.random.randint(ks[1], (2, E), 0, N_NODES)
    A_values = jax.random.uniform(ks[2], (E,), dtype=jnp.float32)
    stdv = 1.0 / np.sqrt(D_HID)
    W = jax.random.uniform(ks[3], (D_IN, D_HID), minval=-stdv, maxval=stdv, dtype=jnp.float32)
    b = jnp.zeros((D_HID,), dtype=jnp.float32)
    s = 1.0 / np.sqrt(D_HID * K)
    Wf = jax.random.uniform(ks[4], (D_HID, D_HID, K), minval=-s, maxval=s, dtype=jnp.float32)
    bf = jax.random.uniform(ks[5], (D_HID,), minval=-s, maxval=s, dtype=jnp.float32)
    Wg = jax.random.uniform(ks[6], (D_HID, D_HID, K), minval=-s, maxval=s, dtype=jnp.float32)
    bg = jax.random.uniform(ks[7], (D_HID,), minval=-s, maxval=s, dtype=jnp.float32)
    gamma = jnp.ones((D_HID,), dtype=jnp.float32)
    beta = jnp.zeros((D_HID,), dtype=jnp.float32)
    return {"H": H, "A_indices": A_indices, "A_values": A_values, "W": W, "b": b,
            "Wf": Wf, "bf": bf, "Wg": Wg, "bg": bg, "gamma": gamma, "beta": beta}


def _spmm(A_indices, A_values, X):
    # out = A @ X where A is sparse COO [N, N]
    row = A_indices[0]
    col = A_indices[1]
    gathered = jnp.take(X, col, axis=0) * A_values[:, None]
    return jax.ops.segment_sum(gathered, row, num_segments=N_NODES)


def _causal_gated_conv(x_nth, Wf, bf, Wg, bg):
    # x_nth: [N, T, C] -> torch does transpose(1,2) -> [N, C, T]
    x = jnp.transpose(x_nth, (0, 2, 1))
    dn = ('NCH', 'OIH', 'NCH')
    f = jax.lax.conv_general_dilated(x, Wf, window_strides=(1,), padding=((2, 2),), dimension_numbers=dn)
    f = f + bf[None, :, None]
    f = f[..., :T]
    g = jax.lax.conv_general_dilated(x, Wg, window_strides=(1,), padding=((2, 2),), dimension_numbers=dn)
    g = g + bg[None, :, None]
    g = g[..., :T]
    out = jnp.tanh(f) * jax.nn.sigmoid(g)
    return jnp.transpose(out, (0, 2, 1))


def _layer_norm(x, gamma, beta, eps=1e-5):
    mu = jnp.mean(x, axis=-1, keepdims=True)
    var = jnp.mean((x - mu) ** 2, axis=-1, keepdims=True)
    return (x - mu) / jnp.sqrt(var + eps) * gamma + beta


def reference(H, A_indices, A_values, W, b, Wf, bf, Wg, bg, gamma, beta):
    # SimpleGraphConv applied per timestep: relu(spmm(A, h_t @ W) + bias)
    HW = jnp.einsum('ntd,dh->nth', H, W)
    g_list = []
    for t in range(T):
        out_t = _spmm(A_indices, A_values, HW[:, t, :]) + b
        g_list.append(jax.nn.relu(out_t)[:, None, :])
    H_gc = jnp.concatenate(g_list, axis=1)
    H_temp = _causal_gated_conv(H_gc, Wf, bf, Wg, bg)
    residual = H  # in_dim == hidden_dim -> res_proj is Identity
    return _layer_norm(H_temp + residual, gamma, beta)

if __name__ == "__main__":
    import jax
    _d = setup_inputs()
    print(jax.jit(kernel)(*tuple(_d.values())))

</pallas_src>

<mosaic_0001>
#map = affine_map<(d0, d1) -> (0, 0)>
#map1 = affine_map<(d0, d1) -> (0)>
#map2 = affine_map<(d0, d1) -> (0, 0, 0)>
module attributes {stable_mosaic.version = 14 : i64} {
  func.func @_sc_body(%arg0: i32, %arg1: i32, %arg2: memref<120000x128xf32, #tpu.memory_space<hbm>>, %arg3: memref<320000xi32, #tpu.memory_space<hbm>>, %arg4: memref<320000xi32, #tpu.memory_space<hbm>>, %arg5: memref<320000xf32, #tpu.memory_space<hbm>>, %arg6: memref<10000x8xf32, #tpu.memory_space<hbm>>, %arg7: memref<10000x12x128xf32, #tpu.memory_space<hbm>>, %arg8: memref<3840000x8xf32, #tpu.memory_space<hbm>>, %arg9: memref<1280xi32, #tpu.memory_space<vmem>>, %arg10: memref<1280xi32, #tpu.memory_space<vmem>>, %arg11: memref<1280xi32, #tpu.memory_space<vmem>>, %arg12: memref<1280xi32, #tpu.memory_space<vmem>>, %arg13: memref<1280xf32, #tpu.memory_space<vmem>>, %arg14: memref<1280xf32, #tpu.memory_space<vmem>>, %arg15: memref<20x128xi32, #tpu.memory_space<vmem>>, %arg16: memref<1280x8xf32, #tpu.memory_space<vmem>>, %arg17: memref<1280x8xf32, #tpu.memory_space<vmem>>, %arg18: memref<10000x8xf32, #tpu.memory_space<vmem>>, %arg19: memref<!tpu.dma_semaphore, #tpu.memory_space<semaphore_mem>>, %arg20: memref<!tpu.dma_semaphore, #tpu.memory_space<semaphore_mem>>, %arg21: memref<!tpu.dma_semaphore, #tpu.memory_space<semaphore_mem>>, %arg22: memref<!tpu.dma_semaphore, #tpu.memory_space<semaphore_mem>>) attributes {dimension_semantics = [#tpu.dimension_semantics<core_parallel>, #tpu.dimension_semantics<subcore_parallel>], iteration_bounds = array<i64: 2, 16>, scalar_prefetch = 0 : i64, scratch_operands = 14 : i64, tpu.core_type = #tpu.core_type<sc_vector_subcore>, window_params = [{transform_indices = #map}, {transform_indices = #map1}, {transform_indices = #map1}, {transform_indices = #map1}, {transform_indices = #map}, {transform_indices = #map2}, {transform_indices = #map}]} {
    %iota3A = tpu.iota {dimensions = array<i32: 0>} : vector<16xi32>
    %mul3A = arith.constant 16 : i32
    %mul3A_0 = arith.muli %arg0, %mul3A : i32
    %add3A = arith.addi %mul3A_0, %arg1 : i32
    %mul3A_1 = arith.constant 120000 : i32
    %mul3A_2 = arith.muli %add3A, %mul3A_1 : i32
    %mul3A_3 = arith.constant 8 : i32
    %mul3A_4 = arith.muli %arg1, %mul3A_3 : i32
    %dma_start3A = arith.constant 0 : i32
    %dma_start3A_5 = arith.constant 0 : i32
    %dma_start3A_6 = tpu.memref_slice %arg16[%dma_start3A, %dma_start3A_5] : memref<1280x8xf32, #tpu.memory_space<vmem>> -> memref<1250x8xf32, #tpu.memory_space<vmem>>
    %dma_start3A_7 = arith.constant 0 : i32
    %dma_start3A_8 = tpu.memref_slice %arg2[%dma_start3A_7, %mul3A_4] : memref<120000x128xf32, #tpu.memory_space<hbm>> -> memref<1250x8xf32, #tpu.memory_space<hbm>>
    %dma_start3A_9 = arith.constant 0 : i32
    %dma_start3A_10 = arith.constant 0 : i32
    %dma_start3A_11 = tpu.memref_slice %arg16[%dma_start3A_9, %dma_start3A_10] : memref<1280x8xf32, #tpu.memory_space<vmem>> -> memref<1250x8xf32, #tpu.memory_space<vmem>>
    %dma_start3A_12 = arith.constant 0 : i32
    %dma_start3A_13 = tpu.memref_slice %arg2[%dma_start3A_12, %mul3A_4] : memref<120000x128xf32, #tpu.memory_space<hbm>> -> memref<1250x8xf32, #tpu.memory_space<hbm>>
    tpu.enqueue_dma source(%dma_start3A_13 : memref<1250x8xf32, #tpu.memory_space<hbm>>) target(%dma_start3A_11 : memref<1250x8xf32, #tpu.memory_space<vmem>>) target_semaphore(%arg19 : memref<!tpu.dma_semaphore, #tpu.memory_space<semaphore_mem>>)
    %scan3A = arith.constant 0 : i32
    %scan3A_14 = arith.constant 48 : i32
    %scan3A_15 = arith.addi %scan3A, %scan3A_14 : i32
    %scan3A_16 = arith.constant 1 : i32
    scf.for %scan3A_23 = %scan3A to %scan3A_15 step %scan3A_16  : i32 {
      %mul3A_24 = arith.constant 2 : i32
      %mul3A_25 = arith.muli %scan3A_23, %mul3A_24 : i32
      %add3A_26 = arith.constant 0 : i32
      %add3A_27 = arith.addi %add3A_26, %mul3A_25 : i32
      %add3A_28 = arith.constant 0 : i32
      %add3A_29 = arith.addi %add3A_27, %add3A_28 : i32
      %mul3A_30 = arith.constant 1250 : i32
      %mul3A_31 = arith.muli %add3A_29, %mul3A_30 : i32
      %mul3A_32 = arith.constant 8 : i32
      %mul3A_33 = arith.muli %arg1, %mul3A_32 : i32
      %dma_wait3A = arith.constant 0 : i32
      %dma_wait3A_34 = arith.constant 0 : i32
      %dma_wait3A_35 = tpu.memref_slice %arg16[%dma_wait3A, %dma_wait3A_34] : memref<1280x8xf32, #tpu.memory_space<vmem>> -> memref<1250x8xf32, #tpu.memory_space<vmem>>
      %dma_wait3A_36 = tpu.memref_slice %arg2[%mul3A_31, %mul3A_33] : memref<120000x128xf32, #tpu.memory_space<hbm>> -> memref<1250x8xf32, #tpu.memory_space<hbm>>
      %dma_wait3A_37 = arith.constant 0 : i32
      %dma_wait3A_38 = arith.constant 0 : i32
      %dma_wait3A_39 = tpu.memref_slice %arg16[%dma_wait3A_37, %dma_wait3A_38] : memref<1280x8xf32, #tpu.memory_space<vmem>> -> memref<1250x8xf32, #tpu.memory_space<vmem>>
      %dma_wait3A_40 = tpu.memref_slice %arg2[%mul3A_31, %mul3A_33] : memref<120000x128xf32, #tpu.memory_space<hbm>> -> memref<1250x8xf32, #tpu.memory_space<hbm>>
      tpu.wait_dma2 semaphore(%arg19 : memref<!tpu.dma_semaphore, #tpu.memory_space<semaphore_mem>>) src(%dma_wait3A_40 : memref<1250x8xf32, #tpu.memory_space<hbm>>) dst(%dma_wait3A_39 : memref<1250x8xf32, #tpu.memory_space<vmem>>)
      %add3A_41 = arith.constant 1 : i32
      %add3A_42 = arith.addi %add3A_29, %add3A_41 : i32
      %lt3A = arith.constant 96 : i32
      %lt3A_43 = arith.cmpi slt, %add3A_42, %lt3A : i32
      %convert_element_type3A = arith.extui %lt3A_43 : i1 to i32
      %cond3A = arith.constant 0 : i32
      %cond3A_44 = arith.cmpi ne, %convert_element_type3A, %cond3A : i32
      scf.if %cond3A_44 {
        %add3A_72 = arith.constant 1 : i32
        %add3A_73 = arith.addi %add3A_29, %add3A_72 : i32
        %mul3A_74 = arith.constant 1250 : i32
        %mul3A_75 = arith.muli %add3A_73, %mul3A_74 : i32
        %mul3A_76 = arith.constant 8 : i32
        %mul3A_77 = arith.muli %arg1, %mul3A_76 : i32
        %dma_start3A_78 = arith.constant 0 : i32
        %dma_start3A_79 = arith.constant 0 : i32
        %dma_start3A_80 = tpu.memref_slice %arg17[%dma_start3A_78, %dma_start3A_79] : memref<1280x8xf32, #tpu.memory_space<vmem>> -> memref<1250x8xf32, #tpu.memory_space<vmem>>
        %dma_start3A_81 = tpu.memref_slice %arg2[%mul3A_75, %mul3A_77] : memref<120000x128xf32, #tpu.memory_space<hbm>> -> memref<1250x8xf32, #tpu.memory_space<hbm>>
        %dma_start3A_82 = arith.constant 0 : i32
        %dma_start3A_83 = arith.constant 0 : i32
        %dma_start3A_84 = tpu.memref_slice %arg17[%dma_start3A_82, %dma_start3A_83] : memref<1280x8xf32, #tpu.memory_space<vmem>> -> memref<1250x8xf32, #tpu.memory_space<vmem>>
        %dma_start3A_85 = tpu.memref_slice %arg2[%mul3A_75, %mul3A_77] : memref<120000x128xf32, #tpu.memory_space<hbm>> -> memref<1250x8xf32, #tpu.memory_space<hbm>>
        tpu.enqueue_dma source(%dma_start3A_85 : memref<1250x8xf32, #tpu.memory_space<hbm>>) target(%dma_start3A_84 : memref<1250x8xf32, #tpu.memory_space<vmem>>) target_semaphore(%arg20 : memref<!tpu.dma_semaphore, #tpu.memory_space<semaphore_mem>>)
      } else {
      }
      %mul3A_45 = arith.constant 1250 : i32
      %mul3A_46 = arith.muli %add3A_29, %mul3A_45 : i32
      %add3A_47 = arith.addi %mul3A_2, %mul3A_46 : i32
      "tpu.region"() ({
        %run_scoped3A = tpu.sem_alloc : memref<!tpu.dma_semaphore, #tpu.memory_space<semaphore_mem>>
        %dma_start3A_72 = arith.constant 0 : i32
        %dma_start3A_73 = arith.constant 0 : i32
        %dma_start3A_74 = tpu.memref_slice %arg16[%dma_start3A_72, %dma_start3A_73] : memref<1280x8xf32, #tpu.memory_space<vmem>> -> memref<1250x8xf32, #tpu.memory_space<vmem>>
        %dma_start3A_75 = arith.constant 0 : i32
        %dma_start3A_76 = tpu.memref_slice %arg8[%add3A_47, %dma_start3A_75] : memref<3840000x8xf32, #tpu.memory_space<hbm>> -> memref<1250x8xf32, #tpu.memory_space<hbm>>
        %dma_start3A_77 = arith.constant 0 : i32
        %dma_start3A_78 = tpu.memref_slice %arg8[%add3A_47, %dma_start3A_77] : memref<3840000x8xf32, #tpu.memory_space<hbm>> -> memref<1250x8xf32, #tpu.memory_space<hbm>>
        %dma_start3A_79 = arith.constant 0 : i32
        %dma_start3A_80 = arith.constant 0 : i32
        %dma_start3A_81 = tpu.memref_slice %arg16[%dma_start3A_79, %dma_start3A_80] : memref<1280x8xf32, #tpu.memory_space<vmem>> -> memref<1250x8xf32, #tpu.memory_space<vmem>>
        tpu.enqueue_dma source(%dma_start3A_81 : memref<1250x8xf32, #tpu.memory_space<vmem>>) target(%dma_start3A_78 : memref<1250x8xf32, #tpu.memory_space<hbm>>) target_semaphore(%run_scoped3A : memref<!tpu.dma_semaphore, #tpu.memory_space<semaphore_mem>>)
        %dma_wait3A_82 = arith.constant 0 : i32
        %dma_wait3A_83 = arith.constant 0 : i32
        %dma_wait3A_84 = tpu.memref_slice %arg16[%dma_wait3A_82, %dma_wait3A_83] : memref<1280x8xf32, #tpu.memory_space<vmem>> -> memref<1250x8xf32, #tpu.memory_space<vmem>>
        %dma_wait3A_85 = arith.constant 0 : i32
        %dma_wait3A_86 = tpu.memref_slice %arg8[%add3A_47, %dma_wait3A_85] : memref<3840000x8xf32, #tpu.memory_space<hbm>> -> memref<1250x8xf32, #tpu.memory_space<hbm>>
        %dma_wait3A_87 = arith.constant 0 : i32
        %dma_wait3A_88 = tpu.memref_slice %arg8[%add3A_47, %dma_wait3A_87] : memref<3840000x8xf32, #tpu.memory_space<hbm>> -> memref<1250x8xf32, #tpu.memory_space<hbm>>
        %dma_wait3A_89 = arith.constant 0 : i32
        %dma_wait3A_90 = arith.constant 0 : i32
        %dma_wait3A_91 = tpu.memref_slice %arg16[%dma_wait3A_89, %dma_wait3A_90] : memref<1280x8xf32, #tpu.memory_space<vmem>> -> memref<1250x8xf32, #tpu.memory_space<vmem>>
        tpu.wait_dma2 semaphore(%run_scoped3A : memref<!tpu.dma_semaphore, #tpu.memory_space<semaphore_mem>>) src(%dma_wait3A_91 : memref<1250x8xf32, #tpu.memory_space<vmem>>) dst(%dma_wait3A_88 : memref<1250x8xf32, #tpu.memory_space<hbm>>)
        tpu.yield
      }) : () -> ()
      %add3A_48 = arith.constant 1 : i32
      %add3A_49 = arith.addi %add3A_27, %add3A_48 : i32
      %mul3A_50 = arith.constant 1250 : i32
      %mul3A_51 = arith.muli %add3A_49, %mul3A_50 : i32
      %mul3A_52 = arith.constant 8 : i32
      %mul3A_53 = arith.muli %arg1, %mul3A_52 : i32
      %dma_wait3A_54 = arith.constant 0 : i32
      %dma_wait3A_55 = arith.constant 0 : i32
      %dma_wait3A_56 = tpu.memref_slice %arg17[%dma_wait3A_54, %dma_wait3A_55] : memref<1280x8xf32, #tpu.memory_space<vmem>> -> memref<1250x8xf32, #tpu.memory_space<vmem>>
      %dma_wait3A_57 = tpu.memref_slice %arg2[%mul3A_51, %mul3A_53] : memref<120000x128xf32, #tpu.memory_space<hbm>> -> memref<1250x8xf32, #tpu.memory_space<hbm>>
      %dma_wait3A_58 = arith.constant 0 : i32
      %dma_wait3A_59 = arith.constant 0 : i32
      %dma_wait3A_60 = tpu.memref_slice %arg17[%dma_wait3A_58, %dma_wait3A_59] : memref<1280x8xf32, #tpu.memory_space<vmem>> -> memref<1250x8xf32, #tpu.memory_space<vmem>>
      %dma_wait3A_61 = tpu.memref_slice %arg2[%mul3A_51, %mul3A_53] : memref<120000x128xf32, #tpu.memory_space<hbm>> -> memref<1250x8xf32, #tpu.memory_space<hbm>>
      tpu.wait_dma2 semaphore(%arg20 : memref<!tpu.dma_semaphore, #tpu.memory_space<semaphore_mem>>) src(%dma_wait3A_61 : memref<1250x8xf32, #tpu.memory_space<hbm>>) dst(%dma_wait3A_60 : memref<1250x8xf32, #tpu.memory_space<vmem>>)
      %add3A_62 = arith.constant 1 : i32
      %add3A_63 = arith.addi %add3A_49, %add3A_62 : i32
      %lt3A_64 = arith.constant 96 : i32
      %lt3A_65 = arith.cmpi slt, %add3A_63, %lt3A_64 : i32
      %convert_element_type3A_66 = arith.extui %lt3A_65 : i1 to i32
      %cond3A_67 = arith.constant 0 : i32
      %cond3A_68 = arith.cmpi ne, %convert_element_type3A_66, %cond3A_67 : i32
      scf.if %cond3A_68 {
        %add3A_72 = arith.constant 1 : i32
        %add3A_73 = arith.addi %add3A_49, %add3A_72 : i32
        %mul3A_74 = arith.constant 1250 : i32
        %mul3A_75 = arith.muli %add3A_73, %mul3A_74 : i32
        %mul3A_76 = arith.constant 8 : i32
        %mul3A_77 = arith.muli %arg1, %mul3A_76 : i32
        %dma_start3A_78 = arith.constant 0 : i32
        %dma_start3A_79 = arith.constant 0 : i32
        %dma_start3A_80 = tpu.memref_slice %arg16[%dma_start3A_78, %dma_start3A_79] : memref<1280x8xf32, #tpu.memory_space<vmem>> -> memref<1250x8xf32, #tpu.memory_space<vmem>>
        %dma_start3A_81 = tpu.memref_slice %arg2[%mul3A_75, %mul3A_77] : memref<120000x128xf32, #tpu.memory_space<hbm>> -> memref<1250x8xf32, #tpu.memory_space<hbm>>
        %dma_start3A_82 = arith.constant 0 : i32
        %dma_start3A_83 = arith.constant 0 : i32
        %dma_start3A_84 = tpu.memref_slice %arg16[%dma_start3A_82, %dma_start3A_83] : memref<1280x8xf32, #tpu.memory_space<vmem>> -> memref<1250x8xf32, #tpu.memory_space<vmem>>
        %dma_start3A_85 = tpu.memref_slice %arg2[%mul3A_75, %mul3A_77] : memref<120000x128xf32, #tpu.memory_space<hbm>> -> memref<1250x8xf32, #tpu.memory_space<hbm>>
        tpu.enqueue_dma source(%dma_start3A_85 : memref<1250x8xf32, #tpu.memory_space<hbm>>) target(%dma_start3A_84 : memref<1250x8xf32, #tpu.memory_space<vmem>>) target_semaphore(%arg19 : memref<!tpu.dma_semaphore, #tpu.memory_space<semaphore_mem>>)
      } else {
      }
      %mul3A_69 = arith.constant 1250 : i32
      %mul3A_70 = arith.muli %add3A_49, %mul3A_69 : i32
      %add3A_71 = arith.addi %mul3A_2, %mul3A_70 : i32
      "tpu.region"() ({
        %run_scoped3A = tpu.sem_alloc : memref<!tpu.dma_semaphore, #tpu.memory_space<semaphore_mem>>
        %dma_start3A_72 = arith.constant 0 : i32
        %dma_start3A_73 = arith.constant 0 : i32
        %dma_start3A_74 = tpu.memref_slice %arg17[%dma_start3A_72, %dma_start3A_73] : memref<1280x8xf32, #tpu.memory_space<vmem>> -> memref<1250x8xf32, #tpu.memory_space<vmem>>
        %dma_start3A_75 = arith.constant 0 : i32
        %dma_start3A_76 = tpu.memref_slice %arg8[%add3A_71, %dma_start3A_75] : memref<3840000x8xf32, #tpu.memory_space<hbm>> -> memref<1250x8xf32, #tpu.memory_space<hbm>>
        %dma_start3A_77 = arith.constant 0 : i32
        %dma_start3A_78 = tpu.memref_slice %arg8[%add3A_71, %dma_start3A_77] : memref<3840000x8xf32, #tpu.memory_space<hbm>> -> memref<1250x8xf32, #tpu.memory_space<hbm>>
        %dma_start3A_79 = arith.constant 0 : i32
        %dma_start3A_80 = arith.constant 0 : i32
        %dma_start3A_81 = tpu.memref_slice %arg17[%dma_start3A_79, %dma_start3A_80] : memref<1280x8xf32, #tpu.memory_space<vmem>> -> memref<1250x8xf32, #tpu.memory_space<vmem>>
        tpu.enqueue_dma source(%dma_start3A_81 : memref<1250x8xf32, #tpu.memory_space<vmem>>) target(%dma_start3A_78 : memref<1250x8xf32, #tpu.memory_space<hbm>>) target_semaphore(%run_scoped3A : memref<!tpu.dma_semaphore, #tpu.memory_space<semaphore_mem>>)
        %dma_wait3A_82 = arith.constant 0 : i32
        %dma_wait3A_83 = arith.constant 0 : i32
        %dma_wait3A_84 = tpu.memref_slice %arg17[%dma_wait3A_82, %dma_wait3A_83] : memref<1280x8xf32, #tpu.memory_space<vmem>> -> memref<1250x8xf32, #tpu.memory_space<vmem>>
        %dma_wait3A_85 = arith.constant 0 : i32
        %dma_wait3A_86 = tpu.memref_slice %arg8[%add3A_71, %dma_wait3A_85] : memref<3840000x8xf32, #tpu.memory_space<hbm>> -> memref<1250x8xf32, #tpu.memory_space<hbm>>
        %dma_wait3A_87 = arith.constant 0 : i32
        %dma_wait3A_88 = tpu.memref_slice %arg8[%add3A_71, %dma_wait3A_87] : memref<3840000x8xf32, #tpu.memory_space<hbm>> -> memref<1250x8xf32, #tpu.memory_space<hbm>>
        %dma_wait3A_89 = arith.constant 0 : i32
        %dma_wait3A_90 = arith.constant 0 : i32
        %dma_wait3A_91 = tpu.memref_slice %arg17[%dma_wait3A_89, %dma_wait3A_90] : memref<1280x8xf32, #tpu.memory_space<vmem>> -> memref<1250x8xf32, #tpu.memory_space<vmem>>
        tpu.wait_dma2 semaphore(%run_scoped3A : memref<!tpu.dma_semaphore, #tpu.memory_space<semaphore_mem>>) src(%dma_wait3A_91 : memref<1250x8xf32, #tpu.memory_space<vmem>>) dst(%dma_wait3A_88 : memref<1250x8xf32, #tpu.memory_space<hbm>>)
        tpu.yield
      }) : () -> ()
    }
    %scan3A_17 = arith.constant 48 : i32
    %scan3A_18 = arith.constant 0 : i32
    %scan3A_19 = arith.constant 6 : i32
    %scan3A_20 = arith.addi %scan3A_18, %scan3A_19 : i32
    %scan3A_21 = arith.constant 1 : i32
    scf.for %scan3A_23 = %scan3A_18 to %scan3A_20 step %scan3A_21  : i32 {
      %mul3A_24 = arith.constant 1 : i32
      %mul3A_25 = arith.muli %scan3A_23, %mul3A_24 : i32
      %add3A_26 = arith.constant 0 : i32
      %add3A_27 = arith.addi %add3A_26, %mul3A_25 : i32
      %mul3A_28 = arith.constant 6 : i32
      %mul3A_29 = arith.muli %arg0, %mul3A_28 : i32
      %add3A_30 = arith.addi %mul3A_29, %add3A_27 : i32
      "tpu.region"() ({
        %run_scoped3A = tpu.sem_alloc : memref<!tpu.dma_semaphore, #tpu.memory_space<semaphore_mem>>
        tpu.enqueue_dma source(%arg6 : memref<10000x8xf32, #tpu.memory_space<hbm>>) target(%arg18 : memref<10000x8xf32, #tpu.memory_space<vmem>>) target_semaphore(%run_scoped3A : memref<!tpu.dma_semaphore, #tpu.memory_space<semaphore_mem>>)
        tpu.wait_dma2 semaphore(%run_scoped3A : memref<!tpu.dma_semaphore, #tpu.memory_space<semaphore_mem>>) src(%arg6 : memref<10000x8xf32, #tpu.memory_space<hbm>>) dst(%arg18 : memref<10000x8xf32, #tpu.memory_space<vmem>>)
        tpu.yield
      }) : () -> ()
      %dma_start3A_31 = arith.constant 0 : i32
      %dma_start3A_32 = tpu.memref_slice %arg3[%dma_start3A_31] : memref<320000xi32, #tpu.memory_space<hbm>> -> memref<1280xi32, #tpu.memory_space<hbm>>
      %dma_start3A_33 = arith.constant 0 : i32
      %dma_start3A_34 = tpu.memref_slice %arg3[%dma_start3A_33] : memref<320000xi32, #tpu.memory_space<hbm>> -> memref<1280xi32, #tpu.memory_space<hbm>>
      tpu.enqueue_dma source(%dma_start3A_34 : memref<1280xi32, #tpu.memory_space<hbm>>) target(%arg9 : memref<1280xi32, #tpu.memory_space<vmem>>) target_semaphore(%arg19 : memref<!tpu.dma_semaphore, #tpu.memory_space<semaphore_mem>>)
      %dma_start3A_35 = arith.constant 0 : i32
      %dma_start3A_36 = tpu.memref_slice %arg4[%dma_start3A_35] : memref<320000xi32, #tpu.memory_space<hbm>> -> memref<1280xi32, #tpu.memory_space<hbm>>
      %dma_start3A_37 = arith.constant 0 : i32
      %dma_start3A_38 = tpu.memref_slice %arg4[%dma_start3A_37] : memref<320000xi32, #tpu.memory_space<hbm>> -> memref<1280xi32, #tpu.memory_space<hbm>>
      tpu.enqueue_dma source(%dma_start3A_38 : memref<1280xi32, #tpu.memory_space<hbm>>) target(%arg11 : memref<1280xi32, #tpu.memory_space<vmem>>) target_semaphore(%arg19 : memref<!tpu.dma_semaphore, #tpu.memory_space<semaphore_mem>>)
      %dma_start3A_39 = arith.constant 0 : i32
      %dma_start3A_40 = tpu.memref_slice %arg5[%dma_start3A_39] : memref<320000xf32, #tpu.memory_space<hbm>> -> memref<1280xf32, #tpu.memory_space<hbm>>
      %dma_start3A_41 = arith.constant 0 : i32
      %dma_start3A_42 = tpu.memref_slice %arg5[%dma_start3A_41] : memref<320000xf32, #tpu.memory_space<hbm>> -> memref<1280xf32, #tpu.memory_space<hbm>>
      tpu.enqueue_dma source(%dma_start3A_42 : memref<1280xf32, #tpu.memory_space<hbm>>) target(%arg13 : memref<1280xf32, #tpu.memory_space<vmem>>) target_semaphore(%arg19 : memref<!tpu.dma_semaphore, #tpu.memory_space<semaphore_mem>>)
      %dma_wait3A = arith.constant 0 : i32
      %dma_wait3A_43 = tpu.memref_slice %arg3[%dma_wait3A] : memref<320000xi32, #tpu.memory_space<hbm>> -> memref<1280xi32, #tpu.memory_space<hbm>>
      %dma_wait3A_44 = arith.constant 0 : i32
      %dma_wait3A_45 = tpu.memref_slice %arg3[%dma_wait3A_44] : memref<320000xi32, #tpu.memory_space<hbm>> -> memref<1280xi32, #tpu.memory_space<hbm>>
      tpu.wait_dma2 semaphore(%arg19 : memref<!tpu.dma_semaphore, #tpu.memory_space<semaphore_mem>>) src(%dma_wait3A_45 : memref<1280xi32, #tpu.memory_space<hbm>>) dst(%arg9 : memref<1280xi32, #tpu.memory_space<vmem>>)
      %dma_wait3A_46 = arith.constant 0 : i32
      %dma_wait3A_47 = tpu.memref_slice %arg4[%dma_wait3A_46] : memref<320000xi32, #tpu.memory_space<hbm>> -> memref<1280xi32, #tpu.memory_space<hbm>>
      %dma_wait3A_48 = arith.constant 0 : i32
      %dma_wait3A_49 = tpu.memref_slice %arg4[%dma_wait3A_48] : memref<320000xi32, #tpu.memory_space<hbm>> -> memref<1280xi32, #tpu.memory_space<hbm>>
      tpu.wait_dma2 semaphore(%arg19 : memref<!tpu.dma_semaphore, #tpu.memory_space<semaphore_mem>>) src(%dma_wait3A_49 : memref<1280xi32, #tpu.memory_space<hbm>>) dst(%arg11 : memref<1280xi32, #tpu.memory_space<vmem>>)
      %dma_wait3A_50 = arith.constant 0 : i32
      %dma_wait3A_51 = tpu.memref_slice %arg5[%dma_wait3A_50] : memref<320000xf32, #tpu.memory_space<hbm>> -> memref<1280xf32, #tpu.memory_space<hbm>>
      %dma_wait3A_52 = arith.constant 0 : i32
      %dma_wait3A_53 = tpu.memref_slice %arg5[%dma_wait3A_52] : memref<320000xf32, #tpu.memory_space<hbm>> -> memref<1280xf32, #tpu.memory_space<hbm>>
      tpu.wait_dma2 semaphore(%arg19 : memref<!tpu.dma_semaphore, #tpu.memory_space<semaphore_mem>>) src(%dma_wait3A_53 : memref<1280xf32, #tpu.memory_space<hbm>>) dst(%arg13 : memref<1280xf32, #tpu.memory_space<vmem>>)
      %add3A_54 = arith.addi %mul3A_2, %add3A_30 : i32
      %parallel_loop3A = arith.constant 0 : i32
      %parallel_loop3A_55 = arith.constant 10 : i32
      %parallel_loop3A_56 = arith.constant 1 : i32
      scf.for %parallel_loop3A_176 = %parallel_loop3A to %parallel_loop3A_55 step %parallel_loop3A_56  : i32 {
        %parallel_loop3A_177 = arith.constant 128 : i32
        %parallel_loop3A_178 = arith.muli %parallel_loop3A_176, %parallel_loop3A_177 : i32
        %parallel_loop3A_179 = arith.constant 0 : i32
        %parallel_loop3A_180 = arith.addi %parallel_loop3A_178, %parallel_loop3A_179 : i32
        %parallel_loop3A_181 = arith.index_cast %parallel_loop3A_180 : i32 to index
        %parallel_loop3A_182 = tpu.vector_load %arg9[%parallel_loop3A_181] {strides = array<i32>} : memref<1280xi32, #tpu.memory_space<vmem>>, vector<16xi32>,
        %parallel_loop3A_183 = vector.broadcast %add3A_54 : i32 to vector<16xi32>
        %parallel_loop3A_184 = arith.addi %parallel_loop3A_182, %parallel_loop3A_183 : vector<16xi32>
        %parallel_loop3A_185 = arith.constant 0 : i32
        %parallel_loop3A_186 = arith.addi %parallel_loop3A_185, %parallel_loop3A_176 : i32
        %parallel_loop3A_187 = arith.index_cast %parallel_loop3A_186 : i32 to index
        %parallel_loop3A_188 = arith.constant 0 : index
        %parallel_loop3A_189 = tpu.vector_load %arg15[%parallel_loop3A_187, %parallel_loop3A_188] {strides = array<i32>} : memref<20x128xi32, #tpu.memory_space<vmem>>, vector<16xi32>,
        tpu.vector_store %arg15[%parallel_loop3A_187, %parallel_loop3A_188], %parallel_loop3A_184 {strides = array<i32>} : memref<20x128xi32, #tpu.memory_space<vmem>>, vector<16xi32>,
        %parallel_loop3A_190 = arith.constant 128 : i32
        %parallel_loop3A_191 = arith.muli %parallel_loop3A_176, %parallel_loop3A_190 : i32
        %parallel_loop3A_192 = arith.constant 16 : i32
        %parallel_loop3A_193 = arith.addi %parallel_loop3A_191, %parallel_loop3A_192 : i32
        %parallel_loop3A_194 = arith.index_cast %parallel_loop3A_193 : i32 to index
        %parallel_loop3A_195 = tpu.vector_load %arg9[%parallel_loop3A_194] {strides = array<i32>} : memref<1280xi32, #tpu.memory_space<vmem>>, vector<16xi32>,
        %parallel_loop3A_196 = vector.broadcast %add3A_54 : i32 to vector<16xi32>
        %parallel_loop3A_197 = arith.addi %parallel_loop3A_195, %parallel_loop3A_196 : vector<16xi32>
        %parallel_loop3A_198 = arith.constant 0 : i32
        %parallel_loop3A_199 = arith.addi %parallel_loop3A_198, %parallel_loop3A_176 : i32
        %parallel_loop3A_200 = arith.index_cast %parallel_loop3A_199 : i32 to index
        %parallel_loop3A_201 = arith.constant 16 : index
        %parallel_loop3A_202 = tpu.vector_load %arg15[%parallel_loop3A_200, %parallel_loop3A_201] {strides = array<i32>} : memref<20x128xi32, #tpu.memory_space<vmem>>, vector<16xi32>,
        tpu.vector_store %arg15[%parallel_loop3A_200, %parallel_loop3A_201], %parallel_loop3A_197 {strides = array<i32>} : memref<20x128xi32, #tpu.memory_space<vmem>>, vector<16xi32>,
        %parallel_loop3A_203 = arith.constant 128 : i32
        %parallel_loop3A_204 = arith.muli %parallel_loop3A_176, %parallel_loop3A_203 : i32
        %parallel_loop3A_205 = arith.constant 32 : i32
        %parallel_loop3A_206 = arith.addi %parallel_loop3A_204, %parallel_loop3A_205 : i32
        %parallel_loop3A_207 = arith.index_cast %parallel_loop3A_206 : i32 to index
        %parallel_loop3A_208 = tpu.vector_load %arg9[%parallel_loop3A_207] {strides = array<i32>} : memref<1280xi32, #tpu.memory_space<vmem>>, vector<16xi32>,
        %parallel_loop3A_209 = vector.broadcast %add3A_54 : i32 to vector<16xi32>
        %parallel_loop3A_210 = arith.addi %parallel_loop3A_208, %parallel_loop3A_209 : vector<16xi32>
        %parallel_loop3A_211 = arith.constant 0 : i32
        %parallel_loop3A_212 = arith.addi %parallel_loop3A_211, %parallel_loop3A_176 : i32
        %parallel_loop3A_213 = arith.index_cast %parallel_loop3A_212 : i32 to index
        %parallel_loop3A_214 = arith.constant 32 : index
        %parallel_loop3A_215 = tpu.vector_load %arg15[%parallel_loop3A_213, %parallel_loop3A_214] {strides = array<i32>} : memref<20x128xi32, #tpu.memory_space<vmem>>, vector<16xi32>,
        tpu.vector_store %arg15[%parallel_loop3A_213, %parallel_loop3A_214], %parallel_loop3A_210 {strides = array<i32>} : memref<20x128xi32, #tpu.memory_space<vmem>>, vector<16xi32>,
        %parallel_loop3A_216 = arith.constant 128 : i32
        %parallel_loop3A_217 = arith.muli %parallel_loop3A_176, %parallel_loop3A_216 : i32
        %parallel_loop3A_218 = arith.constant 48 : i32
        %parallel_loop3A_219 = arith.addi %parallel_loop3A_217, %parallel_loop3A_218 : i32
        %parallel_loop3A_220 = arith.index_cast %parallel_loop3A_219 : i32 to index
        %parallel_loop3A_221 = tpu.vector_load %arg9[%parallel_loop3A_220] {strides = array<i32>} : memref<1280xi32, #tpu.memory_space<vmem>>, vector<16xi32>,
        %parallel_loop3A_222 = vector.broadcast %add3A_54 : i32 to vector<16xi32>
        %parallel_loop3A_223 = arith.addi %parallel_loop3A_221, %parallel_loop3A_222 : vector<16xi32>
        %parallel_loop3A_224 = arith.constant 0 : i32
        %parallel_loop3A_225 = arith.addi %parallel_loop3A_224, %parallel_loop3A_176 : i32
        %parallel_loop3A_226 = arith.index_cast %parallel_loop3A_225 : i32 to index
        %parallel_loop3A_227 = arith.constant 48 : index
        %parallel_loop3A_228 = tpu.vector_load %arg15[%parallel_loop3A_226, %parallel_loop3A_227] {strides = array<i32>} : memref<20x128xi32, #tpu.memory_space<vmem>>, vector<16xi32>,
        tpu.vector_store %arg15[%parallel_loop3A_226, %parallel_loop3A_227], %parallel_loop3A_223 {strides = array<i32>} : memref<20x128xi32, #tpu.memory_space<vmem>>, vector<16xi32>,
        %parallel_loop3A_229 = arith.constant 128 : i32
        %parallel_loop3A_230 = arith.muli %parallel_loop3A_176, %parallel_loop3A_229 : i32
        %parallel_loop3A_231 = arith.constant 64 : i32
        %parallel_loop3A_232 = arith.addi %parallel_loop3A_230, %parallel_loop3A_231 : i32
        %parallel_loop3A_233 = arith.index_cast %parallel_loop3A_232 : i32 to index
        %parallel_loop3A_234 = tpu.vector_load %arg9[%parallel_loop3A_233] {strides = array<i32>} : memref<1280xi32, #tpu.memory_space<vmem>>, vector<16xi32>,
        %parallel_loop3A_235 = vector.broadcast %add3A_54 : i32 to vector<16xi32>
        %parallel_loop3A_236 = arith.addi %parallel_loop3A_234, %parallel_loop3A_235 : vector<16xi32>
        %parallel_loop3A_237 = arith.constant 0 : i32
        %parallel_loop3A_238 = arith.addi %parallel_loop3A_237, %parallel_loop3A_176 : i32
        %parallel_loop3A_239 = arith.index_cast %parallel_loop3A_238 : i32 to index
        %parallel_loop3A_240 = arith.constant 64 : index
        %parallel_loop3A_241 = tpu.vector_load %arg15[%parallel_loop3A_239, %parallel_loop3A_240] {strides = array<i32>} : memref<20x128xi32, #tpu.memory_space<vmem>>, vector<16xi32>,
        tpu.vector_store %arg15[%parallel_loop3A_239, %parallel_loop3A_240], %parallel_loop3A_236 {strides = array<i32>} : memref<20x128xi32, #tpu.memory_space<vmem>>, vector<16xi32>,
        %parallel_loop3A_242 = arith.constant 128 : i32
        %parallel_loop3A_243 = arith.muli %parallel_loop3A_176, %parallel_loop3A_242 : i32
        %parallel_loop3A_244 = arith.constant 80 : i32
        %parallel_loop3A_245 = arith.addi %parallel_loop3A_243, %parallel_loop3A_244 : i32
        %parallel_loop3A_246 = arith.index_cast %parallel_loop3A_245 : i32 to index
        %parallel_loop3A_247 = tpu.vector_load %arg9[%parallel_loop3A_246] {strides = array<i32>} : memref<1280xi32, #tpu.memory_space<vmem>>, vector<16xi32>,
        %parallel_loop3A_248 = vector.broadcast %add3A_54 : i32 to vector<16xi32>
        %parallel_loop3A_249 = arith.addi %parallel_loop3A_247, %parallel_loop3A_248 : vector<16xi32>
        %parallel_loop3A_250 = arith.constant 0 : i32
        %parallel_loop3A_251 = arith.addi %parallel_loop3A_250, %parallel_loop3A_176 : i32
        %parallel_loop3A_252 = arith.index_cast %parallel_loop3A_251 : i32 to index
        %parallel_loop3A_253 = arith.constant 80 : index
        %parallel_loop3A_254 = tpu.vector_load %arg15[%parallel_loop3A_252, %parallel_loop3A_253] {strides = array<i32>} : memref<20x128xi32, #tpu.memory_space<vmem>>, vector<16xi32>,
        tpu.vector_store %arg15[%parallel_loop3A_252, %parallel_loop3A_253], %parallel_loop3A_249 {strides = array<i32>} : memref<20x128xi32, #tpu.memory_space<vmem>>, vector<16xi32>,
        %parallel_loop3A_255 = arith.constant 128 : i32
        %parallel_loop3A_256 = arith.muli %parallel_loop3A_176, %parallel_loop3A_255 : i32
        %parallel_loop3A_257 = arith.constant 96 : i32
        %parallel_loop3A_258 = arith.addi %parallel_loop3A_256, %parallel_loop3A_257 : i32
        %parallel_loop3A_259 = arith.index_cast %parallel_loop3A_258 : i32 to index
        %parallel_loop3A_260 = tpu.vector_load %arg9[%parallel_loop3A_259] {strides = array<i32>} : memref<1280xi32, #tpu.memory_space<vmem>>, vector<16xi32>,
        %parallel_loop3A_261 = vector.broadcast %add3A_54 : i32 to vector<16xi32>
        %parallel_loop3A_262 = arith.addi %parallel_loop3A_260, %parallel_loop3A_261 : vector<16xi32>
        %parallel_loop3A_263 = arith.constant 0 : i32
        %parallel_loop3A_264 = arith.addi %parallel_loop3A_263, %parallel_loop3A_176 : i32
        %parallel_loop3A_265 = arith.index_cast %parallel_loop3A_264 : i32 to index
        %parallel_loop3A_266 = arith.constant 96 : index
        %parallel_loop3A_267 = tpu.vector_load %arg15[%parallel_loop3A_265, %parallel_loop3A_266] {strides = array<i32>} : memref<20x128xi32, #tpu.memory_space<vmem>>, vector<16xi32>,
        tpu.vector_store %arg15[%parallel_loop3A_265, %parallel_loop3A_266], %parallel_loop3A_262 {strides = array<i32>} : memref<20x128xi32, #tpu.memory_space<vmem>>, vector<16xi32>,
        %parallel_loop3A_268 = arith.constant 128 : i32
        %parallel_loop3A_269 = arith.muli %parallel_loop3A_176, %parallel_loop3A_268 : i32
        %parallel_loop3A_270 = arith.constant 112 : i32
        %parallel_loop3A_271 = arith.addi %parallel_loop3A_269, %parallel_loop3A_270 : i32
        %parallel_loop3A_272 = arith.index_cast %parallel_loop3A_271 : i32 to index
        %parallel_loop3A_273 = tpu.vector_load %arg9[%parallel_loop3A_272] {strides = array<i32>} : memref<1280xi32, #tpu.memory_space<vmem>>, vector<16xi32>,
        %parallel_loop3A_274 = vector.broadcast %add3A_54 : i32 to vector<16xi32>
        %parallel_loop3A_275 = arith.addi %parallel_loop3A_273, %parallel_loop3A_274 : vector<16xi32>
        %parallel_loop3A_276 = arith.constant 0 : i32
        %parallel_loop3A_277 = arith.addi %parallel_loop3A_276, %parallel_loop3A_176 : i32
        %parallel_loop3A_278 = arith.index_cast %parallel_loop3A_277 : i32 to index
        %parallel_loop3A_279 = arith.constant 112 : index
        %parallel_loop3A_280 = tpu.vector_load %arg15[%parallel_loop3A_278, %parallel_loop3A_279] {strides = array<i32>} : memref<20x128xi32, #tpu.memory_space<vmem>>, vector<16xi32>,
        tpu.vector_store %arg15[%parallel_loop3A_278, %parallel_loop3A_279], %parallel_loop3A_275 {strides = array<i32>} : memref<20x128xi32, #tpu.memory_space<vmem>>, vector<16xi32>,
      } {sc.loop_unroll_factor = 2 : i64, sc.parallel_access}
      %dma_start3A_57 = arith.constant 0 : i32
      %dma_start3A_58 = arith.constant 0 : i32
      %dma_start3A_59 = arith.constant 0 : i32
      %dma_start3A_60 = tpu.memref_slice %arg16[%dma_start3A_58, %dma_start3A_59] : memref<1280x8xf32, #tpu.memory_space<vmem>> -> memref<128x8xf32, #tpu.memory_space<vmem>>
      %dma_start3A_61 = arith.constant 0 : i32
      %dma_start3A_62 = tpu.memref_slice %arg15[%dma_start3A_57, %dma_start3A_61] : memref<20x128xi32, #tpu.memory_space<vmem>> -> memref<1x128xi32, #tpu.memory_space<vmem>>
      %dma_start3A_63 = tpu.memref_squeeze %dma_start3A_62 : memref<1x128xi32, #tpu.memory_space<vmem>> -> memref<128xi32, #tpu.memory_space<vmem>>
      %dma_start3A_64 = arith.constant 0 : i32
      %dma_start3A_65 = arith.constant 0 : i32
      %dma_start3A_66 = tpu.memref_slice %arg8[%dma_start3A_64, %dma_start3A_65] : memref<3840000x8xf32, #tpu.memory_space<hbm>> -> memref<3840000x8xf32, #tpu.memory_space<hbm>>
      tpu.enqueue_indirect_dma source(%dma_start3A_66 : memref<3840000x8xf32, #tpu.memory_space<hbm>>) target(%dma_start3A_60 : memref<128x8xf32, #tpu.memory_space<vmem>>) offsets(%dma_start3A_63 : memref<128xi32, #tpu.memory_space<vmem>>) semaphore(%arg21 : memref<!tpu.dma_semaphore, #tpu.memory_space<semaphore_mem>>)
      %dma_start3A_67 = arith.constant 1 : i32
      %dma_start3A_68 = arith.constant 128 : i32
      %dma_start3A_69 = arith.constant 0 : i32
      %dma_start3A_70 = tpu.memref_slice %arg16[%dma_start3A_68, %dma_start3A_69] : memref<1280x8xf32, #tpu.memory_space<vmem>> -> memref<128x8xf32, #tpu.memory_space<vmem>>
      %dma_start3A_71 = arith.constant 0 : i32
      %dma_start3A_72 = tpu.memref_slice %arg15[%dma_start3A_67, %dma_start3A_71] : memref<20x128xi32, #tpu.memory_space<vmem>> -> memref<1x128xi32, #tpu.memory_space<vmem>>
      %dma_start3A_73 = tpu.memref_squeeze %dma_start3A_72 : memref<1x128xi32, #tpu.memory_space<vmem>> -> memref<128xi32, #tpu.memory_space<vmem>>
      %dma_start3A_74 = arith.constant 0 : i32
      %dma_start3A_75 = arith.constant 0 : i32
      %dma_start3A_76 = tpu.memref_slice %arg8[%dma_start3A_74, %dma_start3A_75] : memref<3840000x8xf32, #tpu.memory_space<hbm>> -> memref<3840000x8xf32, #tpu.memory_space<hbm>>
      tpu.enqueue_indirect_dma source(%dma_start3A_76 : memref<3840000x8xf32, #tpu.memory_space<hbm>>) target(%dma_start3A_70 : memref<128x8xf32, #tpu.memory_space<vmem>>) offsets(%dma_start3A_73 : memref<128xi32, #tpu.memory_space<vmem>>) semaphore(%arg21 : memref<!tpu.dma_semaphore, #tpu.memory_space<semaphore_mem>>)
      %dma_start3A_77 = arith.constant 2 : i32
      %dma_start3A_78 = arith.constant 256 : i32
      %dma_start3A_79 = arith.constant 0 : i32
      %dma_start3A_80 = tpu.memref_slice %arg16[%dma_start3A_78, %dma_start3A_79] : memref<1280x8xf32, #tpu.memory_space<vmem>> -> memref<128x8xf32, #tpu.memory_space<vmem>>
      %dma_start3A_81 = arith.constant 0 : i32
      %dma_start3A_82 = tpu.memref_slice %arg15[%dma_start3A_77, %dma_start3A_81] : memref<20x128xi32, #tpu.memory_space<vmem>> -> memref<1x128xi32, #tpu.memory_space<vmem>>
      %dma_start3A_83 = tpu.memref_squeeze %dma_start3A_82 : memref<1x128xi32, #tpu.memory_space<vmem>> -> memref<128xi32, #tpu.memory_space<vmem>>
      %dma_start3A_84 = arith.constant 0 : i32
      %dma_start3A_85 = arith.constant 0 : i32
      %dma_start3A_86 = tpu.memref_slice %arg8[%dma_start3A_84, %dma_start3A_85] : memref<3840000x8xf32, #tpu.memory_space<hbm>> -> memref<3840000x8xf32, #tpu.memory_space<hbm>>
      tpu.enqueue_indirect_dma source(%dma_start3A_86 : memref<3840000x8xf32, #tpu.memory_space<hbm>>) target(%dma_start3A_80 : memref<128x8xf32, #tpu.memory_space<vmem>>) offsets(%dma_start3A_83 : memref<128xi32, #tpu.memory_space<vmem>>) semaphore(%arg21 : memref<!tpu.dma_semaphore, #tpu.memory_space<semaphore_mem>>)
      %dma_start3A_87 = arith.constant 3 : i32
      %dma_start3A_88 = arith.constant 384 : i32
      %dma_start3A_89 = arith.constant 0 : i32
      %dma_start3A_90 = tpu.memref_slice %arg16[%dma_start3A_88, %dma_start3A_89] : memref<1280x8xf32, #tpu.memory_space<vmem>> -> memref<128x8xf32, #tpu.memory_space<vmem>>
      %dma_start3A_91 = arith.constant 0 : i32
      %dma_start3A_92 = tpu.memref_slice %arg15[%dma_start3A_87, %dma_start3A_91] : memref<20x128xi32, #tpu.memory_space<vmem>> -> memref<1x128xi32, #tpu.memory_space<vmem>>
      %dma_start3A_93 = tpu.memref_squeeze %dma_start3A_92 : memref<1x128xi32, #tpu.memory_space<vmem>> -> memref<128xi32, #tpu.memory_space<vmem>>
      %dma_start3A_94 = arith.constant 0 : i32
      %dma_start3A_95 = arith.constant 0 : i32
      %dma_start3A_96 = tpu.memref_slice %arg8[%dma_start3A_94, %dma_start3A_95] : memref<3840000x8xf32, #tpu.memory_space<hbm>> -> memref<3840000x8xf32, #tpu.memory_space<hbm>>
      tpu.enqueue_indirect_dma source(%dma_start3A_96 : memref<3840000x8xf32, #tpu.memory_space<hbm>>) target(%dma_start3A_90 : memref<128x8xf32, #tpu.memory_space<vmem>>) offsets(%dma_start3A_93 : memref<128xi32, #tpu.memory_space<vmem>>) semaphore(%arg21 : memref<!tpu.dma_semaphore, #tpu.memory_space<semaphore_mem>>)
      %dma_start3A_97 = arith.constant 4 : i32
      %dma_start3A_98 = arith.constant 512 : i32
      %dma_start3A_99 = arith.constant 0 : i32
      %dma_start3A_100 = tpu.memref_slice %arg16[%dma_start3A_98, %dma_start3A_99] : memref<1280x8xf32, #tpu.memory_space<vmem>> -> memref<128x8xf32, #tpu.memory_space<vmem>>
      %dma_start3A_101 = arith.constant 0 : i32
      %dma_start3A_102 = tpu.memref_slice %arg15[%dma_start3A_97, %dma_start3A_101] : memref<20x128xi32, #tpu.memory_space<vmem>> -> memref<1x128xi32, #tpu.memory_space<vmem>>
      %dma_start3A_103 = tpu.memref_squeeze %dma_start3A_102 : memref<1x128xi32, #tpu.memory_space<vmem>> -> memref<128xi32, #tpu.memory_space<vmem>>
      %dma_start3A_104 = arith.constant 0 : i32
      %dma_start3A_105 = arith.constant 0 : i32
      %dma_start3A_106 = tpu.memref_slice %arg8[%dma_start3A_104, %dma_start3A_105] : memref<3840000x8xf32, #tpu.memory_space<hbm>> -> memref<3840000x8xf32, #tpu.memory_space<hbm>>
      tpu.enqueue_indirect_dma source(%dma_start3A_106 : memref<3840000x8xf32, #tpu.memory_space<hbm>>) target(%dma_start3A_100 : memref<128x8xf32, #tpu.memory_space<vmem>>) offsets(%dma_start3A_103 : memref<128xi32, #tpu.memory_space<vmem>>) semaphore(%arg21 : memref<!tpu.dma_semaphore, #tpu.memory_space<semaphore_mem>>)
      %dma_start3A_107 = arith.constant 5 : i32
      %dma_start3A_108 = arith.constant 640 : i32
      %dma_start3A_109 = arith.constant 0 : i32
      %dma_start3A_110 = tpu.memref_slice %arg16[%dma_start3A_108, %dma_start3A_109] : memref<1280x8xf32, #tpu.memory_space<vmem>> -> memref<128x8xf32, #tpu.memory_space<vmem>>
      %dma_start3A_111 = arith.constant 0 : i32
      %dma_start3A_112 = tpu.memref_slice %arg15[%dma_start3A_107, %dma_start3A_111] : memref<20x128xi32, #tpu.memory_space<vmem>> -> memref<1x128xi32, #tpu.memory_space<vmem>>
      %dma_start3A_113 = tpu.memref_squeeze %dma_start3A_112 : memref<1x128xi32, #tpu.memory_space<vmem>> -> memref<128xi32, #tpu.memory_space<vmem>>
      %dma_start3A_114 = arith.constant 0 : i32
      %dma_start3A_115 = arith.constant 0 : i32
      %dma_start3A_116 = tpu.memref_slice %arg8[%dma_start3A_114, %dma_start3A_115] : memref<3840000x8xf32, #tpu.memory_space<hbm>> -> memref<3840000x8xf32, #tpu.memory_space<hbm>>
      tpu.enqueue_indirect_dma source(%dma_start3A_116 : memref<3840000x8xf32, #tpu.memory_space<hbm>>) target(%dma_start3A_110 : memref<128x8xf32, #tpu.memory_space<vmem>>) offsets(%dma_start3A_113 : memref<128xi32, #tpu.memory_space<vmem>>) semaphore(%arg21 : memref<!tpu.dma_semaphore, #tpu.memory_space<semaphore_mem>>)
      %dma_start3A_117 = arith.constant 6 : i32
      %dma_start3A_118 = arith.constant 768 : i32
      %dma_start3A_119 = arith.constant 0 : i32
      %dma_start3A_120 = tpu.memref_slice %arg16[%dma_start3A_118, %dma_start3A_119] : memref<1280x8xf32, #tpu.memory_space<vmem>> -> memref<128x8xf32, #tpu.memory_space<vmem>>
      %dma_start3A_121 = arith.constant 0 : i32
      %dma_start3A_122 = tpu.memref_slice %arg15[%dma_start3A_117, %dma_start3A_121] : memref<20x128xi32, #tpu.memory_space<vmem>> -> memref<1x128xi32, #tpu.memory_space<vmem>>
      %dma_start3A_123 = tpu.memref_squeeze %dma_start3A_122 : memref<1x128xi32, #tpu.memory_space<vmem>> -> memref<128xi32, #tpu.memory_space<vmem>>
      %dma_start3A_124 = arith.constant 0 : i32
      %dma_start3A_125 = arith.constant 0 : i32
      %dma_start3A_126 = tpu.memref_slice %arg8[%dma_start3A_124, %dma_start3A_125] : memref<3840000x8xf32, #tpu.memory_space<hbm>> -> memref<3840000x8xf32, #tpu.memory_space<hbm>>
      tpu.enqueue_indirect_dma source(%dma_start3A_126 : memref<3840000x8xf32, #tpu.memory_space<hbm>>) target(%dma_start3A_120 : memref<128x8xf32, #tpu.memory_space<vmem>>) offsets(%dma_start3A_123 : memref<128xi32, #tpu.memory_space<vmem>>) semaphore(%arg21 : memref<!tpu.dma_semaphore, #tpu.memory_space<semaphore_mem>>)
      %dma_start3A_127 = arith.constant 7 : i32
      %dma_start3A_128 = arith.constant 896 : i32
      %dma_start3A_129 = arith.constant 0 : i32
      %dma_start3A_130 = tpu.memref_slice %arg16[%dma_start3A_128, %dma_start3A_129] : memref<1280x8xf32, #tpu.memory_space<vmem>> -> memref<128x8xf32, #tpu.memory_space<vmem>>
      %dma_start3A_131 = arith.constant 0 : i32
      %dma_start3A_132 = tpu.memref_slice %arg15[%dma_start3A_127, %dma_start3A_131] : memref<20x128xi32, #tpu.memory_space<vmem>> -> memref<1x128xi32, #tpu.memory_space<vmem>>
      %dma_start3A_133 = tpu.memref_squeeze %dma_start3A_132 : memref<1x128xi32, #tpu.memory_space<vmem>> -> memref<128xi32, #tpu.memory_space<vmem>>
      %dma_start3A_134 = arith.constant 0 : i32
      %dma_start3A_135 = arith.constant 0 : i32
      %dma_start3A_136 = tpu.memref_slice %arg8[%dma_start3A_134, %dma_start3A_135] : memref<3840000x8xf32, #tpu.memory_space<hbm>> -> memref<3840000x8xf32, #tpu.memory_space<hbm>>
      tpu.enqueue_indirect_dma source(%dma_start3A_136 : memref<3840000x8xf32, #tpu.memory_space<hbm>>) target(%dma_start3A_130 : memref<128x8xf32, #tpu.memory_space<vmem>>) offsets(%dma_start3A_133 : memref<128xi32, #tpu.memory_space<vmem>>) semaphore(%arg21 : memref<!tpu.dma_semaphore, #tpu.memory_space<semaphore_mem>>)
      %dma_start3A_137 = arith.constant 8 : i32
      %dma_start3A_138 = arith.constant 1024 : i32
      %dma_start3A_139 = arith.constant 0 : i32
      %dma_start3A_140 = tpu.memref_slice %arg16[%dma_start3A_138, %dma_start3A_139] : memref<1280x8xf32, #tpu.memory_space<vmem>> -> memref<128x8xf32, #tpu.memory_space<vmem>>
      %dma_start3A_141 = arith.constant 0 : i32
      %dma_start3A_142 = tpu.memref_slice %arg15[%dma_start3A_137, %dma_start3A_141] : memref<20x128xi32, #tpu.memory_space<vmem>> -> memref<1x128xi32, #tpu.memory_space<vmem>>
      %dma_start3A_143 = tpu.memref_squeeze %dma_start3A_142 : memref<1x128xi32, #tpu.memory_space<vmem>> -> memref<128xi32, #tpu.memory_space<vmem>>
      %dma_start3A_144 = arith.constant 0 : i32
      %dma_start3A_145 = arith.constant 0 : i32
      %dma_start3A_146 = tpu.memref_slice %arg8[%dma_start3A_144, %dma_start3A_145] : memref<3840000x8xf32, #tpu.memory_space<hbm>> -> memref<3840000x8xf32, #tpu.memory_space<hbm>>
      tpu.enqueue_indirect_dma source(%dma_start3A_146 : memref<3840000x8xf32, #tpu.memory_space<hbm>>) target(%dma_start3A_140 : memref<128x8xf32, #tpu.memory_space<vmem>>) offsets(%dma_start3A_143 : memref<128xi32, #tpu.memory_space<vmem>>) semaphore(%arg21 : memref<!tpu.dma_semaphore, #tpu.memory_space<semaphore_mem>>)
      %dma_start3A_147 = arith.constant 9 : i32
      %dma_start3A_148 = arith.constant 1152 : i32
      %dma_start3A_149 = arith.constant 0 : i32
      %dma_start3A_150 = tpu.memref_slice %arg16[%dma_start3A_148, %dma_start3A_149] : memref<1280x8xf32, #tpu.memory_space<vmem>> -> memref<128x8xf32, #tpu.memory_space<vmem>>
      %dma_start3A_151 = arith.constant 0 : i32
      %dma_start3A_152 = tpu.memref_slice %arg15[%dma_start3A_147, %dma_start3A_151] : memref<20x128xi32, #tpu.memory_space<vmem>> -> memref<1x128xi32, #tpu.memory_space<vmem>>
      %dma_start3A_153 = tpu.memref_squeeze %dma_start3A_152 : memref<1x128xi32, #tpu.memory_space<vmem>> -> memref<128xi32, #tpu.memory_space<vmem>>
      %dma_start3A_154 = arith.constant 0 : i32
      %dma_start3A_155 = arith.constant 0 : i32
      %dma_start3A_156 = tpu.memref_slice %arg8[%dma_start3A_154, %dma_start3A_155] : memref<3840000x8xf32, #tpu.memory_space<hbm>> -> memref<3840000x8xf32, #tpu.memory_space<hbm>>
      tpu.enqueue_indirect_dma source(%dma_start3A_156 : memref<3840000x8xf32, #tpu.memory_space<hbm>>) target(%dma_start3A_150 : memref<128x8xf32, #tpu.memory_space<vmem>>) offsets(%dma_start3A_153 : memref<128xi32, #tpu.memory_space<vmem>>) semaphore(%arg21 : memref<!tpu.dma_semaphore, #tpu.memory_space<semaphore_mem>>)
      %dma_start3A_157 = arith.constant 1280 : i32
      %dma_start3A_158 = tpu.memref_slice %arg3[%dma_start3A_157] : memref<320000xi32, #tpu.memory_space<hbm>> -> memref<1280xi32, #tpu.memory_space<hbm>>
      %dma_start3A_159 = arith.constant 1280 : i32
      %dma_start3A_160 = tpu.memref_slice %arg3[%dma_start3A_159] : memref<320000xi32, #tpu.memory_space<hbm>> -> memref<1280xi32, #tpu.memory_space<hbm>>
      tpu.enqueue_dma source(%dma_start3A_160 : memref<1280xi32, #tpu.memory_space<hbm>>) target(%arg10 : memref<1280xi32, #tpu.memory_space<vmem>>) target_semaphore(%arg20 : memref<!tpu.dma_semaphore, #tpu.memory_space<semaphore_mem>>)
      %dma_start3A_161 = arith.constant 1280 : i32
      %dma_start3A_162 = tpu.memref_slice %arg4[%dma_start3A_161] : memref<320000xi32, #tpu.memory_space<hbm>> -> memref<1280xi32, #tpu.memory_space<hbm>>
      %dma_start3A_163 = arith.constant 1280 : i32
      %dma_start3A_164 = tpu.memref_slice %arg4[%dma_start3A_163] : memref<320000xi32, #tpu.memory_space<hbm>> -> memref<1280xi32, #tpu.memory_space<hbm>>
      tpu.enqueue_dma source(%dma_start3A_164 : memref<1280xi32, #tpu.memory_space<hbm>>) target(%arg12 : memref<1280xi32, #tpu.memory_space<vmem>>) target_semaphore(%arg20 : memref<!tpu.dma_semaphore, #tpu.memory_space<semaphore_mem>>)
      %dma_start3A_165 = arith.constant 1280 : i32
      %dma_start3A_166 = tpu.memref_slice %arg5[%dma_start3A_165] : memref<320000xf32, #tpu.memory_space<hbm>> -> memref<1280xf32, #tpu.memory_space<hbm>>
      %dma_start3A_167 = arith.constant 1280 : i32
      %dma_start3A_168 = tpu.memref_slice %arg5[%dma_start3A_167] : memref<320000xf32, #tpu.memory_space<hbm>> -> memref<1280xf32, #tpu.memory_space<hbm>>
      tpu.enqueue_dma source(%dma_start3A_168 : memref<1280xf32, #tpu.memory_space<hbm>>) target(%arg14 : memref<1280xf32, #tpu.memory_space<vmem>>) target_semaphore(%arg20 : memref<!tpu.dma_semaphore, #tpu.memory_space<semaphore_mem>>)
      %scan3A_169 = arith.constant 0 : i32
      %scan3A_170 = arith.constant 125 : i32
      %scan3A_171 = arith.addi %scan3A_169, %scan3A_170 : i32
      %scan3A_172 = arith.constant 1 : i32
      scf.for %scan3A_176 = %scan3A_169 to %scan3A_171 step %scan3A_172  : i32 {
        %mul3A_177 = arith.constant 2 : i32
        %mul3A_178 = arith.muli %scan3A_176, %mul3A_177 : i32
        %add3A_179 = arith.constant 0 : i32
        %add3A_180 = arith.addi %add3A_179, %mul3A_178 : i32
        %add3A_181 = arith.constant 0 : i32
        %add3A_182 = arith.addi %add3A_180, %add3A_181 : i32
        %add3A_183 = arith.constant 1 : i32
        %add3A_184 = arith.addi %add3A_182, %add3A_183 : i32
        %lt3A = arith.constant 250 : i32
        %lt3A_185 = arith.cmpi slt, %add3A_184, %lt3A : i32
        %convert_element_type3A = arith.extui %lt3A_185 : i1 to i32
        %cond3A = arith.constant 0 : i32
        %cond3A_186 = arith.cmpi ne, %convert_element_type3A, %cond3A : i32
        scf.if %cond3A_186 {
          %add3A_416 = arith.constant 1 : i32
          %add3A_417 = arith.addi %add3A_182, %add3A_416 : i32
          %mul3A_418 = arith.constant 1280 : i32
          %mul3A_419 = arith.muli %add3A_417, %mul3A_418 : i32
          %dma_wait3A_420 = tpu.memref_slice %arg3[%mul3A_419] : memref<320000xi32, #tpu.memory_space<hbm>> -> memref<1280xi32, #tpu.memory_space<hbm>>
          %dma_wait3A_421 = tpu.memref_slice %arg3[%mul3A_419] : memref<320000xi32, #tpu.memory_space<hbm>> -> memref<1280xi32, #tpu.memory_space<hbm>>
          tpu.wait_dma2 semaphore(%arg20 : memref<!tpu.dma_semaphore, #tpu.memory_space<semaphore_mem>>) src(%dma_wait3A_421 : memref<1280xi32, #tpu.memory_space<hbm>>) dst(%arg10 : memref<1280xi32, #tpu.memory_space<vmem>>)
          %dma_wait3A_422 = tpu.memref_slice %arg4[%mul3A_419] : memref<320000xi32, #tpu.memory_space<hbm>> -> memref<1280xi32, #tpu.memory_space<hbm>>
          %dma_wait3A_423 = tpu.memref_slice %arg4[%mul3A_419] : memref<320000xi32, #tpu.memory_space<hbm>> -> memref<1280xi32, #tpu.memory_space<hbm>>
          tpu.wait_dma2 semaphore(%arg20 : memref<!tpu.dma_semaphore, #tpu.memory_space<semaphore_mem>>) src(%dma_wait3A_423 : memref<1280xi32, #tpu.memory_space<hbm>>) dst(%arg12 : memref<1280xi32, #tpu.memory_space<vmem>>)
          %dma_wait3A_424 = tpu.memref_slice %arg5[%mul3A_419] : memref<320000xf32, #tpu.memory_space<hbm>> -> memref<1280xf32, #tpu.memory_space<hbm>>
          %dma_wait3A_425 = tpu.memref_slice %arg5[%mul3A_419] : memref<320000xf32, #tpu.memory_space<hbm>> -> memref<1280xf32, #tpu.memory_space<hbm>>
          tpu.wait_dma2 semaphore(%arg20 : memref<!tpu.dma_semaphore, #tpu.memory_space<semaphore_mem>>) src(%dma_wait3A_425 : memref<1280xf32, #tpu.memory_space<hbm>>) dst(%arg14 : memref<1280xf32, #tpu.memory_space<vmem>>)
          %add3A_426 = arith.addi %mul3A_2, %add3A_30 : i32
          %parallel_loop3A_427 = arith.constant 0 : i32
          %parallel_loop3A_428 = arith.constant 10 : i32
          %parallel_loop3A_429 = arith.constant 1 : i32
          scf.for %parallel_loop3A_530 = %parallel_loop3A_427 to %parallel_loop3A_428 step %parallel_loop3A_429  : i32 {
            %parallel_loop3A_531 = arith.constant 128 : i32
            %parallel_loop3A_532 = arith.muli %parallel_loop3A_530, %parallel_loop3A_531 : i32
            %parallel_loop3A_533 = arith.constant 0 : i32
            %parallel_loop3A_534 = arith.addi %parallel_loop3A_532, %parallel_loop3A_533 : i32
            %parallel_loop3A_535 = arith.index_cast %parallel_loop3A_534 : i32 to index
            %parallel_loop3A_536 = tpu.vector_load %arg10[%parallel_loop3A_535] {strides = array<i32>} : memref<1280xi32, #tpu.memory_space<vmem>>, vector<16xi32>,
            %parallel_loop3A_537 = vector.broadcast %add3A_426 : i32 to vector<16xi32>
            %parallel_loop3A_538 = arith.addi %parallel_loop3A_536, %parallel_loop3A_537 : vector<16xi32>
            %parallel_loop3A_539 = arith.constant 10 : i32
            %parallel_loop3A_540 = arith.addi %parallel_loop3A_539, %parallel_loop3A_530 : i32
            %parallel_loop3A_541 = arith.index_cast %parallel_loop3A_540 : i32 to index
            %parallel_loop3A_542 = arith.constant 0 : index
            %parallel_loop3A_543 = tpu.vector_load %arg15[%parallel_loop3A_541, %parallel_loop3A_542] {strides = array<i32>} : memref<20x128xi32, #tpu.memory_space<vmem>>, vector<16xi32>,
            tpu.vector_store %arg15[%parallel_loop3A_541, %parallel_loop3A_542], %parallel_loop3A_538 {strides = array<i32>} : memref<20x128xi32, #tpu.memory_space<vmem>>, vector<16xi32>,
            %parallel_loop3A_544 = arith.constant 128 : i32
            %parallel_loop3A_545 = arith.muli %parallel_loop3A_530, %parallel_loop3A_544 : i32
            %parallel_loop3A_546 = arith.constant 16 : i32
            %parallel_loop3A_547 = arith.addi %parallel_loop3A_545, %parallel_loop3A_546 : i32
            %parallel_loop3A_548 = arith.index_cast %parallel_loop3A_547 : i32 to index
            %parallel_loop3A_549 = tpu.vector_load %arg10[%parallel_loop3A_548] {strides = array<i32>} : memref<1280xi32, #tpu.memory_space<vmem>>, vector<16xi32>,
            %parallel_loop3A_550 = vector.broadcast %add3A_426 : i32 to vector<16xi32>
            %parallel_loop3A_551 = arith.addi %parallel_loop3A_549, %parallel_loop3A_550 : vector<16xi32>
            %parallel_loop3A_552 = arith.constant 10 : i32
            %parallel_loop3A_553 = arith.addi %parallel_loop3A_552, %parallel_loop3A_530 : i32
            %parallel_loop3A_554 = arith.index_cast %parallel_loop3A_553 : i32 to index
            %parallel_loop3A_555 = arith.constant 16 : index
            %parallel_loop3A_556 = tpu.vector_load %arg15[%parallel_loop3A_554, %parallel_loop3A_555] {strides = array<i32>} : memref<20x128xi32, #tpu.memory_space<vmem>>, vector<16xi32>,
            tpu.vector_store %arg15[%parallel_loop3A_554, %parallel_loop3A_555], %parallel_loop3A_551 {strides = array<i32>} : memref<20x128xi32, #tpu.memory_space<vmem>>, vector<16xi32>,
            %parallel_loop3A_557 = arith.constant 128 : i32
            %parallel_loop3A_558 = arith.muli %parallel_loop3A_530, %parallel_loop3A_557 : i32
            %parallel_loop3A_559 = arith.constant 32 : i32
            %parallel_loop3A_560 = arith.addi %parallel_loop3A_558, %parallel_loop3A_559 : i32
            %parallel_loop3A_561 = arith.index_cast %parallel_loop3A_560 : i32 to index
            %parallel_loop3A_562 = tpu.vector_load %arg10[%parallel_loop3A_561] {strides = array<i32>} : memref<1280xi32, #tpu.memory_space<vmem>>, vector<16xi32>,
            %parallel_loop3A_563 = vector.broadcast %add3A_426 : i32 to vector<16xi32>
            %parallel_loop3A_564 = arith.addi %parallel_loop3A_562, %parallel_loop3A_563 : vector<16xi32>
            %parallel_loop3A_565 = arith.constant 10 : i32
            %parallel_loop3A_566 = arith.addi %parallel_loop3A_565, %parallel_loop3A_530 : i32
            %parallel_loop3A_567 = arith.index_cast %parallel_loop3A_566 : i32 to index
            %parallel_loop3A_568 = arith.constant 32 : index
            %parallel_loop3A_569 = tpu.vector_load %arg15[%parallel_loop3A_567, %parallel_loop3A_568] {strides = array<i32>} : memref<20x128xi32, #tpu.memory_space<vmem>>, vector<16xi32>,
            tpu.vector_store %arg15[%parallel_loop3A_567, %parallel_loop3A_568], %parallel_loop3A_564 {strides = array<i32>} : memref<20x128xi32, #tpu.memory_space<vmem>>, vector<16xi32>,
            %parallel_loop3A_570 = arith.constant 128 : i32
            %parallel_loop3A_571 = arith.muli %parallel_loop3A_530, %parallel_loop3A_570 : i32
            %parallel_loop3A_572 = arith.constant 48 : i32
            %parallel_loop3A_573 = arith.addi %parallel_loop3A_571, %parallel_loop3A_572 : i32
            %parallel_loop3A_574 = arith.index_cast %parallel_loop3A_573 : i32 to index
            %parallel_loop3A_575 = tpu.vector_load %arg10[%parallel_loop3A_574] {strides = array<i32>} : memref<1280xi32, #tpu.memory_space<vmem>>, vector<16xi32>,
            %parallel_loop3A_576 = vector.broadcast %add3A_426 : i32 to vector<16xi32>
            %parallel_loop3A_577 = arith.addi %parallel_loop3A_575, %parallel_loop3A_576 : vector<16xi32>
            %parallel_loop3A_578 = arith.constant 10 : i32
            %parallel_loop3A_579 = arith.addi %parallel_loop3A_578, %parallel_loop3A_530 : i32
            %parallel_loop3A_580 = arith.index_cast %parallel_loop3A_579 : i32 to index
            %parallel_loop3A_581 = arith.constant 48 : index
            %parallel_loop3A_582 = tpu.vector_load %arg15[%parallel_loop3A_580, %parallel_loop3A_581] {strides = array<i32>} : memref<20x128xi32, #tpu.memory_space<vmem>>, vector<16xi32>,
            tpu.vector_store %arg15[%parallel_loop3A_580, %parallel_loop3A_581], %parallel_loop3A_577 {strides = array<i32>} : memref<20x128xi32, #tpu.memory_space<vmem>>, vector<16xi32>,
            %parallel_loop3A_583 = arith.constant 128 : i32
            %parallel_loop3A_584 = arith.muli %parallel_loop3A_530, %parallel_loop3A_583 : i32
            %parallel_loop3A_585 = arith.constant 64 : i32
            %parallel_loop3A_586 = arith.addi %parallel_loop3A_584, %parallel_loop3A_585 : i32
            %parallel_loop3A_587 = arith.index_cast %parallel_loop3A_586 : i32 to index
            %parallel_loop3A_588 = tpu.vector_load %arg10[%parallel_loop3A_587] {strides = array<i32>} : memref<1280xi32, #tpu.memory_space<vmem>>, vector<16xi32>,
            %parallel_loop3A_589 = vector.broadcast %add3A_426 : i32 to vector<16xi32>
            %parallel_loop3A_590 = arith.addi %parallel_loop3A_588, %parallel_loop3A_589 : vector<16xi32>
            %parallel_loop3A_591 = arith.constant 10 : i32
            %parallel_loop3A_592 = arith.addi %parallel_loop3A_591, %parallel_loop3A_530 : i32
            %parallel_loop3A_593 = arith.index_cast %parallel_loop3A_592 : i32 to index
            %parallel_loop3A_594 = arith.constant 64 : index
            %parallel_loop3A_595 = tpu.vector_load %arg15[%parallel_loop3A_593, %parallel_loop3A_594] {strides = array<i32>} : memref<20x128xi32, #tpu.memory_space<vmem>>, vector<16xi32>,
            tpu.vector_store %arg15[%parallel_loop3A_593, %parallel_loop3A_594], %parallel_loop3A_590 {strides = array<i32>} : memref<20x128xi32, #tpu.memory_space<vmem>>, vector<16xi32>,
            %parallel_loop3A_596 = arith.constant 128 : i32
            %parallel_loop3A_597 = arith.muli %parallel_loop3A_530, %parallel_loop3A_596 : i32
            %parallel_loop3A_598 = arith.constant 80 : i32
            %parallel_loop3A_599 = arith.addi %parallel_loop3A_597, %parallel_loop3A_598 : i32
            %parallel_loop3A_600 = arith.index_cast %parallel_loop3A_599 : i32 to index
            %parallel_loop3A_601 = tpu.vector_load %arg10[%parallel_loop3A_600] {strides = array<i32>} : memref<1280xi32, #tpu.memory_space<vmem>>, vector<16xi32>,
            %parallel_loop3A_602 = vector.broadcast %add3A_426 : i32 to vector<16xi32>
            %parallel_loop3A_603 = arith.addi %parallel_loop3A_601, %parallel_loop3A_602 : vector<16xi32>
            %parallel_loop3A_604 = arith.constant 10 : i32
            %parallel_loop3A_605 = arith.addi %parallel_loop3A_604, %parallel_loop3A_530 : i32
            %parallel_loop3A_606 = arith.index_cast %parallel_loop3A_605 : i32 to index
            %parallel_loop3A_607 = arith.constant 80 : index
            %parallel_loop3A_608 = tpu.vector_load %arg15[%parallel_loop3A_606, %parallel_loop3A_607] {strides = array<i32>} : memref<20x128xi32, #tpu.memory_space<vmem>>, vector<16xi32>,
            tpu.vector_store %arg15[%parallel_loop3A_606, %parallel_loop3A_607], %parallel_loop3A_603 {strides = array<i32>} : memref<20x128xi32, #tpu.memory_space<vmem>>, vector<16xi32>,
            %parallel_loop3A_609 = arith.constant 128 : i32
            %parallel_loop3A_610 = arith.muli %parallel_loop3A_530, %parallel_loop3A_609 : i32
            %parallel_loop3A_611 = arith.constant 96 : i32
            %parallel_loop3A_612 = arith.addi %parallel_loop3A_610, %parallel_loop3A_611 : i32
            %parallel_loop3A_613 = arith.index_cast %parallel_loop3A_612 : i32 to index
            %parallel_loop3A_614 = tpu.vector_load %arg10[%parallel_loop3A_613] {strides = array<i32>} : memref<1280xi32, #tpu.memory_space<vmem>>, vector<16xi32>,
            %parallel_loop3A_615 = vector.broadcast %add3A_426 : i32 to vector<16xi32>
            %parallel_loop3A_616 = arith.addi %parallel_loop3A_614, %parallel_loop3A_615 : vector<16xi32>
            %parallel_loop3A_617 = arith.constant 10 : i32
            %parallel_loop3A_618 = arith.addi %parallel_loop3A_617, %parallel_loop3A_530 : i32
            %parallel_loop3A_619 = arith.index_cast %parallel_loop3A_618 : i32 to index
            %parallel_loop3A_620 = arith.constant 96 : index
            %parallel_loop3A_621 = tpu.vector_load %arg15[%parallel_loop3A_619, %parallel_loop3A_620] {strides = array<i32>} : memref<20x128xi32, #tpu.memory_space<vmem>>, vector<16xi32>,
            tpu.vector_store %arg15[%parallel_loop3A_619, %parallel_loop3A_620], %parallel_loop3A_616 {strides = array<i32>} : memref<20x128xi32, #tpu.memory_space<vmem>>, vector<16xi32>,
            %parallel_loop3A_622 = arith.constant 128 : i32
            %parallel_loop3A_623 = arith.muli %parallel_loop3A_530, %parallel_loop3A_622 : i32
            %parallel_loop3A_624 = arith.constant 112 : i32
            %parallel_loop3A_625 = arith.addi %parallel_loop3A_623, %parallel_loop3A_624 : i32
            %parallel_loop3A_626 = arith.index_cast %parallel_loop3A_625 : i32 to index
            %parallel_loop3A_627 = tpu.vector_load %arg10[%parallel_loop3A_626] {strides = array<i32>} : memref<1280xi32, #tpu.memory_space<vmem>>, vector<16xi32>,
            %parallel_loop3A_628 = vector.broadcast %add3A_426 : i32 to vector<16xi32>
            %parallel_loop3A_629 = arith.addi %parallel_loop3A_627, %parallel_loop3A_628 : vector<16xi32>
            %parallel_loop3A_630 = arith.constant 10 : i32
            %parallel_loop3A_631 = arith.addi %parallel_loop3A_630, %parallel_loop3A_530 : i32
            %parallel_loop3A_632 = arith.index_cast %parallel_loop3A_631 : i32 to index
            %parallel_loop3A_633 = arith.constant 112 : index
            %parallel_loop3A_634 = tpu.vector_load %arg15[%parallel_loop3A_632, %parallel_loop3A_633] {strides = array<i32>} : memref<20x128xi32, #tpu.memory_space<vmem>>, vector<16xi32>,
            tpu.vector_store %arg15[%parallel_loop3A_632, %parallel_loop3A_633], %parallel_loop3A_629 {strides = array<i32>} : memref<20x128xi32, #tpu.memory_space<vmem>>, vector<16xi32>,
          } {sc.loop_unroll_factor = 2 : i64, sc.parallel_access}
          %dma_start3A_430 = arith.constant 10 : i32
          %dma_start3A_431 = arith.constant 0 : i32
          %dma_start3A_432 = arith.constant 0 : i32
          %dma_start3A_433 = tpu.memref_slice %arg17[%dma_start3A_431, %dma_start3A_432] : memref<1280x8xf32, #tpu.memory_space<vmem>> -> memref<128x8xf32, #tpu.memory_space<vmem>>
          %dma_start3A_434 = arith.constant 0 : i32
          %dma_start3A_435 = tpu.memref_slice %arg15[%dma_start3A_430, %dma_start3A_434] : memref<20x128xi32, #tpu.memory_space<vmem>> -> memref<1x128xi32, #tpu.memory_space<vmem>>
          %dma_start3A_436 = tpu.memref_squeeze %dma_start3A_435 : memref<1x128xi32, #tpu.memory_space<vmem>> -> memref<128xi32, #tpu.memory_space<vmem>>
          %dma_start3A_437 = arith.constant 0 : i32
          %dma_start3A_438 = arith.constant 0 : i32
          %dma_start3A_439 = tpu.memref_slice %arg8[%dma_start3A_437, %dma_start3A_438] : memref<3840000x8xf32, #tpu.memory_space<hbm>> -> memref<3840000x8xf32, #tpu.memory_space<hbm>>
          tpu.enqueue_indirect_dma source(%dma_start3A_439 : memref<3840000x8xf32, #tpu.memory_space<hbm>>) target(%dma_start3A_433 : memref<128x8xf32, #tpu.memory_space<vmem>>) offsets(%dma_start3A_436 : memref<128xi32, #tpu.memory_space<vmem>>) semaphore(%arg22 : memref<!tpu.dma_semaphore, #tpu.memory_space<semaphore_mem>>)
          %dma_start3A_440 = arith.constant 11 : i32
          %dma_start3A_441 = arith.constant 128 : i32
          %dma_start3A_442 = arith.constant 0 : i32
          %dma_start3A_443 = tpu.memref_slice %arg17[%dma_start3A_441, %dma_start3A_442] : memref<1280x8xf32, #tpu.memory_space<vmem>> -> memref<128x8xf32, #tpu.memory_space<vmem>>
          %dma_start3A_444 = arith.constant 0 : i32
          %dma_start3A_445 = tpu.memref_slice %arg15[%dma_start3A_440, %dma_start3A_444] : memref<20x128xi32, #tpu.memory_space<vmem>> -> memref<1x128xi32, #tpu.memory_space<vmem>>
          %dma_start3A_446 = tpu.memref_squeeze %dma_start3A_445 : memref<1x128xi32, #tpu.memory_space<vmem>> -> memref<128xi32, #tpu.memory_space<vmem>>
          %dma_start3A_447 = arith.constant 0 : i32
          %dma_start3A_448 = arith.constant 0 : i32
          %dma_start3A_449 = tpu.memref_slice %arg8[%dma_start3A_447, %dma_start3A_448] : memref<3840000x8xf32, #tpu.memory_space<hbm>> -> memref<3840000x8xf32, #tpu.memory_space<hbm>>
          tpu.enqueue_indirect_dma source(%dma_start3A_449 : memref<3840000x8xf32, #tpu.memory_space<hbm>>) target(%dma_start3A_443 : memref<128x8xf32, #tpu.memory_space<vmem>>) offsets(%dma_start3A_446 : memref<128xi32, #tpu.memory_space<vmem>>) semaphore(%arg22 : memref<!tpu.dma_semaphore, #tpu.memory_space<semaphore_mem>>)
          %dma_start3A_450 = arith.constant 12 : i32
          %dma_start3A_451 = arith.constant 256 : i32
          %dma_start3A_452 = arith.constant 0 : i32
          %dma_start3A_453 = tpu.memref_slice %arg17[%dma_start3A_451, %dma_start3A_452] : memref<1280x8xf32, #tpu.memory_space<vmem>> -> memref<128x8xf32, #tpu.memory_space<vmem>>
          %dma_start3A_454 = arith.constant 0 : i32
          %dma_start3A_455 = tpu.memref_slice %arg15[%dma_start3A_450, %dma_start3A_454] : memref<20x128xi32, #tpu.memory_space<vmem>> -> memref<1x128xi32, #tpu.memory_space<vmem>>
          %dma_start3A_456 = tpu.memref_squeeze %dma_start3A_455 : memref<1x128xi32, #tpu.memory_space<vmem>> -> memref<128xi32, #tpu.memory_space<vmem>>
          %dma_start3A_457 = arith.constant 0 : i32
          %dma_start3A_458 = arith.constant 0 : i32
          %dma_start3A_459 = tpu.memref_slice %arg8[%dma_start3A_457, %dma_start3A_458] : memref<3840000x8xf32, #tpu.memory_space<hbm>> -> memref<3840000x8xf32, #tpu.memory_space<hbm>>
          tpu.enqueue_indirect_dma source(%dma_start3A_459 : memref<3840000x8xf32, #tpu.memory_space<hbm>>) target(%dma_start3A_453 : memref<128x8xf32, #tpu.memory_space<vmem>>) offsets(%dma_start3A_456 : memref<128xi32, #tpu.memory_space<vmem>>) semaphore(%arg22 : memref<!tpu.dma_semaphore, #tpu.memory_space<semaphore_mem>>)
          %dma_start3A_460 = arith.constant 13 : i32
          %dma_start3A_461 = arith.constant 384 : i32
          %dma_start3A_462 = arith.constant 0 : i32
          %dma_start3A_463 = tpu.memref_slice %arg17[%dma_start3A_461, %dma_start3A_462] : memref<1280x8xf32, #tpu.memory_space<vmem>> -> memref<128x8xf32, #tpu.memory_space<vmem>>
          %dma_start3A_464 = arith.constant 0 : i32
          %dma_start3A_465 = tpu.memref_slice %arg15[%dma_start3A_460, %dma_start3A_464] : memref<20x128xi32, #tpu.memory_space<vmem>> -> memref<1x128xi32, #tpu.memory_space<vmem>>
          %dma_start3A_466 = tpu.memref_squeeze %dma_start3A_465 : memref<1x128xi32, #tpu.memory_space<vmem>> -> memref<128xi32, #tpu.memory_space<vmem>>
          %dma_start3A_467 = arith.constant 0 : i32
          %dma_start3A_468 = arith.constant 0 : i32
          %dma_start3A_469 = tpu.memref_slice %arg8[%dma_start3A_467, %dma_start3A_468] : memref<3840000x8xf32, #tpu.memory_space<hbm>> -> memref<3840000x8xf32, #tpu.memory_space<hbm>>
          tpu.enqueue_indirect_dma source(%dma_start3A_469 : memref<3840000x8xf32, #tpu.memory_space<hbm>>) target(%dma_start3A_463 : memref<128x8xf32, #tpu.memory_space<vmem>>) offsets(%dma_start3A_466 : memref<128xi32, #tpu.memory_space<vmem>>) semaphore(%arg22 : memref<!tpu.dma_semaphore, #tpu.memory_space<semaphore_mem>>)
          %dma_start3A_470 = arith.constant 14 : i32
          %dma_start3A_471 = arith.constant 512 : i32
          %dma_start3A_472 = arith.constant 0 : i32
          %dma_start3A_473 = tpu.memref_slice %arg17[%dma_start3A_471, %dma_start3A_472] : memref<1280x8xf32, #tpu.memory_space<vmem>> -> memref<128x8xf32, #tpu.memory_space<vmem>>
          %dma_start3A_474 = arith.constant 0 : i32
          %dma_start3A_475 = tpu.memref_slice %arg15[%dma_start3A_470, %dma_start3A_474] : memref<20x128xi32, #tpu.memory_space<vmem>> -> memref<1x128xi32, #tpu.memory_space<vmem>>
          %dma_start3A_476 = tpu.memref_squeeze %dma_start3A_475 : memref<1x128xi32, #tpu.memory_space<vmem>> -> memref<128xi32, #tpu.memory_space<vmem>>
          %dma_start3A_477 = arith.constant 0 : i32
          %dma_start3A_478 = arith.constant 0 : i32
          %dma_start3A_479 = tpu.memref_slice %arg8[%dma_start3A_477, %dma_start3A_478] : memref<3840000x8xf32, #tpu.memory_space<hbm>> -> memref<3840000x8xf32, #tpu.memory_space<hbm>>
          tpu.enqueue_indirect_dma source(%dma_start3A_479 : memref<3840000x8xf32, #tpu.memory_space<hbm>>) target(%dma_start3A_473 : memref<128x8xf32, #tpu.memory_space<vmem>>) offsets(%dma_start3A_476 : memref<128xi32, #tpu.memory_space<vmem>>) semaphore(%arg22 : memref<!tpu.dma_semaphore, #tpu.memory_space<semaphore_mem>>)
          %dma_start3A_480 = arith.constant 15 : i32
          %dma_start3A_481 = arith.constant 640 : i32
          %dma_start3A_482 = arith.constant 0 : i32
          %dma_start3A_483 = tpu.memref_slice %arg17[%dma_start3A_481, %dma_start3A_482] : memref<1280x8xf32, #tpu.memory_space<vmem>> -> memref<128x8xf32, #tpu.memory_space<vmem>>
          %dma_start3A_484 = arith.constant 0 : i32
          %dma_start3A_485 = tpu.memref_slice %arg15[%dma_start3A_480, %dma_start3A_484] : memref<20x128xi32, #tpu.memory_space<vmem>> -> memref<1x128xi32, #tpu.memory_space<vmem>>
          %dma_start3A_486 = tpu.memref_squeeze %dma_start3A_485 : memref<1x128xi32, #tpu.memory_space<vmem>> -> memref<128xi32, #tpu.memory_space<vmem>>
          %dma_start3A_487 = arith.constant 0 : i32
          %dma_start3A_488 = arith.constant 0 : i32
          %dma_start3A_489 = tpu.memref_slice %arg8[%dma_start3A_487, %dma_start3A_488] : memref<3840000x8xf32, #tpu.memory_space<hbm>> -> memref<3840000x8xf32, #tpu.memory_space<hbm>>
          tpu.enqueue_indirect_dma source(%dma_start3A_489 : memref<3840000x8xf32, #tpu.memory_space<hbm>>) target(%dma_start3A_483 : memref<128x8xf32, #tpu.memory_space<vmem>>) offsets(%dma_start3A_486 : memref<128xi32, #tpu.memory_space<vmem>>) semaphore(%arg22 : memref<!tpu.dma_semaphore, #tpu.memory_space<semaphore_mem>>)
          %dma_start3A_490 = arith.constant 16 : i32
          %dma_start3A_491 = arith.constant 768 : i32
          %dma_start3A_492 = arith.constant 0 : i32
          %dma_start3A_493 = tpu.memref_slice %arg17[%dma_start3A_491, %dma_start3A_492] : memref<1280x8xf32, #tpu.memory_space<vmem>> -> memref<128x8xf32, #tpu.memory_space<vmem>>
          %dma_start3A_494 = arith.constant 0 : i32
          %dma_start3A_495 = tpu.memref_slice %arg15[%dma_start3A_490, %dma_start3A_494] : memref<20x128xi32, #tpu.memory_space<vmem>> -> memref<1x128xi32, #tpu.memory_space<vmem>>
          %dma_start3A_496 = tpu.memref_squeeze %dma_start3A_495 : memref<1x128xi32, #tpu.memory_space<vmem>> -> memref<128xi32, #tpu.memory_space<vmem>>
          %dma_start3A_497 = arith.constant 0 : i32
          %dma_start3A_498 = arith.constant 0 : i32
          %dma_start3A_499 = tpu.memref_slice %arg8[%dma_start3A_497, %dma_start3A_498] : memref<3840000x8xf32, #tpu.memory_space<hbm>> -> memref<3840000x8xf32, #tpu.memory_space<hbm>>
          tpu.enqueue_indirect_dma source(%dma_start3A_499 : memref<3840000x8xf32, #tpu.memory_space<hbm>>) target(%dma_start3A_493 : memref<128x8xf32, #tpu.memory_space<vmem>>) offsets(%dma_start3A_496 : memref<128xi32, #tpu.memory_space<vmem>>) semaphore(%arg22 : memref<!tpu.dma_semaphore, #tpu.memory_space<semaphore_mem>>)
          %dma_start3A_500 = arith.constant 17 : i32
          %dma_start3A_501 = arith.constant 896 : i32
          %dma_start3A_502 = arith.constant 0 : i32
          %dma_start3A_503 = tpu.memref_slice %arg17[%dma_start3A_501, %dma_start3A_502] : memref<1280x8xf32, #tpu.memory_space<vmem>> -> memref<128x8xf32, #tpu.memory_space<vmem>>
          %dma_start3A_504 = arith.constant 0 : i32
          %dma_start3A_505 = tpu.memref_slice %arg15[%dma_start3A_500, %dma_start3A_504] : memref<20x128xi32, #tpu.memory_space<vmem>> -> memref<1x128xi32, #tpu.memory_space<vmem>>
          %dma_start3A_506 = tpu.memref_squeeze %dma_start3A_505 : memref<1x128xi32, #tpu.memory_space<vmem>> -> memref<128xi32, #tpu.memory_space<vmem>>
          %dma_start3A_507 = arith.constant 0 : i32
          %dma_start3A_508 = arith.constant 0 : i32
          %dma_start3A_509 = tpu.memref_slice %arg8[%dma_start3A_507, %dma_start3A_508] : memref<3840000x8xf32, #tpu.memory_space<hbm>> -> memref<3840000x8xf32, #tpu.memory_space<hbm>>
          tpu.enqueue_indirect_dma source(%dma_start3A_509 : memref<3840000x8xf32, #tpu.memory_space<hbm>>) target(%dma_start3A_503 : memref<128x8xf32, #tpu.memory_space<vmem>>) offsets(%dma_start3A_506 : memref<128xi32, #tpu.memory_space<vmem>>) semaphore(%arg22 : memref<!tpu.dma_semaphore, #tpu.memory_space<semaphore_mem>>)
          %dma_start3A_510 = arith.constant 18 : i32
          %dma_start3A_511 = arith.constant 1024 : i32
          %dma_start3A_512 = arith.constant 0 : i32
          %dma_start3A_513 = tpu.memref_slice %arg17[%dma_start3A_511, %dma_start3A_512] : memref<1280x8xf32, #tpu.memory_space<vmem>> -> memref<128x8xf32, #tpu.memory_space<vmem>>
          %dma_start3A_514 = arith.constant 0 : i32
          %dma_start3A_515 = tpu.memref_slice %arg15[%dma_start3A_510, %dma_start3A_514] : memref<20x128xi32, #tpu.memory_space<vmem>> -> memref<1x128xi32, #tpu.memory_space<vmem>>
          %dma_start3A_516 = tpu.memref_squeeze %dma_start3A_515 : memref<1x128xi32, #tpu.memory_space<vmem>> -> memref<128xi32, #tpu.memory_space<vmem>>
          %dma_start3A_517 = arith.constant 0 : i32
          %dma_start3A_518 = arith.constant 0 : i32
          %dma_start3A_519 = tpu.memref_slice %arg8[%dma_start3A_517, %dma_start3A_518] : memref<3840000x8xf32, #tpu.memory_space<hbm>> -> memref<3840000x8xf32, #tpu.memory_space<hbm>>
          tpu.enqueue_indirect_dma source(%dma_start3A_519 : memref<3840000x8xf32, #tpu.memory_space<hbm>>) target(%dma_start3A_513 : memref<128x8xf32, #tpu.memory_space<vmem>>) offsets(%dma_start3A_516 : memref<128xi32, #tpu.memory_space<vmem>>) semaphore(%arg22 : memref<!tpu.dma_semaphore, #tpu.memory_space<semaphore_mem>>)
          %dma_start3A_520 = arith.constant 19 : i32
          %dma_start3A_521 = arith.constant 1152 : i32
          %dma_start3A_522 = arith.constant 0 : i32
          %dma_start3A_523 = tpu.memref_slice %arg17[%dma_start3A_521, %dma_start3A_522] : memref<1280x8xf32, #tpu.memory_space<vmem>> -> memref<128x8xf32, #tpu.memory_space<vmem>>
          %dma_start3A_524 = arith.constant 0 : i32
          %dma_start3A_525 = tpu.memref_slice %arg15[%dma_start3A_520, %dma_start3A_524] : memref<20x128xi32, #tpu.memory_space<vmem>> -> memref<1x128xi32, #tpu.memory_space<vmem>>
          %dma_start3A_526 = tpu.memref_squeeze %dma_start3A_525 : memref<1x128xi32, #tpu.memory_space<vmem>> -> memref<128xi32, #tpu.memory_space<vmem>>
          %dma_start3A_527 = arith.constant 0 : i32
          %dma_start3A_528 = arith.constant 0 : i32
          %dma_start3A_529 = tpu.memref_slice %arg8[%dma_start3A_527, %dma_start3A_528] : memref<3840000x8xf32, #tpu.memory_space<hbm>> -> memref<3840000x8xf32, #tpu.memory_space<hbm>>
          tpu.enqueue_indirect_dma source(%dma_start3A_529 : memref<3840000x8xf32, #tpu.memory_space<hbm>>) target(%dma_start3A_523 : memref<128x8xf32, #tpu.memory_space<vmem>>) offsets(%dma_start3A_526 : memref<128xi32, #tpu.memory_space<vmem>>) semaphore(%arg22 : memref<!tpu.dma_semaphore, #tpu.memory_space<semaphore_mem>>)
        } else {
        }
        %dma_wait3A_187 = arith.constant 0 : i32
        %dma_wait3A_188 = arith.constant 0 : i32
        %dma_wait3A_189 = arith.constant 0 : i32
        %dma_wait3A_190 = tpu.memref_slice %arg16[%dma_wait3A_188, %dma_wait3A_189] : memref<1280x8xf32, #tpu.memory_space<vmem>> -> memref<128x8xf32, #tpu.memory_space<vmem>>
        %dma_wait3A_191 = arith.constant 0 : i32
        %dma_wait3A_192 = tpu.memref_slice %arg15[%dma_wait3A_187, %dma_wait3A_191] : memref<20x128xi32, #tpu.memory_space<vmem>> -> memref<1x128xi32, #tpu.memory_space<vmem>>
        %dma_wait3A_193 = tpu.memref_squeeze %dma_wait3A_192 : memref<1x128xi32, #tpu.memory_space<vmem>> -> memref<128xi32, #tpu.memory_space<vmem>>
        %dma_wait3A_194 = arith.constant 0 : i32
        %dma_wait3A_195 = arith.constant 0 : i32
        %dma_wait3A_196 = tpu.memref_slice %arg8[%dma_wait3A_194, %dma_wait3A_195] : memref<3840000x8xf32, #tpu.memory_space<hbm>> -> memref<3840000x8xf32, #tpu.memory_space<hbm>>
        tpu.wait_indirect_dma semaphore(%arg21 : memref<!tpu.dma_semaphore, #tpu.memory_space<semaphore_mem>>) src(%dma_wait3A_196 : memref<3840000x8xf32, #tpu.memory_space<hbm>>) dst(%dma_wait3A_190 : memref<128x8xf32, #tpu.memory_space<vmem>>)
        %dma_wait3A_197 = arith.constant 1 : i32
        %dma_wait3A_198 = arith.constant 128 : i32
        %dma_wait3A_199 = arith.constant 0 : i32
        %dma_wait3A_200 = tpu.memref_slice %arg16[%dma_wait3A_198, %dma_wait3A_199] : memref<1280x8xf32, #tpu.memory_space<vmem>> -> memref<128x8xf32, #tpu.memory_space<vmem>>
        %dma_wait3A_201 = arith.constant 0 : i32
        %dma_wait3A_202 = tpu.memref_slice %arg15[%dma_wait3A_197, %dma_wait3A_201] : memref<20x128xi32, #tpu.memory_space<vmem>> -> memref<1x128xi32, #tpu.memory_space<vmem>>
        %dma_wait3A_203 = tpu.memref_squeeze %dma_wait3A_202 : memref<1x128xi32, #tpu.memory_space<vmem>> -> memref<128xi32, #tpu.memory_space<vmem>>
        %dma_wait3A_204 = arith.constant 0 : i32
        %dma_wait3A_205 = arith.constant 0 : i32
        %dma_wait3A_206 = tpu.memref_slice %arg8[%dma_wait3A_204, %dma_wait3A_205] : memref<3840000x8xf32, #tpu.memory_space<hbm>> -> memref<3840000x8xf32, #tpu.memory_space<hbm>>
        tpu.wait_indirect_dma semaphore(%arg21 : memref<!tpu.dma_semaphore, #tpu.memory_space<semaphore_mem>>) src(%dma_wait3A_206 : memref<3840000x8xf32, #tpu.memory_space<hbm>>) dst(%dma_wait3A_200 : memref<128x8xf32, #tpu.memory_space<vmem>>)
        %dma_wait3A_207 = arith.constant 2 : i32
        %dma_wait3A_208 = arith.constant 256 : i32
        %dma_wait3A_209 = arith.constant 0 : i32
        %dma_wait3A_210 = tpu.memref_slice %arg16[%dma_wait3A_208, %dma_wait3A_209] : memref<1280x8xf32, #tpu.memory_space<vmem>> -> memref<128x8xf32, #tpu.memory_space<vmem>>
        %dma_wait3A_211 = arith.constant 0 : i32
        %dma_wait3A_212 = tpu.memref_slice %arg15[%dma_wait3A_207, %dma_wait3A_211] : memref<20x128xi32, #tpu.memory_space<vmem>> -> memref<1x128xi32, #tpu.memory_space<vmem>>
        %dma_wait3A_213 = tpu.memref_squeeze %dma_wait3A_212 : memref<1x128xi32, #tpu.memory_space<vmem>> -> memref<128xi32, #tpu.memory_space<vmem>>
        %dma_wait3A_214 = arith.constant 0 : i32
        %dma_wait3A_215 = arith.constant 0 : i32
        %dma_wait3A_216 = tpu.memref_slice %arg8[%dma_wait3A_214, %dma_wait3A_215] : memref<3840000x8xf32, #tpu.memory_space<hbm>> -> memref<3840000x8xf32, #tpu.memory_space<hbm>>
        tpu.wait_indirect_dma semaphore(%arg21 : memref<!tpu.dma_semaphore, #tpu.memory_space<semaphore_mem>>) src(%dma_wait3A_216 : memref<3840000x8xf32, #tpu.memory_space<hbm>>) dst(%dma_wait3A_210 : memref<128x8xf32, #tpu.memory_space<vmem>>)
        %dma_wait3A_217 = arith.constant 3 : i32
        %dma_wait3A_218 = arith.constant 384 : i32
        %dma_wait3A_219 = arith.constant 0 : i32
        %dma_wait3A_220 = tpu.memref_slice %arg16[%dma_wait3A_218, %dma_wait3A_219] : memref<1280x8xf32, #tpu.memory_space<vmem>> -> memref<128x8xf32, #tpu.memory_space<vmem>>
        %dma_wait3A_221 = arith.constant 0 : i32
        %dma_wait3A_222 = tpu.memref_slice %arg15[%dma_wait3A_217, %dma_wait3A_221] : memref<20x128xi32, #tpu.memory_space<vmem>> -> memref<1x128xi32, #tpu.memory_space<vmem>>
        %dma_wait3A_223 = tpu.memref_squeeze %dma_wait3A_222 : memref<1x128xi32, #tpu.memory_space<vmem>> -> memref<128xi32, #tpu.memory_space<vmem>>
        %dma_wait3A_224 = arith.constant 0 : i32
        %dma_wait3A_225 = arith.constant 0 : i32
        %dma_wait3A_226 = tpu.memref_slice %arg8[%dma_wait3A_224, %dma_wait3A_225] : memref<3840000x8xf32, #tpu.memory_space<hbm>> -> memref<3840000x8xf32, #tpu.memory_space<hbm>>
        tpu.wait_indirect_dma semaphore(%arg21 : memref<!tpu.dma_semaphore, #tpu.memory_space<semaphore_mem>>) src(%dma_wait3A_226 : memref<3840000x8xf32, #tpu.memory_space<hbm>>) dst(%dma_wait3A_220 : memref<128x8xf32, #tpu.memory_space<vmem>>)
        %dma_wait3A_227 = arith.constant 4 : i32
        %dma_wait3A_228 = arith.constant 512 : i32
        %dma_wait3A_229 = arith.constant 0 : i32
        %dma_wait3A_230 = tpu.memref_slice %arg16[%dma_wait3A_228, %dma_wait3A_229] : memref<1280x8xf32, #tpu.memory_space<vmem>> -> memref<128x8xf32, #tpu.memory_space<vmem>>
        %dma_wait3A_231 = arith.constant 0 : i32
        %dma_wait3A_232 = tpu.memref_slice %arg15[%dma_wait3A_227, %dma_wait3A_231] : memref<20x128xi32, #tpu.memory_space<vmem>> -> memref<1x128xi32, #tpu.memory_space<vmem>>
        %dma_wait3A_233 = tpu.memref_squeeze %dma_wait3A_232 : memref<1x128xi32, #tpu.memory_space<vmem>> -> memref<128xi32, #tpu.memory_space<vmem>>
        %dma_wait3A_234 = arith.constant 0 : i32
        %dma_wait3A_235 = arith.constant 0 : i32
        %dma_wait3A_236 = tpu.memref_slice %arg8[%dma_wait3A_234, %dma_wait3A_235] : memref<3840000x8xf32, #tpu.memory_space<hbm>> -> memref<3840000x8xf32, #tpu.memory_space<hbm>>
        tpu.wait_indirect_dma semaphore(%arg21 : memref<!tpu.dma_semaphore, #tpu.memory_space<semaphore_mem>>) src(%dma_wait3A_236 : memref<3840000x8xf32, #tpu.memory_space<hbm>>) dst(%dma_wait3A_230 : memref<128x8xf32, #tpu.memory_space<vmem>>)
        %dma_wait3A_237 = arith.constant 5 : i32
        %dma_wait3A_238 = arith.constant 640 : i32
        %dma_wait3A_239 = arith.constant 0 : i32
        %dma_wait3A_240 = tpu.memref_slice %arg16[%dma_wait3A_238, %dma_wait3A_239] : memref<1280x8xf32, #tpu.memory_space<vmem>> -> memref<128x8xf32, #tpu.memory_space<vmem>>
        %dma_wait3A_241 = arith.constant 0 : i32
        %dma_wait3A_242 = tpu.memref_slice %arg15[%dma_wait3A_237, %dma_wait3A_241] : memref<20x128xi32, #tpu.memory_space<vmem>> -> memref<1x128xi32, #tpu.memory_space<vmem>>
        %dma_wait3A_243 = tpu.memref_squeeze %dma_wait3A_242 : memref<1x128xi32, #tpu.memory_space<vmem>> -> memref<128xi32, #tpu.memory_space<vmem>>
        %dma_wait3A_244 = arith.constant 0 : i32
        %dma_wait3A_245 = arith.constant 0 : i32
        %dma_wait3A_246 = tpu.memref_slice %arg8[%dma_wait3A_244, %dma_wait3A_245] : memref<3840000x8xf32, #tpu.memory_space<hbm>> -> memref<3840000x8xf32, #tpu.memory_space<hbm>>
        tpu.wait_indirect_dma semaphore(%arg21 : memref<!tpu.dma_semaphore, #tpu.memory_space<semaphore_mem>>) src(%dma_wait3A_246 : memref<3840000x8xf32, #tpu.memory_space<hbm>>) dst(%dma_wait3A_240 : memref<128x8xf32, #tpu.memory_space<vmem>>)
        %dma_wait3A_247 = arith.constant 6 : i32
        %dma_wait3A_248 = arith.constant 768 : i32
        %dma_wait3A_249 = arith.constant 0 : i32
        %dma_wait3A_250 = tpu.memref_slice %arg16[%dma_wait3A_248, %dma_wait3A_249] : memref<1280x8xf32, #tpu.memory_space<vmem>> -> memref<128x8xf32, #tpu.memory_space<vmem>>
        %dma_wait3A_251 = arith.constant 0 : i32
        %dma_wait3A_252 = tpu.memref_slice %arg15[%dma_wait3A_247, %dma_wait3A_251] : memref<20x128xi32, #tpu.memory_space<vmem>> -> memref<1x128xi32, #tpu.memory_space<vmem>>
        %dma_wait3A_253 = tpu.memref_squeeze %dma_wait3A_252 : memref<1x128xi32, #tpu.memory_space<vmem>> -> memref<128xi32, #tpu.memory_space<vmem>>
        %dma_wait3A_254 = arith.constant 0 : i32
        %dma_wait3A_255 = arith.constant 0 : i32
        %dma_wait3A_256 = tpu.memref_slice %arg8[%dma_wait3A_254, %dma_wait3A_255] : memref<3840000x8xf32, #tpu.memory_space<hbm>> -> memref<3840000x8xf32, #tpu.memory_space<hbm>>
        tpu.wait_indirect_dma semaphore(%arg21 : memref<!tpu.dma_semaphore, #tpu.memory_space<semaphore_mem>>) src(%dma_wait3A_256 : memref<3840000x8xf32, #tpu.memory_space<hbm>>) dst(%dma_wait3A_250 : memref<128x8xf32, #tpu.memory_space<vmem>>)
        %dma_wait3A_257 = arith.constant 7 : i32
        %dma_wait3A_258 = arith.constant 896 : i32
        %dma_wait3A_259 = arith.constant 0 : i32
        %dma_wait3A_260 = tpu.memref_slice %arg16[%dma_wait3A_258, %dma_wait3A_259] : memref<1280x8xf32, #tpu.memory_space<vmem>> -> memref<128x8xf32, #tpu.memory_space<vmem>>
        %dma_wait3A_261 = arith.constant 0 : i32
        %dma_wait3A_262 = tpu.memref_slice %arg15[%dma_wait3A_257, %dma_wait3A_261] : memref<20x128xi32, #tpu.memory_space<vmem>> -> memref<1x128xi32, #tpu.memory_space<vmem>>
        %dma_wait3A_263 = tpu.memref_squeeze %dma_wait3A_262 : memref<1x128xi32, #tpu.memory_space<vmem>> -> memref<128xi32, #tpu.memory_space<vmem>>
        %dma_wait3A_264 = arith.constant 0 : i32
        %dma_wait3A_265 = arith.constant 0 : i32
        %dma_wait3A_266 = tpu.memref_slice %arg8[%dma_wait3A_264, %dma_wait3A_265] : memref<3840000x8xf32, #tpu.memory_space<hbm>> -> memref<3840000x8xf32, #tpu.memory_space<hbm>>
        tpu.wait_indirect_dma semaphore(%arg21 : memref<!tpu.dma_semaphore, #tpu.memory_space<semaphore_mem>>) src(%dma_wait3A_266 : memref<3840000x8xf32, #tpu.memory_space<hbm>>) dst(%dma_wait3A_260 : memref<128x8xf32, #tpu.memory_space<vmem>>)
        %dma_wait3A_267 = arith.constant 8 : i32
        %dma_wait3A_268 = arith.constant 1024 : i32
        %dma_wait3A_269 = arith.constant 0 : i32
        %dma_wait3A_270 = tpu.memref_slice %arg16[%dma_wait3A_268, %dma_wait3A_269] : memref<1280x8xf32, #tpu.memory_space<vmem>> -> memref<128x8xf32, #tpu.memory_space<vmem>>
        %dma_wait3A_271 = arith.constant 0 : i32
        %dma_wait3A_272 = tpu.memref_slice %arg15[%dma_wait3A_267, %dma_wait3A_271] : memref<20x128xi32, #tpu.memory_space<vmem>> -> memref<1x128xi32, #tpu.memory_space<vmem>>
        %dma_wait3A_273 = tpu.memref_squeeze %dma_wait3A_272 : memref<1x128xi32, #tpu.memory_space<vmem>> -> memref<128xi32, #tpu.memory_space<vmem>>
        %dma_wait3A_274 = arith.constant 0 : i32
        %dma_wait3A_275 = arith.constant 0 : i32
        %dma_wait3A_276 = tpu.memref_slice %arg8[%dma_wait3A_274, %dma_wait3A_275] : memref<3840000x8xf32, #tpu.memory_space<hbm>> -> memref<3840000x8xf32, #tpu.memory_space<hbm>>
        tpu.wait_indirect_dma semaphore(%arg21 : memref<!tpu.dma_semaphore, #tpu.memory_space<semaphore_mem>>) src(%dma_wait3A_276 : memref<3840000x8xf32, #tpu.memory_space<hbm>>) dst(%dma_wait3A_270 : memref<128x8xf32, #tpu.memory_space<vmem>>)
        %dma_wait3A_277 = arith.constant 9 : i32
        %dma_wait3A_278 = arith.constant 1152 : i32
        %dma_wait3A_279 = arith.constant 0 : i32
        %dma_wait3A_280 = tpu.memref_slice %arg16[%dma_wait3A_278, %dma_wait3A_279] : memref<1280x8xf32, #tpu.memory_space<vmem>> -> memref<128x8xf32, #tpu.memory_space<vmem>>
        %dma_wait3A_281 = arith.constant 0 : i32
        %dma_wait3A_282 = tpu.memref_slice %arg15[%dma_wait3A_277, %dma_wait3A_281] : memref<20x128xi32, #tpu.memory_space<vmem>> -> memref<1x128xi32, #tpu.memory_space<vmem>>
        %dma_wait3A_283 = tpu.memref_squeeze %dma_wait3A_282 : memref<1x128xi32, #tpu.memory_space<vmem>> -> memref<128xi32, #tpu.memory_space<vmem>>
        %dma_wait3A_284 = arith.constant 0 : i32
        %dma_wait3A_285 = arith.constant 0 : i32
        %dma_wait3A_286 = tpu.memref_slice %arg8[%dma_wait3A_284, %dma_wait3A_285] : memref<3840000x8xf32, #tpu.memory_space<hbm>> -> memref<3840000x8xf32, #tpu.memory_space<hbm>>
        tpu.wait_indirect_dma semaphore(%arg21 : memref<!tpu.dma_semaphore, #tpu.memory_space<semaphore_mem>>) src(%dma_wait3A_286 : memref<3840000x8xf32, #tpu.memory_space<hbm>>) dst(%dma_wait3A_280 : memref<128x8xf32, #tpu.memory_space<vmem>>)
        %parallel_loop3A_287 = arith.constant 0 : i32
        %parallel_loop3A_288 = arith.constant 80 : i32
        %parallel_loop3A_289 = arith.constant 1 : i32
        scf.for %parallel_loop3A_416 = %parallel_loop3A_287 to %parallel_loop3A_288 step %parallel_loop3A_289  : i32 {
          %parallel_loop3A_417 = arith.constant 16 : i32
          %parallel_loop3A_418 = arith.muli %parallel_loop3A_416, %parallel_loop3A_417 : i32
          %parallel_loop3A_419 = arith.index_cast %parallel_loop3A_418 : i32 to index
          %parallel_loop3A_420 = tpu.vector_load %arg11[%parallel_loop3A_419] {strides = array<i32>} : memref<1280xi32, #tpu.memory_space<vmem>>, vector<16xi32>,
          %parallel_loop3A_421 = arith.index_cast %parallel_loop3A_418 : i32 to index
          %parallel_loop3A_422 = tpu.vector_load %arg13[%parallel_loop3A_421] {strides = array<i32>} : memref<1280xf32, #tpu.memory_space<vmem>>, vector<16xf32>,
          %parallel_loop3A_423 = arith.constant 16 : i32
          %parallel_loop3A_424 = arith.muli %parallel_loop3A_416, %parallel_loop3A_423 : i32
          %parallel_loop3A_425 = vector.broadcast %parallel_loop3A_424 : i32 to vector<16xi32>
          %parallel_loop3A_426 = arith.addi %iota3A, %parallel_loop3A_425 : vector<16xi32>
          %parallel_loop3A_427 = arith.constant 0 : i32
          %parallel_loop3A_428 = vector.broadcast %parallel_loop3A_427 : i32 to vector<16xi32>
          %parallel_loop3A_429 = tpu.vector_load_idx %arg16[%parallel_loop3A_426, %parallel_loop3A_428] : memref<1280x8xf32, #tpu.memory_space<vmem>>[vector<16xi32>, vector<16xi32>], vector<16xf32>,
          %parallel_loop3A_430 = arith.mulf %parallel_loop3A_429, %parallel_loop3A_422 : vector<16xf32>
          tpu.vector_store_idx %arg18[%parallel_loop3A_420, %parallel_loop3A_428], %parallel_loop3A_430 {add = true} : memref<10000x8xf32, #tpu.memory_space<vmem>>[vector<16xi32>, vector<16xi32>], vector<16xf32>,
          %parallel_loop3A_431 = arith.constant 1 : i32
          %parallel_loop3A_432 = vector.broadcast %parallel_loop3A_431 : i32 to vector<16xi32>
          %parallel_loop3A_433 = tpu.vector_load_idx %arg16[%parallel_loop3A_426, %parallel_loop3A_432] : memref<1280x8xf32, #tpu.memory_space<vmem>>[vector<16xi32>, vector<16xi32>], vector<16xf32>,
          %parallel_loop3A_434 = arith.mulf %parallel_loop3A_433, %parallel_loop3A_422 : vector<16xf32>
          tpu.vector_store_idx %arg18[%parallel_loop3A_420, %parallel_loop3A_432], %parallel_loop3A_434 {add = true} : memref<10000x8xf32, #tpu.memory_space<vmem>>[vector<16xi32>, vector<16xi32>], vector<16xf32>,
          %parallel_loop3A_435 = arith.constant 2 : i32
          %parallel_loop3A_436 = vector.broadcast %parallel_loop3A_435 : i32 to vector<16xi32>
          %parallel_loop3A_437 = tpu.vector_load_idx %arg16[%parallel_loop3A_426, %parallel_loop3A_436] : memref<1280x8xf32, #tpu.memory_space<vmem>>[vector<16xi32>, vector<16xi32>], vector<16xf32>,
          %parallel_loop3A_438 = arith.mulf %parallel_loop3A_437, %parallel_loop3A_422 : vector<16xf32>
          tpu.vector_store_idx %arg18[%parallel_loop3A_420, %parallel_loop3A_436], %parallel_loop3A_438 {add = true} : memref<10000x8xf32, #tpu.memory_space<vmem>>[vector<16xi32>, vector<16xi32>], vector<16xf32>,
          %parallel_loop3A_439 = arith.constant 3 : i32
          %parallel_loop3A_440 = vector.broadcast %parallel_loop3A_439 : i32 to vector<16xi32>
          %parallel_loop3A_441 = tpu.vector_load_idx %arg16[%parallel_loop3A_426, %parallel_loop3A_440] : memref<1280x8xf32, #tpu.memory_space<vmem>>[vector<16xi32>, vector<16xi32>], vector<16xf32>,
          %parallel_loop3A_442 = arith.mulf %parallel_loop3A_441, %parallel_loop3A_422 : vector<16xf32>
          tpu.vector_store_idx %arg18[%parallel_loop3A_420, %parallel_loop3A_440], %parallel_loop3A_442 {add = true} : memref<10000x8xf32, #tpu.memory_space<vmem>>[vector<16xi32>, vector<16xi32>], vector<16xf32>,
          %parallel_loop3A_443 = arith.constant 4 : i32
          %parallel_loop3A_444 = vector.broadcast %parallel_loop3A_443 : i32 to vector<16xi32>
          %parallel_loop3A_445 = tpu.vector_load_idx %arg16[%parallel_loop3A_426, %parallel_loop3A_444] : memref<1280x8xf32, #tpu.memory_space<vmem>>[vector<16xi32>, vector<16xi32>], vector<16xf32>,
          %parallel_loop3A_446 = arith.mulf %parallel_loop3A_445, %parallel_loop3A_422 : vector<16xf32>
          tpu.vector_store_idx %arg18[%parallel_loop3A_420, %parallel_loop3A_444], %parallel_loop3A_446 {add = true} : memref<10000x8xf32, #tpu.memory_space<vmem>>[vector<16xi32>, vector<16xi32>], vector<16xf32>,
          %parallel_loop3A_447 = arith.constant 5 : i32
          %parallel_loop3A_448 = vector.broadcast %parallel_loop3A_447 : i32 to vector<16xi32>
          %parallel_loop3A_449 = tpu.vector_load_idx %arg16[%parallel_loop3A_426, %parallel_loop3A_448] : memref<1280x8xf32, #tpu.memory_space<vmem>>[vector<16xi32>, vector<16xi32>], vector<16xf32>,
          %parallel_loop3A_450 = arith.mulf %parallel_loop3A_449, %parallel_loop3A_422 : vector<16xf32>
          tpu.vector_store_idx %arg18[%parallel_loop3A_420, %parallel_loop3A_448], %parallel_loop3A_450 {add = true} : memref<10000x8xf32, #tpu.memory_space<vmem>>[vector<16xi32>, vector<16xi32>], vector<16xf32>,
          %parallel_loop3A_451 = arith.constant 6 : i32
          %parallel_loop3A_452 = vector.broadcast %parallel_loop3A_451 : i32 to vector<16xi32>
          %parallel_loop3A_453 = tpu.vector_load_idx %arg16[%parallel_loop3A_426, %parallel_loop3A_452] : memref<1280x8xf32, #tpu.memory_space<vmem>>[vector<16xi32>, vector<16xi32>], vector<16xf32>,
          %parallel_loop3A_454 = arith.mulf %parallel_loop3A_453, %parallel_loop3A_422 : vector<16xf32>
          tpu.vector_store_idx %arg18[%parallel_loop3A_420, %parallel_loop3A_452], %parallel_loop3A_454 {add = true} : memref<10000x8xf32, #tpu.memory_space<vmem>>[vector<16xi32>, vector<16xi32>], vector<16xf32>,
          %parallel_loop3A_455 = arith.constant 7 : i32
          %parallel_loop3A_456 = vector.broadcast %parallel_loop3A_455 : i32 to vector<16xi32>
          %parallel_loop3A_457 = tpu.vector_load_idx %arg16[%parallel_loop3A_426, %parallel_loop3A_456] : memref<1280x8xf32, #tpu.memory_space<vmem>>[vector<16xi32>, vector<16xi32>], vector<16xf32>,
          %parallel_loop3A_458 = arith.mulf %parallel_loop3A_457, %parallel_loop3A_422 : vector<16xf32>
          tpu.vector_store_idx %arg18[%parallel_loop3A_420, %parallel_loop3A_456], %parallel_loop3A_458 {add = true} : memref<10000x8xf32, #tpu.memory_space<vmem>>[vector<16xi32>, vector<16xi32>], vector<16xf32>,
        } {sc.loop_unroll_factor = 2 : i64, sc.parallel_access}
        %add3A_290 = arith.constant 2 : i32
        %add3A_291 = arith.addi %add3A_182, %add3A_290 : i32
        %lt3A_292 = arith.constant 250 : i32
        %lt3A_293 = arith.cmpi slt, %add3A_291, %lt3A_292 : i32
        %convert_element_type3A_294 = arith.extui %lt3A_293 : i1 to i32
        %cond3A_295 = arith.constant 0 : i32
        %cond3A_296 = arith.cmpi ne, %convert_element_type3A_294, %cond3A_295 : i32
        scf.if %cond3A_296 {
          %add3A_416 = arith.constant 2 : i32
          %add3A_417 = arith.addi %add3A_182, %add3A_416 : i32
          %mul3A_418 = arith.constant 1280 : i32
          %mul3A_419 = arith.muli %add3A_417, %mul3A_418 : i32
          %dma_start3A_420 = tpu.memref_slice %arg3[%mul3A_419] : memref<320000xi32, #tpu.memory_space<hbm>> -> memref<1280xi32, #tpu.memory_space<hbm>>
          %dma_start3A_421 = tpu.memref_slice %arg3[%mul3A_419] : memref<320000xi32, #tpu.memory_space<hbm>> -> memref<1280xi32, #tpu.memory_space<hbm>>
          tpu.enqueue_dma source(%dma_start3A_421 : memref<1280xi32, #tpu.memory_space<hbm>>) target(%arg9 : memref<1280xi32, #tpu.memory_space<vmem>>) target_semaphore(%arg19 : memref<!tpu.dma_semaphore, #tpu.memory_space<semaphore_mem>>)
          %dma_start3A_422 = tpu.memref_slice %arg4[%mul3A_419] : memref<320000xi32, #tpu.memory_space<hbm>> -> memref<1280xi32, #tpu.memory_space<hbm>>
          %dma_start3A_423 = tpu.memref_slice %arg4[%mul3A_419] : memref<320000xi32, #tpu.memory_space<hbm>> -> memref<1280xi32, #tpu.memory_space<hbm>>
          tpu.enqueue_dma source(%dma_start3A_423 : memref<1280xi32, #tpu.memory_space<hbm>>) target(%arg11 : memref<1280xi32, #tpu.memory_space<vmem>>) target_semaphore(%arg19 : memref<!tpu.dma_semaphore, #tpu.memory_space<semaphore_mem>>)
          %dma_start3A_424 = tpu.memref_slice %arg5[%mul3A_419] : memref<320000xf32, #tpu.memory_space<hbm>> -> memref<1280xf32, #tpu.memory_space<hbm>>
          %dma_start3A_425 = tpu.memref_slice %arg5[%mul3A_419] : memref<320000xf32, #tpu.memory_space<hbm>> -> memref<1280xf32, #tpu.memory_space<hbm>>
          tpu.enqueue_dma source(%dma_start3A_425 : memref<1280xf32, #tpu.memory_space<hbm>>) target(%arg13 : memref<1280xf32, #tpu.memory_space<vmem>>) target_semaphore(%arg19 : memref<!tpu.dma_semaphore, #tpu.memory_space<semaphore_mem>>)
        } else {
        }
        %add3A_297 = arith.constant 1 : i32
        %add3A_298 = arith.addi %add3A_180, %add3A_297 : i32
        %add3A_299 = arith.constant 1 : i32
        %add3A_300 = arith.addi %add3A_298, %add3A_299 : i32
        %lt3A_301 = arith.constant 250 : i32
        %lt3A_302 = arith.cmpi slt, %add3A_300, %lt3A_301 : i32
        %convert_element_type3A_303 = arith.extui %lt3A_302 : i1 to i32
        %cond3A_304 = arith.constant 0 : i32
        %cond3A_305 = arith.cmpi ne, %convert_element_type3A_303, %cond3A_304 : i32
        scf.if %cond3A_305 {
          %add3A_416 = arith.constant 1 : i32
          %add3A_417 = arith.addi %add3A_298, %add3A_416 : i32
          %mul3A_418 = arith.constant 1280 : i32
          %mul3A_419 = arith.muli %add3A_417, %mul3A_418 : i32
          %dma_wait3A_420 = tpu.memref_slice %arg3[%mul3A_419] : memref<320000xi32, #tpu.memory_space<hbm>> -> memref<1280xi32, #tpu.memory_space<hbm>>
          %dma_wait3A_421 = tpu.memref_slice %arg3[%mul3A_419] : memref<320000xi32, #tpu.memory_space<hbm>> -> memref<1280xi32, #tpu.memory_space<hbm>>
          tpu.wait_dma2 semaphore(%arg19 : memref<!tpu.dma_semaphore, #tpu.memory_space<semaphore_mem>>) src(%dma_wait3A_421 : memref<1280xi32, #tpu.memory_space<hbm>>) dst(%arg9 : memref<1280xi32, #tpu.memory_space<vmem>>)
          %dma_wait3A_422 = tpu.memref_slice %arg4[%mul3A_419] : memref<320000xi32, #tpu.memory_space<hbm>> -> memref<1280xi32, #tpu.memory_space<hbm>>
          %dma_wait3A_423 = tpu.memref_slice %arg4[%mul3A_419] : memref<320000xi32, #tpu.memory_space<hbm>> -> memref<1280xi32, #tpu.memory_space<hbm>>
          tpu.wait_dma2 semaphore(%arg19 : memref<!tpu.dma_semaphore, #tpu.memory_space<semaphore_mem>>) src(%dma_wait3A_423 : memref<1280xi32, #tpu.memory_space<hbm>>) dst(%arg11 : memref<1280xi32, #tpu.memory_space<vmem>>)
          %dma_wait3A_424 = tpu.memref_slice %arg5[%mul3A_419] : memref<320000xf32, #tpu.memory_space<hbm>> -> memref<1280xf32, #tpu.memory_space<hbm>>
          %dma_wait3A_425 = tpu.memref_slice %arg5[%mul3A_419] : memref<320000xf32, #tpu.memory_space<hbm>> -> memref<1280xf32, #tpu.memory_space<hbm>>
          tpu.wait_dma2 semaphore(%arg19 : memref<!tpu.dma_semaphore, #tpu.memory_space<semaphore_mem>>) src(%dma_wait3A_425 : memref<1280xf32, #tpu.memory_space<hbm>>) dst(%arg13 : memref<1280xf32, #tpu.memory_space<vmem>>)
          %add3A_426 = arith.addi %mul3A_2, %add3A_30 : i32
          %parallel_loop3A_427 = arith.constant 0 : i32
          %parallel_loop3A_428 = arith.constant 10 : i32
          %parallel_loop3A_429 = arith.constant 1 : i32
          scf.for %parallel_loop3A_530 = %parallel_loop3A_427 to %parallel_loop3A_428 step %parallel_loop3A_429  : i32 {
            %parallel_loop3A_531 = arith.constant 128 : i32
            %parallel_loop3A_532 = arith.muli %parallel_loop3A_530, %parallel_loop3A_531 : i32
            %parallel_loop3A_533 = arith.constant 0 : i32
            %parallel_loop3A_534 = arith.addi %parallel_loop3A_532, %parallel_loop3A_533 : i32
            %parallel_loop3A_535 = arith.index_cast %parallel_loop3A_534 : i32 to index
            %parallel_loop3A_536 = tpu.vector_load %arg9[%parallel_loop3A_535] {strides = array<i32>} : memref<1280xi32, #tpu.memory_space<vmem>>, vector<16xi32>,
            %parallel_loop3A_537 = vector.broadcast %add3A_426 : i32 to vector<16xi32>
            %parallel_loop3A_538 = arith.addi %parallel_loop3A_536, %parallel_loop3A_537 : vector<16xi32>
            %parallel_loop3A_539 = arith.constant 0 : i32
            %parallel_loop3A_540 = arith.addi %parallel_loop3A_539, %parallel_loop3A_530 : i32
            %parallel_loop3A_541 = arith.index_cast %parallel_loop3A_540 : i32 to index
            %parallel_loop3A_542 = arith.constant 0 : index
            %parallel_loop3A_543 = tpu.vector_load %arg15[%parallel_loop3A_541, %parallel_loop3A_542] {strides = array<i32>} : memref<20x128xi32, #tpu.memory_space<vmem>>, vector<16xi32>,
            tpu.vector_store %arg15[%parallel_loop3A_541, %parallel_loop3A_542], %parallel_loop3A_538 {strides = array<i32>} : memref<20x128xi32, #tpu.memory_space<vmem>>, vector<16xi32>,
            %parallel_loop3A_544 = arith.constant 128 : i32
            %parallel_loop3A_545 = arith.muli %parallel_loop3A_530, %parallel_loop3A_544 : i32
            %parallel_loop3A_546 = arith.constant 16 : i32
            %parallel_loop3A_547 = arith.addi %parallel_loop3A_545, %parallel_loop3A_546 : i32
            %parallel_loop3A_548 = arith.index_cast %parallel_loop3A_547 : i32 to index
            %parallel_loop3A_549 = tpu.vector_load %arg9[%parallel_loop3A_548] {strides = array<i32>} : memref<1280xi32, #tpu.memory_space<vmem>>, vector<16xi32>,
            %parallel_loop3A_550 = vector.broadcast %add3A_426 : i32 to vector<16xi32>
            %parallel_loop3A_551 = arith.addi %parallel_loop3A_549, %parallel_loop3A_550 : vector<16xi32>
            %parallel_loop3A_552 = arith.constant 0 : i32
            %parallel_loop3A_553 = arith.addi %parallel_loop3A_552, %parallel_loop3A_530 : i32
            %parallel_loop3A_554 = arith.index_cast %parallel_loop3A_553 : i32 to index
            %parallel_loop3A_555 = arith.constant 16 : index
            %parallel_loop3A_556 = tpu.vector_load %arg15[%parallel_loop3A_554, %parallel_loop3A_555] {strides = array<i32>} : memref<20x128xi32, #tpu.memory_space<vmem>>, vector<16xi32>,
            tpu.vector_store %arg15[%parallel_loop3A_554, %parallel_loop3A_555], %parallel_loop3A_551 {strides = array<i32>} : memref<20x128xi32, #tpu.memory_space<vmem>>, vector<16xi32>,
            %parallel_loop3A_557 = arith.constant 128 : i32
            %parallel_loop3A_558 = arith.muli %parallel_loop3A_530, %parallel_loop3A_557 : i32
            %parallel_loop3A_559 = arith.constant 32 : i32
            %parallel_loop3A_560 = arith.addi %parallel_loop3A_558, %parallel_loop3A_559 : i32
            %parallel_loop3A_561 = arith.index_cast %parallel_loop3A_560 : i32 to index
            %parallel_loop3A_562 = tpu.vector_load %arg9[%parallel_loop3A_561] {strides = array<i32>} : memref<1280xi32, #tpu.memory_space<vmem>>, vector<16xi32>,
            %parallel_loop3A_563 = vector.broadcast %add3A_426 : i32 to vector<16xi32>
            %parallel_loop3A_564 = arith.addi %parallel_loop3A_562, %parallel_loop3A_563 : vector<16xi32>
            %parallel_loop3A_565 = arith.constant 0 : i32
            %parallel_loop3A_566 = arith.addi %parallel_loop3A_565, %parallel_loop3A_530 : i32
            %parallel_loop3A_567 = arith.index_cast %parallel_loop3A_566 : i32 to index
            %parallel_loop3A_568 = arith.constant 32 : index
            %parallel_loop3A_569 = tpu.vector_load %arg15[%parallel_loop3A_567, %parallel_loop3A_568] {strides = array<i32>} : memref<20x128xi32, #tpu.memory_space<vmem>>, vector<16xi32>,
            tpu.vector_store %arg15[%parallel_loop3A_567, %parallel_loop3A_568], %parallel_loop3A_564 {strides = array<i32>} : memref<20x128xi32, #tpu.memory_space<vmem>>, vector<16xi32>,
            %parallel_loop3A_570 = arith.constant 128 : i32
            %parallel_loop3A_571 = arith.muli %parallel_loop3A_530, %parallel_loop3A_570 : i32
            %parallel_loop3A_572 = arith.constant 48 : i32
            %parallel_loop3A_573 = arith.addi %parallel_loop3A_571, %parallel_loop3A_572 : i32
            %parallel_loop3A_574 = arith.index_cast %parallel_loop3A_573 : i32 to index
            %parallel_loop3A_575 = tpu.vector_load %arg9[%parallel_loop3A_574] {strides = array<i32>} : memref<1280xi32, #tpu.memory_space<vmem>>, vector<16xi32>,
            %parallel_loop3A_576 = vector.broadcast %add3A_426 : i32 to vector<16xi32>
            %parallel_loop3A_577 = arith.addi %parallel_loop3A_575, %parallel_loop3A_576 : vector<16xi32>
            %parallel_loop3A_578 = arith.constant 0 : i32
            %parallel_loop3A_579 = arith.addi %parallel_loop3A_578, %parallel_loop3A_530 : i32
            %parallel_loop3A_580 = arith.index_cast %parallel_loop3A_579 : i32 to index
            %parallel_loop3A_581 = arith.constant 48 : index
            %parallel_loop3A_582 = tpu.vector_load %arg15[%parallel_loop3A_580, %parallel_loop3A_581] {strides = array<i32>} : memref<20x128xi32, #tpu.memory_space<vmem>>, vector<16xi32>,
            tpu.vector_store %arg15[%parallel_loop3A_580, %parallel_loop3A_581], %parallel_loop3A_577 {strides = array<i32>} : memref<20x128xi32, #tpu.memory_space<vmem>>, vector<16xi32>,
            %parallel_loop3A_583 = arith.constant 128 : i32
            %parallel_loop3A_584 = arith.muli %parallel_loop3A_530, %parallel_loop3A_583 : i32
            %parallel_loop3A_585 = arith.constant 64 : i32
            %parallel_loop3A_586 = arith.addi %parallel_loop3A_584, %parallel_loop3A_585 : i32
            %parallel_loop3A_587 = arith.index_cast %parallel_loop3A_586 : i32 to index
            %parallel_loop3A_588 = tpu.vector_load %arg9[%parallel_loop3A_587] {strides = array<i32>} : memref<1280xi32, #tpu.memory_space<vmem>>, vector<16xi32>,
            %parallel_loop3A_589 = vector.broadcast %add3A_426 : i32 to vector<16xi32>
            %parallel_loop3A_590 = arith.addi %parallel_loop3A_588, %parallel_loop3A_589 : vector<16xi32>
            %parallel_loop3A_591 = arith.constant 0 : i32
            %parallel_loop3A_592 = arith.addi %parallel_loop3A_591, %parallel_loop3A_530 : i32
            %parallel_loop3A_593 = arith.index_cast %parallel_loop3A_592 : i32 to index
            %parallel_loop3A_594 = arith.constant 64 : index
            %parallel_loop3A_595 = tpu.vector_load %arg15[%parallel_loop3A_593, %parallel_loop3A_594] {strides = array<i32>} : memref<20x128xi32, #tpu.memory_space<vmem>>, vector<16xi32>,
            tpu.vector_store %arg15[%parallel_loop3A_593, %parallel_loop3A_594], %parallel_loop3A_590 {strides = array<i32>} : memref<20x128xi32, #tpu.memory_space<vmem>>, vector<16xi32>,
            %parallel_loop3A_596 = arith.constant 128 : i32
            %parallel_loop3A_597 = arith.muli %parallel_loop3A_530, %parallel_loop3A_596 : i32
            %parallel_loop3A_598 = arith.constant 80 : i32
            %parallel_loop3A_599 = arith.addi %parallel_loop3A_597, %parallel_loop3A_598 : i32
            %parallel_loop3A_600 = arith.index_cast %parallel_loop3A_599 : i32 to index
            %parallel_loop3A_601 = tpu.vector_load %arg9[%parallel_loop3A_600] {strides = array<i32>} : memref<1280xi32, #tpu.memory_space<vmem>>, vector<16xi32>,
            %parallel_loop3A_602 = vector.broadcast %add3A_426 : i32 to vector<16xi32>
            %parallel_loop3A_603 = arith.addi %parallel_loop3A_601, %parallel_loop3A_602 : vector<16xi32>
            %parallel_loop3A_604 = arith.constant 0 : i32
            %parallel_loop3A_605 = arith.addi %parallel_loop3A_604, %parallel_loop3A_530 : i32
            %parallel_loop3A_606 = arith.index_cast %parallel_loop3A_605 : i32 to index
            %parallel_loop3A_607 = arith.constant 80 : index
            %parallel_loop3A_608 = tpu.vector_load %arg15[%parallel_loop3A_606, %parallel_loop3A_607] {strides = array<i32>} : memref<20x128xi32, #tpu.memory_space<vmem>>, vector<16xi32>,
            tpu.vector_store %arg15[%parallel_loop3A_606, %parallel_loop3A_607], %parallel_loop3A_603 {strides = array<i32>} : memref<20x128xi32, #tpu.memory_space<vmem>>, vector<16xi32>,
            %parallel_loop3A_609 = arith.constant 128 : i32
            %parallel_loop3A_610 = arith.muli %parallel_loop3A_530, %parallel_loop3A_609 : i32
            %parallel_loop3A_611 = arith.constant 96 : i32
            %parallel_loop3A_612 = arith.addi %parallel_loop3A_610, %parallel_loop3A_611 : i32
            %parallel_loop3A_613 = arith.index_cast %parallel_loop3A_612 : i32 to index
            %parallel_loop3A_614 = tpu.vector_load %arg9[%parallel_loop3A_613] {strides = array<i32>} : memref<1280xi32, #tpu.memory_space<vmem>>, vector<16xi32>,
            %parallel_loop3A_615 = vector.broadcast %add3A_426 : i32 to vector<16xi32>
            %parallel_loop3A_616 = arith.addi %parallel_loop3A_614, %parallel_loop3A_615 : vector<16xi32>
            %parallel_loop3A_617 = arith.constant 0 : i32
            %parallel_loop3A_618 = arith.addi %parallel_loop3A_617, %parallel_loop3A_530 : i32
            %parallel_loop3A_619 = arith.index_cast %parallel_loop3A_618 : i32 to index
            %parallel_loop3A_620 = arith.constant 96 : index
            %parallel_loop3A_621 = tpu.vector_load %arg15[%parallel_loop3A_619, %parallel_loop3A_620] {strides = array<i32>} : memref<20x128xi32, #tpu.memory_space<vmem>>, vector<16xi32>,
            tpu.vector_store %arg15[%parallel_loop3A_619, %parallel_loop3A_620], %parallel_loop3A_616 {strides = array<i32>} : memref<20x128xi32, #tpu.memory_space<vmem>>, vector<16xi32>,
            %parallel_loop3A_622 = arith.constant 128 : i32
            %parallel_loop3A_623 = arith.muli %parallel_loop3A_530, %parallel_loop3A_622 : i32
            %parallel_loop3A_624 = arith.constant 112 : i32
            %parallel_loop3A_625 = arith.addi %parallel_loop3A_623, %parallel_loop3A_624 : i32
            %parallel_loop3A_626 = arith.index_cast %parallel_loop3A_625 : i32 to index
            %parallel_loop3A_627 = tpu.vector_load %arg9[%parallel_loop3A_626] {strides = array<i32>} : memref<1280xi32, #tpu.memory_space<vmem>>, vector<16xi32>,
            %parallel_loop3A_628 = vector.broadcast %add3A_426 : i32 to vector<16xi32>
            %parallel_loop3A_629 = arith.addi %parallel_loop3A_627, %parallel_loop3A_628 : vector<16xi32>
            %parallel_loop3A_630 = arith.constant 0 : i32
            %parallel_loop3A_631 = arith.addi %parallel_loop3A_630, %parallel_loop3A_530 : i32
            %parallel_loop3A_632 = arith.index_cast %parallel_loop3A_631 : i32 to index
            %parallel_loop3A_633 = arith.constant 112 : index
            %parallel_loop3A_634 = tpu.vector_load %arg15[%parallel_loop3A_632, %parallel_loop3A_633] {strides = array<i32>} : memref<20x128xi32, #tpu.memory_space<vmem>>, vector<16xi32>,
            tpu.vector_store %arg15[%parallel_loop3A_632, %parallel_loop3A_633], %parallel_loop3A_629 {strides = array<i32>} : memref<20x128xi32, #tpu.memory_space<vmem>>, vector<16xi32>,
          } {sc.loop_unroll_factor = 2 : i64, sc.parallel_access}
          %dma_start3A_430 = arith.constant 0 : i32
          %dma_start3A_431 = arith.constant 0 : i32
          %dma_start3A_432 = arith.constant 0 : i32
          %dma_start3A_433 = tpu.memref_slice %arg16[%dma_start3A_431, %dma_start3A_432] : memref<1280x8xf32, #tpu.memory_space<vmem>> -> memref<128x8xf32, #tpu.memory_space<vmem>>
          %dma_start3A_434 = arith.constant 0 : i32
          %dma_start3A_435 = tpu.memref_slice %arg15[%dma_start3A_430, %dma_start3A_434] : memref<20x128xi32, #tpu.memory_space<vmem>> -> memref<1x128xi32, #tpu.memory_space<vmem>>
          %dma_start3A_436 = tpu.memref_squeeze %dma_start3A_435 : memref<1x128xi32, #tpu.memory_space<vmem>> -> memref<128xi32, #tpu.memory_space<vmem>>
          %dma_start3A_437 = arith.constant 0 : i32
          %dma_start3A_438 = arith.constant 0 : i32
          %dma_start3A_439 = tpu.memref_slice %arg8[%dma_start3A_437, %dma_start3A_438] : memref<3840000x8xf32, #tpu.memory_space<hbm>> -> memref<3840000x8xf32, #tpu.memory_space<hbm>>
          tpu.enqueue_indirect_dma source(%dma_start3A_439 : memref<3840000x8xf32, #tpu.memory_space<hbm>>) target(%dma_start3A_433 : memref<128x8xf32, #tpu.memory_space<vmem>>) offsets(%dma_start3A_436 : memref<128xi32, #tpu.memory_space<vmem>>) semaphore(%arg21 : memref<!tpu.dma_semaphore, #tpu.memory_space<semaphore_mem>>)
          %dma_start3A_440 = arith.constant 1 : i32
          %dma_start3A_441 = arith.constant 128 : i32
          %dma_start3A_442 = arith.constant 0 : i32
          %dma_start3A_443 = tpu.memref_slice %arg16[%dma_start3A_441, %dma_start3A_442] : memref<1280x8xf32, #tpu.memory_space<vmem>> -> memref<128x8xf32, #tpu.memory_space<vmem>>
          %dma_start3A_444 = arith.constant 0 : i32
          %dma_start3A_445 = tpu.memref_slice %arg15[%dma_start3A_440, %dma_start3A_444] : memref<20x128xi32, #tpu.memory_space<vmem>> -> memref<1x128xi32, #tpu.memory_space<vmem>>
          %dma_start3A_446 = tpu.memref_squeeze %dma_start3A_445 : memref<1x128xi32, #tpu.memory_space<vmem>> -> memref<128xi32, #tpu.memory_space<vmem>>
          %dma_start3A_447 = arith.constant 0 : i32
          %dma_start3A_448 = arith.constant 0 : i32
          %dma_start3A_449 = tpu.memref_slice %arg8[%dma_start3A_447, %dma_start3A_448] : memref<3840000x8xf32, #tpu.memory_space<hbm>> -> memref<3840000x8xf32, #tpu.memory_space<hbm>>
          tpu.enqueue_indirect_dma source(%dma_start3A_449 : memref<3840000x8xf32, #tpu.memory_space<hbm>>) target(%dma_start3A_443 : memref<128x8xf32, #tpu.memory_space<vmem>>) offsets(%dma_start3A_446 : memref<128xi32, #tpu.memory_space<vmem>>) semaphore(%arg21 : memref<!tpu.dma_semaphore, #tpu.memory_space<semaphore_mem>>)
          %dma_start3A_450 = arith.constant 2 : i32
          %dma_start3A_451 = arith.constant 256 : i32
          %dma_start3A_452 = arith.constant 0 : i32
          %dma_start3A_453 = tpu.memref_slice %arg16[%dma_start3A_451, %dma_start3A_452] : memref<1280x8xf32, #tpu.memory_space<vmem>> -> memref<128x8xf32, #tpu.memory_space<vmem>>
          %dma_start3A_454 = arith.constant 0 : i32
          %dma_start3A_455 = tpu.memref_slice %arg15[%dma_start3A_450, %dma_start3A_454] : memref<20x128xi32, #tpu.memory_space<vmem>> -> memref<1x128xi32, #tpu.memory_space<vmem>>
          %dma_start3A_456 = tpu.memref_squeeze %dma_start3A_455 : memref<1x128xi32, #tpu.memory_space<vmem>> -> memref<128xi32, #tpu.memory_space<vmem>>
          %dma_start3A_457 = arith.constant 0 : i32
          %dma_start3A_458 = arith.constant 0 : i32
          %dma_start3A_459 = tpu.memref_slice %arg8[%dma_start3A_457, %dma_start3A_458] : memref<3840000x8xf32, #tpu.memory_space<hbm>> -> memref<3840000x8xf32, #tpu.memory_space<hbm>>
          tpu.enqueue_indirect_dma source(%dma_start3A_459 : memref<3840000x8xf32, #tpu.memory_space<hbm>>) target(%dma_start3A_453 : memref<128x8xf32, #tpu.memory_space<vmem>>) offsets(%dma_start3A_456 : memref<128xi32, #tpu.memory_space<vmem>>) semaphore(%arg21 : memref<!tpu.dma_semaphore, #tpu.memory_space<semaphore_mem>>)
          %dma_start3A_460 = arith.constant 3 : i32
          %dma_start3A_461 = arith.constant 384 : i32
          %dma_start3A_462 = arith.constant 0 : i32
          %dma_start3A_463 = tpu.memref_slice %arg16[%dma_start3A_461, %dma_start3A_462] : memref<1280x8xf32, #tpu.memory_space<vmem>> -> memref<128x8xf32, #tpu.memory_space<vmem>>
          %dma_start3A_464 = arith.constant 0 : i32
          %dma_start3A_465 = tpu.memref_slice %arg15[%dma_start3A_460, %dma_start3A_464] : memref<20x128xi32, #tpu.memory_space<vmem>> -> memref<1x128xi32, #tpu.memory_space<vmem>>
          %dma_start3A_466 = tpu.memref_squeeze %dma_start3A_465 : memref<1x128xi32, #tpu.memory_space<vmem>> -> memref<128xi32, #tpu.memory_space<vmem>>
          %dma_start3A_467 = arith.constant 0 : i32
          %dma_start3A_468 = arith.constant 0 : i32
          %dma_start3A_469 = tpu.memref_slice %arg8[%dma_start3A_467, %dma_start3A_468] : memref<3840000x8xf32, #tpu.memory_space<hbm>> -> memref<3840000x8xf32, #tpu.memory_space<hbm>>
          tpu.enqueue_indirect_dma source(%dma_start3A_469 : memref<3840000x8xf32, #tpu.memory_space<hbm>>) target(%dma_start3A_463 : memref<128x8xf32, #tpu.memory_space<vmem>>) offsets(%dma_start3A_466 : memref<128xi32, #tpu.memory_space<vmem>>) semaphore(%arg21 : memref<!tpu.dma_semaphore, #tpu.memory_space<semaphore_mem>>)
          %dma_start3A_470 = arith.constant 4 : i32
          %dma_start3A_471 = arith.constant 512 : i32
          %dma_start3A_472 = arith.constant 0 : i32
          %dma_start3A_473 = tpu.memref_slice %arg16[%dma_start3A_471, %dma_start3A_472] : memref<1280x8xf32, #tpu.memory_space<vmem>> -> memref<128x8xf32, #tpu.memory_space<vmem>>
          %dma_start3A_474 = arith.constant 0 : i32
          %dma_start3A_475 = tpu.memref_slice %arg15[%dma_start3A_470, %dma_start3A_474] : memref<20x128xi32, #tpu.memory_space<vmem>> -> memref<1x128xi32, #tpu.memory_space<vmem>>
          %dma_start3A_476 = tpu.memref_squeeze %dma_start3A_475 : memref<1x128xi32, #tpu.memory_space<vmem>> -> memref<128xi32, #tpu.memory_space<vmem>>
          %dma_start3A_477 = arith.constant 0 : i32
          %dma_start3A_478 = arith.constant 0 : i32
          %dma_start3A_479 = tpu.memref_slice %arg8[%dma_start3A_477, %dma_start3A_478] : memref<3840000x8xf32, #tpu.memory_space<hbm>> -> memref<3840000x8xf32, #tpu.memory_space<hbm>>
          tpu.enqueue_indirect_dma source(%dma_start3A_479 : memref<3840000x8xf32, #tpu.memory_space<hbm>>) target(%dma_start3A_473 : memref<128x8xf32, #tpu.memory_space<vmem>>) offsets(%dma_start3A_476 : memref<128xi32, #tpu.memory_space<vmem>>) semaphore(%arg21 : memref<!tpu.dma_semaphore, #tpu.memory_space<semaphore_mem>>)
          %dma_start3A_480 = arith.constant 5 : i32
          %dma_start3A_481 = arith.constant 640 : i32
          %dma_start3A_482 = arith.constant 0 : i32
          %dma_start3A_483 = tpu.memref_slice %arg16[%dma_start3A_481, %dma_start3A_482] : memref<1280x8xf32, #tpu.memory_space<vmem>> -> memref<128x8xf32, #tpu.memory_space<vmem>>
          %dma_start3A_484 = arith.constant 0 : i32
          %dma_start3A_485 = tpu.memref_slice %arg15[%dma_start3A_480, %dma_start3A_484] : memref<20x128xi32, #tpu.memory_space<vmem>> -> memref<1x128xi32, #tpu.memory_space<vmem>>
          %dma_start3A_486 = tpu.memref_squeeze %dma_start3A_485 : memref<1x128xi32, #tpu.memory_space<vmem>> -> memref<128xi32, #tpu.memory_space<vmem>>
          %dma_start3A_487 = arith.constant 0 : i32
          %dma_start3A_488 = arith.constant 0 : i32
          %dma_start3A_489 = tpu.memref_slice %arg8[%dma_start3A_487, %dma_start3A_488] : memref<3840000x8xf32, #tpu.memory_space<hbm>> -> memref<3840000x8xf32, #tpu.memory_space<hbm>>
          tpu.enqueue_indirect_dma source(%dma_start3A_489 : memref<3840000x8xf32, #tpu.memory_space<hbm>>) target(%dma_start3A_483 : memref<128x8xf32, #tpu.memory_space<vmem>>) offsets(%dma_start3A_486 : memref<128xi32, #tpu.memory_space<vmem>>) semaphore(%arg21 : memref<!tpu.dma_semaphore, #tpu.memory_space<semaphore_mem>>)
          %dma_start3A_490 = arith.constant 6 : i32
          %dma_start3A_491 = arith.constant 768 : i32
          %dma_start3A_492 = arith.constant 0 : i32
          %dma_start3A_493 = tpu.memref_slice %arg16[%dma_start3A_491, %dma_start3A_492] : memref<1280x8xf32, #tpu.memory_space<vmem>> -> memref<128x8xf32, #tpu.memory_space<vmem>>
          %dma_start3A_494 = arith.constant 0 : i32
          %dma_start3A_495 = tpu.memref_slice %arg15[%dma_start3A_490, %dma_start3A_494] : memref<20x128xi32, #tpu.memory_space<vmem>> -> memref<1x128xi32, #tpu.memory_space<vmem>>
          %dma_start3A_496 = tpu.memref_squeeze %dma_start3A_495 : memref<1x128xi32, #tpu.memory_space<vmem>> -> memref<128xi32, #tpu.memory_space<vmem>>
          %dma_start3A_497 = arith.constant 0 : i32
          %dma_start3A_498 = arith.constant 0 : i32
          %dma_start3A_499 = tpu.memref_slice %arg8[%dma_start3A_497, %dma_start3A_498] : memref<3840000x8xf32, #tpu.memory_space<hbm>> -> memref<3840000x8xf32, #tpu.memory_space<hbm>>
          tpu.enqueue_indirect_dma source(%dma_start3A_499 : memref<3840000x8xf32, #tpu.memory_space<hbm>>) target(%dma_start3A_493 : memref<128x8xf32, #tpu.memory_space<vmem>>) offsets(%dma_start3A_496 : memref<128xi32, #tpu.memory_space<vmem>>) semaphore(%arg21 : memref<!tpu.dma_semaphore, #tpu.memory_space<semaphore_mem>>)
          %dma_start3A_500 = arith.constant 7 : i32
          %dma_start3A_501 = arith.constant 896 : i32
          %dma_start3A_502 = arith.constant 0 : i32
          %dma_start3A_503 = tpu.memref_slice %arg16[%dma_start3A_501, %dma_start3A_502] : memref<1280x8xf32, #tpu.memory_space<vmem>> -> memref<128x8xf32, #tpu.memory_space<vmem>>
          %dma_start3A_504 = arith.constant 0 : i32
          %dma_start3A_505 = tpu.memref_slice %arg15[%dma_start3A_500, %dma_start3A_504] : memref<20x128xi32, #tpu.memory_space<vmem>> -> memref<1x128xi32, #tpu.memory_space<vmem>>
          %dma_start3A_506 = tpu.memref_squeeze %dma_start3A_505 : memref<1x128xi32, #tpu.memory_space<vmem>> -> memref<128xi32, #tpu.memory_space<vmem>>
          %dma_start3A_507 = arith.constant 0 : i32
          %dma_start3A_508 = arith.constant 0 : i32
          %dma_start3A_509 = tpu.memref_slice %arg8[%dma_start3A_507, %dma_start3A_508] : memref<3840000x8xf32, #tpu.memory_space<hbm>> -> memref<3840000x8xf32, #tpu.memory_space<hbm>>
          tpu.enqueue_indirect_dma source(%dma_start3A_509 : memref<3840000x8xf32, #tpu.memory_space<hbm>>) target(%dma_start3A_503 : memref<128x8xf32, #tpu.memory_space<vmem>>) offsets(%dma_start3A_506 : memref<128xi32, #tpu.memory_space<vmem>>) semaphore(%arg21 : memref<!tpu.dma_semaphore, #tpu.memory_space<semaphore_mem>>)
          %dma_start3A_510 = arith.constant 8 : i32
          %dma_start3A_511 = arith.constant 1024 : i32
          %dma_start3A_512 = arith.constant 0 : i32
          %dma_start3A_513 = tpu.memref_slice %arg16[%dma_start3A_511, %dma_start3A_512] : memref<1280x8xf32, #tpu.memory_space<vmem>> -> memref<128x8xf32, #tpu.memory_space<vmem>>
          %dma_start3A_514 = arith.constant 0 : i32
          %dma_start3A_515 = tpu.memref_slice %arg15[%dma_start3A_510, %dma_start3A_514] : memref<20x128xi32, #tpu.memory_space<vmem>> -> memref<1x128xi32, #tpu.memory_space<vmem>>
          %dma_start3A_516 = tpu.memref_squeeze %dma_start3A_515 : memref<1x128xi32, #tpu.memory_space<vmem>> -> memref<128xi32, #tpu.memory_space<vmem>>
          %dma_start3A_517 = arith.constant 0 : i32
          %dma_start3A_518 = arith.constant 0 : i32
          %dma_start3A_519 = tpu.memref_slice %arg8[%dma_start3A_517, %dma_start3A_518] : memref<3840000x8xf32, #tpu.memory_space<hbm>> -> memref<3840000x8xf32, #tpu.memory_space<hbm>>
          tpu.enqueue_indirect_dma source(%dma_start3A_519 : memref<3840000x8xf32, #tpu.memory_space<hbm>>) target(%dma_start3A_513 : memref<128x8xf32, #tpu.memory_space<vmem>>) offsets(%dma_start3A_516 : memref<128xi32, #tpu.memory_space<vmem>>) semaphore(%arg21 : memref<!tpu.dma_semaphore, #tpu.memory_space<semaphore_mem>>)
          %dma_start3A_520 = arith.constant 9 : i32
          %dma_start3A_521 = arith.constant 1152 : i32
          %dma_start3A_522 = arith.constant 0 : i32
          %dma_start3A_523 = tpu.memref_slice %arg16[%dma_start3A_521, %dma_start3A_522] : memref<1280x8xf32, #tpu.memory_space<vmem>> -> memref<128x8xf32, #tpu.memory_space<vmem>>
          %dma_start3A_524 = arith.constant 0 : i32
          %dma_start3A_525 = tpu.memref_slice %arg15[%dma_start3A_520, %dma_start3A_524] : memref<20x128xi32, #tpu.memory_space<vmem>> -> memref<1x128xi32, #tpu.memory_space<vmem>>
          %dma_start3A_526 = tpu.memref_squeeze %dma_start3A_525 : memref<1x128xi32, #tpu.memory_space<vmem>> -> memref<128xi32, #tpu.memory_space<vmem>>
          %dma_start3A_527 = arith.constant 0 : i32
          %dma_start3A_528 = arith.constant 0 : i32
          %dma_start3A_529 = tpu.memref_slice %arg8[%dma_start3A_527, %dma_start3A_528] : memref<3840000x8xf32, #tpu.memory_space<hbm>> -> memref<3840000x8xf32, #tpu.memory_space<hbm>>
          tpu.enqueue_indirect_dma source(%dma_start3A_529 : memref<3840000x8xf32, #tpu.memory_space<hbm>>) target(%dma_start3A_523 : memref<128x8xf32, #tpu.memory_space<vmem>>) offsets(%dma_start3A_526 : memref<128xi32, #tpu.memory_space<vmem>>) semaphore(%arg21 : memref<!tpu.dma_semaphore, #tpu.memory_space<semaphore_mem>>)
        } else {
        }
        %dma_wait3A_306 = arith.constant 10 : i32
        %dma_wait3A_307 = arith.constant 0 : i32
        %dma_wait3A_308 = arith.constant 0 : i32
        %dma_wait3A_309 = tpu.memref_slice %arg17[%dma_wait3A_307, %dma_wait3A_308] : memref<1280x8xf32, #tpu.memory_space<vmem>> -> memref<128x8xf32, #tpu.memory_space<vmem>>
        %dma_wait3A_310 = arith.constant 0 : i32
        %dma_wait3A_311 = tpu.memref_slice %arg15[%dma_wait3A_306, %dma_wait3A_310] : memref<20x128xi32, #tpu.memory_space<vmem>> -> memref<1x128xi32, #tpu.memory_space<vmem>>
        %dma_wait3A_312 = tpu.memref_squeeze %dma_wait3A_311 : memref<1x128xi32, #tpu.memory_space<vmem>> -> memref<128xi32, #tpu.memory_space<vmem>>
        %dma_wait3A_313 = arith.constant 0 : i32
        %dma_wait3A_314 = arith.constant 0 : i32
        %dma_wait3A_315 = tpu.memref_slice %arg8[%dma_wait3A_313, %dma_wait3A_314] : memref<3840000x8xf32, #tpu.memory_space<hbm>> -> memref<3840000x8xf32, #tpu.memory_space<hbm>>
        tpu.wait_indirect_dma semaphore(%arg22 : memref<!tpu.dma_semaphore, #tpu.memory_space<semaphore_mem>>) src(%dma_wait3A_315 : memref<3840000x8xf32, #tpu.memory_space<hbm>>) dst(%dma_wait3A_309 : memref<128x8xf32, #tpu.memory_space<vmem>>)
        %dma_wait3A_316 = arith.constant 11 : i32
        %dma_wait3A_317 = arith.constant 128 : i32
        %dma_wait3A_318 = arith.constant 0 : i32
        %dma_wait3A_319 = tpu.memref_slice %arg17[%dma_wait3A_317, %dma_wait3A_318] : memref<1280x8xf32, #tpu.memory_space<vmem>> -> memref<128x8xf32, #tpu.memory_space<vmem>>
        %dma_wait3A_320 = arith.constant 0 : i32
        %dma_wait3A_321 = tpu.memref_slice %arg15[%dma_wait3A_316, %dma_wait3A_320] : memref<20x128xi32, #tpu.memory_space<vmem>> -> memref<1x128xi32, #tpu.memory_space<vmem>>
        %dma_wait3A_322 = tpu.memref_squeeze %dma_wait3A_321 : memref<1x128xi32, #tpu.memory_space<vmem>> -> memref<128xi32, #tpu.memory_space<vmem>>
        %dma_wait3A_323 = arith.constant 0 : i32
        %dma_wait3A_324 = arith.constant 0 : i32
        %dma_wait3A_325 = tpu.memref_slice %arg8[%dma_wait3A_323, %dma_wait3A_324] : memref<3840000x8xf32, #tpu.memory_space<hbm>> -> memref<3840000x8xf32, #tpu.memory_space<hbm>>
        tpu.wait_indirect_dma semaphore(%arg22 : memref<!tpu.dma_semaphore, #tpu.memory_space<semaphore_mem>>) src(%dma_wait3A_325 : memref<3840000x8xf32, #tpu.memory_space<hbm>>) dst(%dma_wait3A_319 : memref<128x8xf32, #tpu.memory_space<vmem>>)
        %dma_wait3A_326 = arith.constant 12 : i32
        %dma_wait3A_327 = arith.constant 256 : i32
        %dma_wait3A_328 = arith.constant 0 : i32
        %dma_wait3A_329 = tpu.memref_slice %arg17[%dma_wait3A_327, %dma_wait3A_328] : memref<1280x8xf32, #tpu.memory_space<vmem>> -> memref<128x8xf32, #tpu.memory_space<vmem>>
        %dma_wait3A_330 = arith.constant 0 : i32
        %dma_wait3A_331 = tpu.memref_slice %arg15[%dma_wait3A_326, %dma_wait3A_330] : memref<20x128xi32, #tpu.memory_space<vmem>> -> memref<1x128xi32, #tpu.memory_space<vmem>>
        %dma_wait3A_332 = tpu.memref_squeeze %dma_wait3A_331 : memref<1x128xi32, #tpu.memory_space<vmem>> -> memref<128xi32, #tpu.memory_space<vmem>>
        %dma_wait3A_333 = arith.constant 0 : i32
        %dma_wait3A_334 = arith.constant 0 : i32
        %dma_wait3A_335 = tpu.memref_slice %arg8[%dma_wait3A_333, %dma_wait3A_334] : memref<3840000x8xf32, #tpu.memory_space<hbm>> -> memref<3840000x8xf32, #tpu.memory_space<hbm>>
        tpu.wait_indirect_dma semaphore(%arg22 : memref<!tpu.dma_semaphore, #tpu.memory_space<semaphore_mem>>) src(%dma_wait3A_335 : memref<3840000x8xf32, #tpu.memory_space<hbm>>) dst(%dma_wait3A_329 : memref<128x8xf32, #tpu.memory_space<vmem>>)
        %dma_wait3A_336 = arith.constant 13 : i32
        %dma_wait3A_337 = arith.constant 384 : i32
        %dma_wait3A_338 = arith.constant 0 : i32
        %dma_wait3A_339 = tpu.memref_slice %arg17[%dma_wait3A_337, %dma_wait3A_338] : memref<1280x8xf32, #tpu.memory_space<vmem>> -> memref<128x8xf32, #tpu.memory_space<vmem>>
        %dma_wait3A_340 = arith.constant 0 : i32
        %dma_wait3A_341 = tpu.memref_slice %arg15[%dma_wait3A_336, %dma_wait3A_340] : memref<20x128xi32, #tpu.memory_space<vmem>> -> memref<1x128xi32, #tpu.memory_space<vmem>>
        %dma_wait3A_342 = tpu.memref_squeeze %dma_wait3A_341 : memref<1x128xi32, #tpu.memory_space<vmem>> -> memref<128xi32, #tpu.memory_space<vmem>>
        %dma_wait3A_343 = arith.constant 0 : i32
        %dma_wait3A_344 = arith.constant 0 : i32
        %dma_wait3A_345 = tpu.memref_slice %arg8[%dma_wait3A_343, %dma_wait3A_344] : memref<3840000x8xf32, #tpu.memory_space<hbm>> -> memref<3840000x8xf32, #tpu.memory_space<hbm>>
        tpu.wait_indirect_dma semaphore(%arg22 : memref<!tpu.dma_semaphore, #tpu.memory_space<semaphore_mem>>) src(%dma_wait3A_345 : memref<3840000x8xf32, #tpu.memory_space<hbm>>) dst(%dma_wait3A_339 : memref<128x8xf32, #tpu.memory_space<vmem>>)
        %dma_wait3A_346 = arith.constant 14 : i32
        %dma_wait3A_347 = arith.constant 512 : i32
        %dma_wait3A_348 = arith.constant 0 : i32
        %dma_wait3A_349 = tpu.memref_slice %arg17[%dma_wait3A_347, %dma_wait3A_348] : memref<1280x8xf32, #tpu.memory_space<vmem>> -> memref<128x8xf32, #tpu.memory_space<vmem>>
        %dma_wait3A_350 = arith.constant 0 : i32
        %dma_wait3A_351 = tpu.memref_slice %arg15[%dma_wait3A_346, %dma_wait3A_350] : memref<20x128xi32, #tpu.memory_space<vmem>> -> memref<1x128xi32, #tpu.memory_space<vmem>>
        %dma_wait3A_352 = tpu.memref_squeeze %dma_wait3A_351 : memref<1x128xi32, #tpu.memory_space<vmem>> -> memref<128xi32, #tpu.memory_space<vmem>>
        %dma_wait3A_353 = arith.constant 0 : i32
        %dma_wait3A_354 = arith.constant 0 : i32
        %dma_wait3A_355 = tpu.memref_slice %arg8[%dma_wait3A_353, %dma_wait3A_354] : memref<3840000x8xf32, #tpu.memory_space<hbm>> -> memref<3840000x8xf32, #tpu.memory_space<hbm>>
        tpu.wait_indirect_dma semaphore(%arg22 : memref<!tpu.dma_semaphore, #tpu.memory_space<semaphore_mem>>) src(%dma_wait3A_355 : memref<3840000x8xf32, #tpu.memory_space<hbm>>) dst(%dma_wait3A_349 : memref<128x8xf32, #tpu.memory_space<vmem>>)
        %dma_wait3A_356 = arith.constant 15 : i32
        %dma_wait3A_357 = arith.constant 640 : i32
        %dma_wait3A_358 = arith.constant 0 : i32
        %dma_wait3A_359 = tpu.memref_slice %arg17[%dma_wait3A_357, %dma_wait3A_358] : memref<1280x8xf32, #tpu.memory_space<vmem>> -> memref<128x8xf32, #tpu.memory_space<vmem>>
        %dma_wait3A_360 = arith.constant 0 : i32
        %dma_wait3A_361 = tpu.memref_slice %arg15[%dma_wait3A_356, %dma_wait3A_360] : memref<20x128xi32, #tpu.memory_space<vmem>> -> memref<1x128xi32, #tpu.memory_space<vmem>>
        %dma_wait3A_362 = tpu.memref_squeeze %dma_wait3A_361 : memref<1x128xi32, #tpu.memory_space<vmem>> -> memref<128xi32, #tpu.memory_space<vmem>>
        %dma_wait3A_363 = arith.constant 0 : i32
        %dma_wait3A_364 = arith.constant 0 : i32
        %dma_wait3A_365 = tpu.memref_slice %arg8[%dma_wait3A_363, %dma_wait3A_364] : memref<3840000x8xf32, #tpu.memory_space<hbm>> -> memref<3840000x8xf32, #tpu.memory_space<hbm>>
        tpu.wait_indirect_dma semaphore(%arg22 : memref<!tpu.dma_semaphore, #tpu.memory_space<semaphore_mem>>) src(%dma_wait3A_365 : memref<3840000x8xf32, #tpu.memory_space<hbm>>) dst(%dma_wait3A_359 : memref<128x8xf32, #tpu.memory_space<vmem>>)
        %dma_wait3A_366 = arith.constant 16 : i32
        %dma_wait3A_367 = arith.constant 768 : i32
        %dma_wait3A_368 = arith.constant 0 : i32
        %dma_wait3A_369 = tpu.memref_slice %arg17[%dma_wait3A_367, %dma_wait3A_368] : memref<1280x8xf32, #tpu.memory_space<vmem>> -> memref<128x8xf32, #tpu.memory_space<vmem>>
        %dma_wait3A_370 = arith.constant 0 : i32
        %dma_wait3A_371 = tpu.memref_slice %arg15[%dma_wait3A_366, %dma_wait3A_370] : memref<20x128xi32, #tpu.memory_space<vmem>> -> memref<1x128xi32, #tpu.memory_space<vmem>>
        %dma_wait3A_372 = tpu.memref_squeeze %dma_wait3A_371 : memref<1x128xi32, #tpu.memory_space<vmem>> -> memref<128xi32, #tpu.memory_space<vmem>>
        %dma_wait3A_373 = arith.constant 0 : i32
        %dma_wait3A_374 = arith.constant 0 : i32
        %dma_wait3A_375 = tpu.memref_slice %arg8[%dma_wait3A_373, %dma_wait3A_374] : memref<3840000x8xf32, #tpu.memory_space<hbm>> -> memref<3840000x8xf32, #tpu.memory_space<hbm>>
        tpu.wait_indirect_dma semaphore(%arg22 : memref<!tpu.dma_semaphore, #tpu.memory_space<semaphore_mem>>) src(%dma_wait3A_375 : memref<3840000x8xf32, #tpu.memory_space<hbm>>) dst(%dma_wait3A_369 : memref<128x8xf32, #tpu.memory_space<vmem>>)
        %dma_wait3A_376 = arith.constant 17 : i32
        %dma_wait3A_377 = arith.constant 896 : i32
        %dma_wait3A_378 = arith.constant 0 : i32
        %dma_wait3A_379 = tpu.memref_slice %arg17[%dma_wait3A_377, %dma_wait3A_378] : memref<1280x8xf32, #tpu.memory_space<vmem>> -> memref<128x8xf32, #tpu.memory_space<vmem>>
        %dma_wait3A_380 = arith.constant 0 : i32
        %dma_wait3A_381 = tpu.memref_slice %arg15[%dma_wait3A_376, %dma_wait3A_380] : memref<20x128xi32, #tpu.memory_space<vmem>> -> memref<1x128xi32, #tpu.memory_space<vmem>>
        %dma_wait3A_382 = tpu.memref_squeeze %dma_wait3A_381 : memref<1x128xi32, #tpu.memory_space<vmem>> -> memref<128xi32, #tpu.memory_space<vmem>>
        %dma_wait3A_383 = arith.constant 0 : i32
        %dma_wait3A_384 = arith.constant 0 : i32
        %dma_wait3A_385 = tpu.memref_slice %arg8[%dma_wait3A_383, %dma_wait3A_384] : memref<3840000x8xf32, #tpu.memory_space<hbm>> -> memref<3840000x8xf32, #tpu.memory_space<hbm>>
        tpu.wait_indirect_dma semaphore(%arg22 : memref<!tpu.dma_semaphore, #tpu.memory_space<semaphore_mem>>) src(%dma_wait3A_385 : memref<3840000x8xf32, #tpu.memory_space<hbm>>) dst(%dma_wait3A_379 : memref<128x8xf32, #tpu.memory_space<vmem>>)
        %dma_wait3A_386 = arith.constant 18 : i32
        %dma_wait3A_387 = arith.constant 1024 : i32
        %dma_wait3A_388 = arith.constant 0 : i32
        %dma_wait3A_389 = tpu.memref_slice %arg17[%dma_wait3A_387, %dma_wait3A_388] : memref<1280x8xf32, #tpu.memory_space<vmem>> -> memref<128x8xf32, #tpu.memory_space<vmem>>
        %dma_wait3A_390 = arith.constant 0 : i32
        %dma_wait3A_391 = tpu.memref_slice %arg15[%dma_wait3A_386, %dma_wait3A_390] : memref<20x128xi32, #tpu.memory_space<vmem>> -> memref<1x128xi32, #tpu.memory_space<vmem>>
        %dma_wait3A_392 = tpu.memref_squeeze %dma_wait3A_391 : memref<1x128xi32, #tpu.memory_space<vmem>> -> memref<128xi32, #tpu.memory_space<vmem>>
        %dma_wait3A_393 = arith.constant 0 : i32
        %dma_wait3A_394 = arith.constant 0 : i32
        %dma_wait3A_395 = tpu.memref_slice %arg8[%dma_wait3A_393, %dma_wait3A_394] : memref<3840000x8xf32, #tpu.memory_space<hbm>> -> memref<3840000x8xf32, #tpu.memory_space<hbm>>
        tpu.wait_indirect_dma semaphore(%arg22 : memref<!tpu.dma_semaphore, #tpu.memory_space<semaphore_mem>>) src(%dma_wait3A_395 : memref<3840000x8xf32, #tpu.memory_space<hbm>>) dst(%dma_wait3A_389 : memref<128x8xf32, #tpu.memory_space<vmem>>)
        %dma_wait3A_396 = arith.constant 19 : i32
        %dma_wait3A_397 = arith.constant 1152 : i32
        %dma_wait3A_398 = arith.constant 0 : i32
        %dma_wait3A_399 = tpu.memref_slice %arg17[%dma_wait3A_397, %dma_wait3A_398] : memref<1280x8xf32, #tpu.memory_space<vmem>> -> memref<128x8xf32, #tpu.memory_space<vmem>>
        %dma_wait3A_400 = arith.constant 0 : i32
        %dma_wait3A_401 = tpu.memref_slice %arg15[%dma_wait3A_396, %dma_wait3A_400] : memref<20x128xi32, #tpu.memory_space<vmem>> -> memref<1x128xi32, #tpu.memory_space<vmem>>
        %dma_wait3A_402 = tpu.memref_squeeze %dma_wait3A_401 : memref<1x128xi32, #tpu.memory_space<vmem>> -> memref<128xi32, #tpu.memory_space<vmem>>
        %dma_wait3A_403 = arith.constant 0 : i32
        %dma_wait3A_404 = arith.constant 0 : i32
        %dma_wait3A_405 = tpu.memref_slice %arg8[%dma_wait3A_403, %dma_wait3A_404] : memref<3840000x8xf32, #tpu.memory_space<hbm>> -> memref<3840000x8xf32, #tpu.memory_space<hbm>>
        tpu.wait_indirect_dma semaphore(%arg22 : memref<!tpu.dma_semaphore, #tpu.memory_space<semaphore_mem>>) src(%dma_wait3A_405 : memref<3840000x8xf32, #tpu.memory_space<hbm>>) dst(%dma_wait3A_399 : memref<128x8xf32, #tpu.memory_space<vmem>>)
        %parallel_loop3A_406 = arith.constant 0 : i32
        %parallel_loop3A_407 = arith.constant 80 : i32
        %parallel_loop3A_408 = arith.constant 1 : i32
        scf.for %parallel_loop3A_416 = %parallel_loop3A_406 to %parallel_loop3A_407 step %parallel_loop3A_408  : i32 {
          %parallel_loop3A_417 = arith.constant 16 : i32
          %parallel_loop3A_418 = arith.muli %parallel_loop3A_416, %parallel_loop3A_417 : i32
          %parallel_loop3A_419 = arith.index_cast %parallel_loop3A_418 : i32 to index
          %parallel_loop3A_420 = tpu.vector_load %arg12[%parallel_loop3A_419] {strides = array<i32>} : memref<1280xi32, #tpu.memory_space<vmem>>, vector<16xi32>,
          %parallel_loop3A_421 = arith.index_cast %parallel_loop3A_418 : i32 to index
          %parallel_loop3A_422 = tpu.vector_load %arg14[%parallel_loop3A_421] {strides = array<i32>} : memref<1280xf32, #tpu.memory_space<vmem>>, vector<16xf32>,
          %parallel_loop3A_423 = arith.constant 16 : i32
          %parallel_loop3A_424 = arith.muli %parallel_loop3A_416, %parallel_loop3A_423 : i32
          %parallel_loop3A_425 = vector.broadcast %parallel_loop3A_424 : i32 to vector<16xi32>
          %parallel_loop3A_426 = arith.addi %iota3A, %parallel_loop3A_425 : vector<16xi32>
          %parallel_loop3A_427 = arith.constant 0 : i32
          %parallel_loop3A_428 = vector.broadcast %parallel_loop3A_427 : i32 to vector<16xi32>
          %parallel_loop3A_429 = tpu.vector_load_idx %arg17[%parallel_loop3A_426, %parallel_loop3A_428] : memref<1280x8xf32, #tpu.memory_space<vmem>>[vector<16xi32>, vector<16xi32>], vector<16xf32>,
          %parallel_loop3A_430 = arith.mulf %parallel_loop3A_429, %parallel_loop3A_422 : vector<16xf32>
          tpu.vector_store_idx %arg18[%parallel_loop3A_420, %parallel_loop3A_428], %parallel_loop3A_430 {add = true} : memref<10000x8xf32, #tpu.memory_space<vmem>>[vector<16xi32>, vector<16xi32>], vector<16xf32>,
          %parallel_loop3A_431 = arith.constant 1 : i32
          %parallel_loop3A_432 = vector.broadcast %parallel_loop3A_431 : i32 to vector<16xi32>
          %parallel_loop3A_433 = tpu.vector_load_idx %arg17[%parallel_loop3A_426, %parallel_loop3A_432] : memref<1280x8xf32, #tpu.memory_space<vmem>>[vector<16xi32>, vector<16xi32>], vector<16xf32>,
          %parallel_loop3A_434 = arith.mulf %parallel_loop3A_433, %parallel_loop3A_422 : vector<16xf32>
          tpu.vector_store_idx %arg18[%parallel_loop3A_420, %parallel_loop3A_432], %parallel_loop3A_434 {add = true} : memref<10000x8xf32, #tpu.memory_space<vmem>>[vector<16xi32>, vector<16xi32>], vector<16xf32>,
          %parallel_loop3A_435 = arith.constant 2 : i32
          %parallel_loop3A_436 = vector.broadcast %parallel_loop3A_435 : i32 to vector<16xi32>
          %parallel_loop3A_437 = tpu.vector_load_idx %arg17[%parallel_loop3A_426, %parallel_loop3A_436] : memref<1280x8xf32, #tpu.memory_space<vmem>>[vector<16xi32>, vector<16xi32>], vector<16xf32>,
          %parallel_loop3A_438 = arith.mulf %parallel_loop3A_437, %parallel_loop3A_422 : vector<16xf32>
          tpu.vector_store_idx %arg18[%parallel_loop3A_420, %parallel_loop3A_436], %parallel_loop3A_438 {add = true} : memref<10000x8xf32, #tpu.memory_space<vmem>>[vector<16xi32>, vector<16xi32>], vector<16xf32>,
          %parallel_loop3A_439 = arith.constant 3 : i32
          %parallel_loop3A_440 = vector.broadcast %parallel_loop3A_439 : i32 to vector<16xi32>
          %parallel_loop3A_441 = tpu.vector_load_idx %arg17[%parallel_loop3A_426, %parallel_loop3A_440] : memref<1280x8xf32, #tpu.memory_space<vmem>>[vector<16xi32>, vector<16xi32>], vector<16xf32>,
          %parallel_loop3A_442 = arith.mulf %parallel_loop3A_441, %parallel_loop3A_422 : vector<16xf32>
          tpu.vector_store_idx %arg18[%parallel_loop3A_420, %parallel_loop3A_440], %parallel_loop3A_442 {add = true} : memref<10000x8xf32, #tpu.memory_space<vmem>>[vector<16xi32>, vector<16xi32>], vector<16xf32>,
          %parallel_loop3A_443 = arith.constant 4 : i32
          %parallel_loop3A_444 = vector.broadcast %parallel_loop3A_443 : i32 to vector<16xi32>
          %parallel_loop3A_445 = tpu.vector_load_idx %arg17[%parallel_loop3A_426, %parallel_loop3A_444] : memref<1280x8xf32, #tpu.memory_space<vmem>>[vector<16xi32>, vector<16xi32>], vector<16xf32>,
          %parallel_loop3A_446 = arith.mulf %parallel_loop3A_445, %parallel_loop3A_422 : vector<16xf32>
          tpu.vector_store_idx %arg18[%parallel_loop3A_420, %parallel_loop3A_444], %parallel_loop3A_446 {add = true} : memref<10000x8xf32, #tpu.memory_space<vmem>>[vector<16xi32>, vector<16xi32>], vector<16xf32>,
          %parallel_loop3A_447 = arith.constant 5 : i32
          %parallel_loop3A_448 = vector.broadcast %parallel_loop3A_447 : i32 to vector<16xi32>
          %parallel_loop3A_449 = tpu.vector_load_idx %arg17[%parallel_loop3A_426, %parallel_loop3A_448] : memref<1280x8xf32, #tpu.memory_space<vmem>>[vector<16xi32>, vector<16xi32>], vector<16xf32>,
          %parallel_loop3A_450 = arith.mulf %parallel_loop3A_449, %parallel_loop3A_422 : vector<16xf32>
          tpu.vector_store_idx %arg18[%parallel_loop3A_420, %parallel_loop3A_448], %parallel_loop3A_450 {add = true} : memref<10000x8xf32, #tpu.memory_space<vmem>>[vector<16xi32>, vector<16xi32>], vector<16xf32>,
          %parallel_loop3A_451 = arith.constant 6 : i32
          %parallel_loop3A_452 = vector.broadcast %parallel_loop3A_451 : i32 to vector<16xi32>
          %parallel_loop3A_453 = tpu.vector_load_idx %arg17[%parallel_loop3A_426, %parallel_loop3A_452] : memref<1280x8xf32, #tpu.memory_space<vmem>>[vector<16xi32>, vector<16xi32>], vector<16xf32>,
          %parallel_loop3A_454 = arith.mulf %parallel_loop3A_453, %parallel_loop3A_422 : vector<16xf32>
          tpu.vector_store_idx %arg18[%parallel_loop3A_420, %parallel_loop3A_452], %parallel_loop3A_454 {add = true} : memref<10000x8xf32, #tpu.memory_space<vmem>>[vector<16xi32>, vector<16xi32>], vector<16xf32>,
          %parallel_loop3A_455 = arith.constant 7 : i32
          %parallel_loop3A_456 = vector.broadcast %parallel_loop3A_455 : i32 to vector<16xi32>
          %parallel_loop3A_457 = tpu.vector_load_idx %arg17[%parallel_loop3A_426, %parallel_loop3A_456] : memref<1280x8xf32, #tpu.memory_space<vmem>>[vector<16xi32>, vector<16xi32>], vector<16xf32>,
          %parallel_loop3A_458 = arith.mulf %parallel_loop3A_457, %parallel_loop3A_422 : vector<16xf32>
          tpu.vector_store_idx %arg18[%parallel_loop3A_420, %parallel_loop3A_456], %parallel_loop3A_458 {add = true} : memref<10000x8xf32, #tpu.memory_space<vmem>>[vector<16xi32>, vector<16xi32>], vector<16xf32>,
        } {sc.loop_unroll_factor = 2 : i64, sc.parallel_access}
        %add3A_409 = arith.constant 2 : i32
        %add3A_410 = arith.addi %add3A_298, %add3A_409 : i32
        %lt3A_411 = arith.constant 250 : i32
        %lt3A_412 = arith.cmpi slt, %add3A_410, %lt3A_411 : i32
        %convert_element_type3A_413 = arith.extui %lt3A_412 : i1 to i32
        %cond3A_414 = arith.constant 0 : i32
        %cond3A_415 = arith.cmpi ne, %convert_element_type3A_413, %cond3A_414 : i32
        scf.if %cond3A_415 {
          %add3A_416 = arith.constant 2 : i32
          %add3A_417 = arith.addi %add3A_298, %add3A_416 : i32
          %mul3A_418 = arith.constant 1280 : i32
          %mul3A_419 = arith.muli %add3A_417, %mul3A_418 : i32
          %dma_start3A_420 = tpu.memref_slice %arg3[%mul3A_419] : memref<320000xi32, #tpu.memory_space<hbm>> -> memref<1280xi32, #tpu.memory_space<hbm>>
          %dma_start3A_421 = tpu.memref_slice %arg3[%mul3A_419] : memref<320000xi32, #tpu.memory_space<hbm>> -> memref<1280xi32, #tpu.memory_space<hbm>>
          tpu.enqueue_dma source(%dma_start3A_421 : memref<1280xi32, #tpu.memory_space<hbm>>) target(%arg10 : memref<1280xi32, #tpu.memory_space<vmem>>) target_semaphore(%arg20 : memref<!tpu.dma_semaphore, #tpu.memory_space<semaphore_mem>>)
          %dma_start3A_422 = tpu.memref_slice %arg4[%mul3A_419] : memref<320000xi32, #tpu.memory_space<hbm>> -> memref<1280xi32, #tpu.memory_space<hbm>>
          %dma_start3A_423 = tpu.memref_slice %arg4[%mul3A_419] : memref<320000xi32, #tpu.memory_space<hbm>> -> memref<1280xi32, #tpu.memory_space<hbm>>
          tpu.enqueue_dma source(%dma_start3A_423 : memref<1280xi32, #tpu.memory_space<hbm>>) target(%arg12 : memref<1280xi32, #tpu.memory_space<vmem>>) target_semaphore(%arg20 : memref<!tpu.dma_semaphore, #tpu.memory_space<semaphore_mem>>)
          %dma_start3A_424 = tpu.memref_slice %arg5[%mul3A_419] : memref<320000xf32, #tpu.memory_space<hbm>> -> memref<1280xf32, #tpu.memory_space<hbm>>
          %dma_start3A_425 = tpu.memref_slice %arg5[%mul3A_419] : memref<320000xf32, #tpu.memory_space<hbm>> -> memref<1280xf32, #tpu.memory_space<hbm>>
          tpu.enqueue_dma source(%dma_start3A_425 : memref<1280xf32, #tpu.memory_space<hbm>>) target(%arg14 : memref<1280xf32, #tpu.memory_space<vmem>>) target_semaphore(%arg20 : memref<!tpu.dma_semaphore, #tpu.memory_space<semaphore_mem>>)
        } else {
        }
      }
      %scan3A_173 = arith.constant 125 : i32
      %mul3A_174 = arith.constant 8 : i32
      %mul3A_175 = arith.muli %arg1, %mul3A_174 : i32
      "tpu.region"() ({
        %run_scoped3A = tpu.sem_alloc : memref<!tpu.dma_semaphore, #tpu.memory_space<semaphore_mem>>
        %dma_start3A_176 = arith.constant 0 : i32
        %dma_start3A_177 = tpu.memref_slice %arg7[%dma_start3A_176, %add3A_30, %mul3A_175] : memref<10000x12x128xf32, #tpu.memory_space<hbm>> -> memref<10000x1x8xf32, #tpu.memory_space<hbm>>
        %dma_start3A_178 = tpu.memref_squeeze %dma_start3A_177 : memref<10000x1x8xf32, #tpu.memory_space<hbm>> -> memref<10000x8xf32, #tpu.memory_space<hbm>>
        %dma_start3A_179 = arith.constant 0 : i32
        %dma_start3A_180 = tpu.memref_slice %arg7[%dma_start3A_179, %add3A_30, %mul3A_175] : memref<10000x12x128xf32, #tpu.memory_space<hbm>> -> memref<10000x1x8xf32, #tpu.memory_space<hbm>>
        %dma_start3A_181 = tpu.memref_squeeze %dma_start3A_180 : memref<10000x1x8xf32, #tpu.memory_space<hbm>> -> memref<10000x8xf32, #tpu.memory_space<hbm>>
        tpu.enqueue_dma source(%arg18 : memref<10000x8xf32, #tpu.memory_space<vmem>>) target(%dma_start3A_181 : memref<10000x8xf32, #tpu.memory_space<hbm>>) target_semaphore(%run_scoped3A : memref<!tpu.dma_semaphore, #tpu.memory_space<semaphore_mem>>)
        %dma_wait3A_182 = arith.constant 0 : i32
        %dma_wait3A_183 = tpu.memref_slice %arg7[%dma_wait3A_182, %add3A_30, %mul3A_175] : memref<10000x12x128xf32, #tpu.memory_space<hbm>> -> memref<10000x1x8xf32, #tpu.memory_space<hbm>>
        %dma_wait3A_184 = tpu.memref_squeeze %dma_wait3A_183 : memref<10000x1x8xf32, #tpu.memory_space<hbm>> -> memref<10000x8xf32, #tpu.memory_space<hbm>>
        %dma_wait3A_185 = arith.constant 0 : i32
        %dma_wait3A_186 = tpu.memref_slice %arg7[%dma_wait3A_185, %add3A_30, %mul3A_175] : memref<10000x12x128xf32, #tpu.memory_space<hbm>> -> memref<10000x1x8xf32, #tpu.memory_space<hbm>>
        %dma_wait3A_187 = tpu.memref_squeeze %dma_wait3A_186 : memref<10000x1x8xf32, #tpu.memory_space<hbm>> -> memref<10000x8xf32, #tpu.memory_space<hbm>>
        tpu.wait_dma2 semaphore(%run_scoped3A : memref<!tpu.dma_semaphore, #tpu.memory_space<semaphore_mem>>) src(%arg18 : memref<10000x8xf32, #tpu.memory_space<vmem>>) dst(%dma_wait3A_187 : memref<10000x8xf32, #tpu.memory_space<hbm>>)
        tpu.yield
      }) : () -> ()
    }
    %scan3A_22 = arith.constant 6 : i32
    return
  }
}

module attributes {stable_mosaic.version = 14 : i64} {
  func.func @_k1_body(%arg0: i32, %arg1: memref<1000x12x128xf32, #tpu.memory_space<vmem>>, %arg2: memref<128x128xf32, #tpu.memory_space<vmem>>, %arg3: memref<1000x12x128xf32, #tpu.memory_space<vmem>>) attributes {dimension_semantics = [#tpu.dimension_semantics<arbitrary>], iteration_bounds = array<i64: 10>, scalar_prefetch = 0 : i64, scratch_operands = 0 : i64, tpu.core_type = #tpu.core_type<tc>, window_params = [{transform_indices = @transform_0, window_bounds = array<i64: 1000, 12, 128>}, {pipeline_mode = #tpu.pipeline_mode<synchronous>, transform_indices = @transform_1, window_bounds = array<i64: 128, 128>}, {transform_indices = @transform_2, window_bounds = array<i64: 1000, 12, 128>}]} {
    %get3A = arith.constant 0 : index
    %get3A_0 = arith.constant 0 : index
    %get3A_1 = arith.constant 0 : index
    %get3A_2 = vector.load %arg1[%get3A, %get3A_0, %get3A_1] : memref<1000x12x128xf32, #tpu.memory_space<vmem>>, vector<1000x12x128xf32>
    %reshape3A = vector.shape_cast %get3A_2 : vector<1000x12x128xf32> to vector<12000x128xf32>
    %get3A_3 = arith.constant 0 : index
    %get3A_4 = arith.constant 0 : index
    %get3A_5 = vector.load %arg2[%get3A_3, %get3A_4] : memref<128x128xf32, #tpu.memory_space<vmem>>, vector<128x128xf32>
    %dot_general3A = arith.constant dense<0.000000e+00> : vector<12000x128xf32>
    %dot_general3A_6 = tpu.matmul %reshape3A, %get3A_5, %dot_general3A {dimension_numbers = #tpu.dot_dimension_numbers<[1], [0], [0], [1], [0, 0, 1, 1], [], []>, transpose_lhs_hint = false} : vector<12000x128xf32>, vector<128x128xf32>, vector<12000x128xf32> -> vector<12000x128xf32>
    %reshape3A_7 = vector.shape_cast %dot_general3A_6 : vector<12000x128xf32> to vector<1000x12x128xf32>
    %swap3A = arith.constant 0 : index
    %swap3A_8 = arith.constant 0 : index
    %swap3A_9 = arith.constant 0 : index
    %swap3A_10 = vector.load %arg3[%swap3A, %swap3A_8, %swap3A_9] : memref<1000x12x128xf32, #tpu.memory_space<vmem>>, vector<1000x12x128xf32>
    tpu.vector_store %arg3[%swap3A, %swap3A_8, %swap3A_9], %reshape3A_7 {strides = array<i32>} : memref<1000x12x128xf32, #tpu.memory_space<vmem>>, vector<1000x12x128xf32>,
    return
  }
  func.func @transform_0(%arg0: i32) -> (i32, i32, i32) {
    %c0_i32 = arith.constant 0 : i32
    %c0_i32_0 = arith.constant 0 : i32
    %c0_i32_1 = arith.constant 0 : i32
    return %arg0, %c0_i32, %c0_i32_0 : i32, i32, i32
  }
  func.func @transform_1(%arg0: i32) -> (i32, i32) {
    %c0_i32 = arith.constant 0 : i32
    %c0_i32_0 = arith.constant 0 : i32
    %c0_i32_1 = arith.constant 0 : i32
    return %c0_i32, %c0_i32_0 : i32, i32
  }
  func.func @transform_2(%arg0: i32) -> (i32, i32, i32) {
    %c0_i32 = arith.constant 0 : i32
    %c0_i32_0 = arith.constant 0 : i32
    %c0_i32_1 = arith.constant 0 : i32
    return %arg0, %c0_i32, %c0_i32_0 : i32, i32, i32
  }
}

module attributes {stable_mosaic.version = 14 : i64} {
  func.func @_k3_body(%arg0: i32, %arg1: memref<400x12x128xf32, #tpu.memory_space<vmem>>, %arg2: memref<400x12x128xf32, #tpu.memory_space<vmem>>, %arg3: memref<1x128xf32, #tpu.memory_space<vmem>>, %arg4: memref<3x128x128xf32, #tpu.memory_space<vmem>>, %arg5: memref<1x128xf32, #tpu.memory_space<vmem>>, %arg6: memref<3x128x128xf32, #tpu.memory_space<vmem>>, %arg7: memref<1x128xf32, #tpu.memory_space<vmem>>, %arg8: memref<1x128xf32, #tpu.memory_space<vmem>>, %arg9: memref<1x128xf32, #tpu.memory_space<vmem>>, %arg10: memref<400x12x128xf32, #tpu.memory_space<vmem>>) attributes {dimension_semantics = [#tpu.dimension_semantics<arbitrary>], iteration_bounds = array<i64: 25>, scalar_prefetch = 0 : i64, scratch_operands = 0 : i64, tpu.core_type = #tpu.core_type<tc>, window_params = [{transform_indices = @transform_0, window_bounds = array<i64: 400, 12, 128>}, {transform_indices = @transform_1, window_bounds = array<i64: 400, 12, 128>}, {pipeline_mode = #tpu.pipeline_mode<synchronous>, transform_indices = @transform_2, window_bounds = array<i64: 1, 128>}, {pipeline_mode = #tpu.pipeline_mode<synchronous>, transform_indices = @transform_3, window_bounds = array<i64: 3, 128, 128>}, {pipeline_mode = #tpu.pipeline_mode<synchronous>, transform_indices = @transform_4, window_bounds = array<i64: 1, 128>}, {pipeline_mode = #tpu.pipeline_mode<synchronous>, transform_indices = @transform_5, window_bounds = array<i64: 3, 128, 128>}, {pipeline_mode = #tpu.pipeline_mode<synchronous>, transform_indices = @transform_6, window_bounds = array<i64: 1, 128>}, {pipeline_mode = #tpu.pipeline_mode<synchronous>, transform_indices = @transform_7, window_bounds = array<i64: 1, 128>}, {pipeline_mode = #tpu.pipeline_mode<synchronous>, transform_indices = @transform_8, window_bounds = array<i64: 1, 128>}, {transform_indices = @transform_9, window_bounds = array<i64: 400, 12, 128>}]} {
    %get3A = arith.constant 0 : index
    %get3A_0 = arith.constant 0 : index
    %get3A_1 = arith.constant 0 : index
    %get3A_2 = vector.load %arg1[%get3A, %get3A_0, %get3A_1] : memref<400x12x128xf32, #tpu.memory_space<vmem>>, vector<400x12x128xf32>
    %get3A_3 = arith.constant 0 : index
    %get3A_4 = arith.constant 0 : index
    %get3A_5 = vector.load %arg3[%get3A_3, %get3A_4] : memref<1x128xf32, #tpu.memory_space<vmem>>, vector<1x128xf32>
    %broadcast_in_dim3A = vector.shape_cast %get3A_5 : vector<1x128xf32> to vector<1x1x128xf32>
    %add3A = vector.broadcast %broadcast_in_dim3A : vector<1x1x128xf32> to vector<400x12x128xf32>
    %add3A_6 = arith.addf %get3A_2, %add3A : vector<400x12x128xf32>
    %max3A = arith.constant 0.000000e+00 : f32
    %max3A_7 = vector.broadcast %max3A : f32 to vector<400x12x128xf32>
    %max3A_8 = arith.maximumf %add3A_6, %max3A_7 : vector<400x12x128xf32>
    %reshape3A = vector.shape_cast %max3A_8 : vector<400x12x128xf32> to vector<4800x128xf32>
    %get3A_9 = arith.constant 0 : index
    %get3A_10 = arith.constant 0 : index
    %get3A_11 = arith.constant 0 : index
    %get3A_12 = vector.load %arg4[%get3A_9, %get3A_10, %get3A_11] : memref<3x128x128xf32, #tpu.memory_space<vmem>>, vector<1x128x128xf32>
    %get3A_13 = vector.shape_cast %get3A_12 : vector<1x128x128xf32> to vector<128x128xf32>
    %dot_general3A = arith.constant dense<0.000000e+00> : vector<4800x128xf32>
    %dot_general3A_14 = tpu.matmul %reshape3A, %get3A_13, %dot_general3A {dimension_numbers = #tpu.dot_dimension_numbers<[1], [0], [0], [1], [0, 0, 1, 1], [], []>, transpose_lhs_hint = false} : vector<4800x128xf32>, vector<128x128xf32>, vector<4800x128xf32> -> vector<4800x128xf32>
    %reshape3A_15 = vector.shape_cast %dot_general3A_14 : vector<4800x128xf32> to vector<400x12x128xf32>
    %get3A_16 = arith.constant 1 : index
    %get3A_17 = arith.constant 0 : index
    %get3A_18 = arith.constant 0 : index
    %get3A_19 = vector.load %arg4[%get3A_16, %get3A_17, %get3A_18] : memref<3x128x128xf32, #tpu.memory_space<vmem>>, vector<1x128x128xf32>
    %get3A_20 = vector.shape_cast %get3A_19 : vector<1x128x128xf32> to vector<128x128xf32>
    %dot_general3A_21 = arith.constant dense<0.000000e+00> : vector<4800x128xf32>
    %dot_general3A_22 = tpu.matmul %reshape3A, %get3A_20, %dot_general3A_21 {dimension_numbers = #tpu.dot_dimension_numbers<[1], [0], [0], [1], [0, 0, 1, 1], [], []>, transpose_lhs_hint = false} : vector<4800x128xf32>, vector<128x128xf32>, vector<4800x128xf32> -> vector<4800x128xf32>
    %reshape3A_23 = vector.shape_cast %dot_general3A_22 : vector<4800x128xf32> to vector<400x12x128xf32>
    %get3A_24 = arith.constant 2 : index
    %get3A_25 = arith.constant 0 : index
    %get3A_26 = arith.constant 0 : index
    %get3A_27 = vector.load %arg4[%get3A_24, %get3A_25, %get3A_26] : memref<3x128x128xf32, #tpu.memory_space<vmem>>, vector<1x128x128xf32>
    %get3A_28 = vector.shape_cast %get3A_27 : vector<1x128x128xf32> to vector<128x128xf32>
    %dot_general3A_29 = arith.constant dense<0.000000e+00> : vector<4800x128xf32>
    %dot_general3A_30 = tpu.matmul %reshape3A, %get3A_28, %dot_general3A_29 {dimension_numbers = #tpu.dot_dimension_numbers<[1], [0], [0], [1], [0, 0, 1, 1], [], []>, transpose_lhs_hint = false} : vector<4800x128xf32>, vector<128x128xf32>, vector<4800x128xf32> -> vector<4800x128xf32>
    %reshape3A_31 = vector.shape_cast %dot_general3A_30 : vector<4800x128xf32> to vector<400x12x128xf32>
    %broadcast_in_dim3A_32 = arith.constant 0.000000e+00 : f32
    %broadcast_in_dim3A_33 = vector.broadcast %broadcast_in_dim3A_32 : f32 to vector<400x1x128xf32>
    %broadcast_in_dim3A_34 = arith.constant 0.000000e+00 : f32
    %broadcast_in_dim3A_35 = vector.broadcast %broadcast_in_dim3A_34 : f32 to vector<400x2x128xf32>
    %slice3A = vector.extract_strided_slice %reshape3A_23 {offsets = [0, 0, 0], sizes = [400, 11, 128], strides = [1, 1, 1]} : vector<400x12x128xf32> to vector<400x11x128xf32>
    %concatenate3A = tpu.concatenate %broadcast_in_dim3A_33, %slice3A in 1 : vector<400x1x128xf32>, vector<400x11x128xf32> -> vector<400x12x128xf32>
    %add3A_36 = arith.addf %reshape3A_31, %concatenate3A : vector<400x12x128xf32>
    %slice3A_37 = vector.extract_strided_slice %reshape3A_15 {offsets = [0, 0, 0], sizes = [400, 10, 128], strides = [1, 1, 1]} : vector<400x12x128xf32> to vector<400x10x128xf32>
    %concatenate3A_38 = tpu.concatenate %broadcast_in_dim3A_35, %slice3A_37 in 1 : vector<400x2x128xf32>, vector<400x10x128xf32> -> vector<400x12x128xf32>
    %add3A_39 = arith.addf %add3A_36, %concatenate3A_38 : vector<400x12x128xf32>
    %get3A_40 = arith.constant 0 : index
    %get3A_41 = arith.constant 0 : index
    %get3A_42 = vector.load %arg5[%get3A_40, %get3A_41] : memref<1x128xf32, #tpu.memory_space<vmem>>, vector<1x128xf32>
    %broadcast_in_dim3A_43 = vector.shape_cast %get3A_42 : vector<1x128xf32> to vector<1x1x128xf32>
    %add3A_44 = vector.broadcast %broadcast_in_dim3A_43 : vector<1x1x128xf32> to vector<400x12x128xf32>
    %add3A_45 = arith.addf %add3A_39, %add3A_44 : vector<400x12x128xf32>
    %get3A_46 = arith.constant 0 : index
    %get3A_47 = arith.constant 0 : index
    %get3A_48 = arith.constant 0 : index
    %get3A_49 = vector.load %arg6[%get3A_46, %get3A_47, %get3A_48] : memref<3x128x128xf32, #tpu.memory_space<vmem>>, vector<1x128x128xf32>
    %get3A_50 = vector.shape_cast %get3A_49 : vector<1x128x128xf32> to vector<128x128xf32>
    %dot_general3A_51 = arith.constant dense<0.000000e+00> : vector<4800x128xf32>
    %dot_general3A_52 = tpu.matmul %reshape3A, %get3A_50, %dot_general3A_51 {dimension_numbers = #tpu.dot_dimension_numbers<[1], [0], [0], [1], [0, 0, 1, 1], [], []>, transpose_lhs_hint = false} : vector<4800x128xf32>, vector<128x128xf32>, vector<4800x128xf32> -> vector<4800x128xf32>
    %reshape3A_53 = vector.shape_cast %dot_general3A_52 : vector<4800x128xf32> to vector<400x12x128xf32>
    %get3A_54 = arith.constant 1 : index
    %get3A_55 = arith.constant 0 : index
    %get3A_56 = arith.constant 0 : index
    %get3A_57 = vector.load %arg6[%get3A_54, %get3A_55, %get3A_56] : memref<3x128x128xf32, #tpu.memory_space<vmem>>, vector<1x128x128xf32>
    %get3A_58 = vector.shape_cast %get3A_57 : vector<1x128x128xf32> to vector<128x128xf32>
    %dot_general3A_59 = arith.constant dense<0.000000e+00> : vector<4800x128xf32>
    %dot_general3A_60 = tpu.matmul %reshape3A, %get3A_58, %dot_general3A_59 {dimension_numbers = #tpu.dot_dimension_numbers<[1], [0], [0], [1], [0, 0, 1, 1], [], []>, transpose_lhs_hint = false} : vector<4800x128xf32>, vector<128x128xf32>, vector<4800x128xf32> -> vector<4800x128xf32>
    %reshape3A_61 = vector.shape_cast %dot_general3A_60 : vector<4800x128xf32> to vector<400x12x128xf32>
    %get3A_62 = arith.constant 2 : index
    %get3A_63 = arith.constant 0 : index
    %get3A_64 = arith.constant 0 : index
    %get3A_65 = vector.load %arg6[%get3A_62, %get3A_63, %get3A_64] : memref<3x128x128xf32, #tpu.memory_space<vmem>>, vector<1x128x128xf32>
    %get3A_66 = vector.shape_cast %get3A_65 : vector<1x128x128xf32> to vector<128x128xf32>
    %dot_general3A_67 = arith.constant dense<0.000000e+00> : vector<4800x128xf32>
    %dot_general3A_68 = tpu.matmul %reshape3A, %get3A_66, %dot_general3A_67 {dimension_numbers = #tpu.dot_dimension_numbers<[1], [0], [0], [1], [0, 0, 1, 1], [], []>, transpose_lhs_hint = false} : vector<4800x128xf32>, vector<128x128xf32>, vector<4800x128xf32> -> vector<4800x128xf32>
    %reshape3A_69 = vector.shape_cast %dot_general3A_68 : vector<4800x128xf32> to vector<400x12x128xf32>
    %broadcast_in_dim3A_70 = arith.constant 0.000000e+00 : f32
    %broadcast_in_dim3A_71 = vector.broadcast %broadcast_in_dim3A_70 : f32 to vector<400x1x128xf32>
    %broadcast_in_dim3A_72 = arith.constant 0.000000e+00 : f32
    %broadcast_in_dim3A_73 = vector.broadcast %broadcast_in_dim3A_72 : f32 to vector<400x2x128xf32>
    %slice3A_74 = vector.extract_strided_slice %reshape3A_61 {offsets = [0, 0, 0], sizes = [400, 11, 128], strides = [1, 1, 1]} : vector<400x12x128xf32> to vector<400x11x128xf32>
    %concatenate3A_75 = tpu.concatenate %broadcast_in_dim3A_71, %slice3A_74 in 1 : vector<400x1x128xf32>, vector<400x11x128xf32> -> vector<400x12x128xf32>
    %add3A_76 = arith.addf %reshape3A_69, %concatenate3A_75 : vector<400x12x128xf32>
    %slice3A_77 = vector.extract_strided_slice %reshape3A_53 {offsets = [0, 0, 0], sizes = [400, 10, 128], strides = [1, 1, 1]} : vector<400x12x128xf32> to vector<400x10x128xf32>
    %concatenate3A_78 = tpu.concatenate %broadcast_in_dim3A_73, %slice3A_77 in 1 : vector<400x2x128xf32>, vector<400x10x128xf32> -> vector<400x12x128xf32>
    %add3A_79 = arith.addf %add3A_76, %concatenate3A_78 : vector<400x12x128xf32>
    %get3A_80 = arith.constant 0 : index
    %get3A_81 = arith.constant 0 : index
    %get3A_82 = vector.load %arg7[%get3A_80, %get3A_81] : memref<1x128xf32, #tpu.memory_space<vmem>>, vector<1x128xf32>
    %broadcast_in_dim3A_83 = vector.shape_cast %get3A_82 : vector<1x128xf32> to vector<1x1x128xf32>
    %add3A_84 = vector.broadcast %broadcast_in_dim3A_83 : vector<1x1x128xf32> to vector<400x12x128xf32>
    %add3A_85 = arith.addf %add3A_79, %add3A_84 : vector<400x12x128xf32>
    %tanh3A = math.tanh %add3A_45 : vector<400x12x128xf32>
    %logistic3A = arith.negf %add3A_85 : vector<400x12x128xf32>
    %logistic3A_86 = math.exp %logistic3A : vector<400x12x128xf32>
    %logistic3A_87 = arith.constant 1.000000e+00 : f32
    %logistic3A_88 = vector.broadcast %logistic3A_87 : f32 to vector<400x12x128xf32>
    %logistic3A_89 = arith.addf %logistic3A_88, %logistic3A_86 : vector<400x12x128xf32>
    %logistic3A_90 = arith.divf %logistic3A_88, %logistic3A_89 : vector<400x12x128xf32>
    %mul3A = arith.mulf %tanh3A, %logistic3A_90 : vector<400x12x128xf32>
    %get3A_91 = arith.constant 0 : index
    %get3A_92 = arith.constant 0 : index
    %get3A_93 = arith.constant 0 : index
    %get3A_94 = vector.load %arg2[%get3A_91, %get3A_92, %get3A_93] : memref<400x12x128xf32, #tpu.memory_space<vmem>>, vector<400x12x128xf32>
    %add3A_95 = arith.addf %mul3A, %get3A_94 : vector<400x12x128xf32>
    %reduce_sum3A = arith.constant dense<0.000000e+00> : vector<400x12xf32>
    %reduce_sum3A_96 = vector.multi_reduction <add>, %add3A_95, %reduce_sum3A [2] : vector<400x12x128xf32> to vector<400x12xf32>
    %broadcast_in_dim3A_97 = vector.shape_cast %reduce_sum3A_96 : vector<400x12xf32> to vector<400x12x1xf32>
    %div3A = arith.constant 1.280000e+02 : f32
    %div3A_98 = vector.broadcast %div3A : f32 to vector<400x12x1xf32>
    %div3A_99 = arith.divf %broadcast_in_dim3A_97, %div3A_98 : vector<400x12x1xf32>
    %sub3A = vector.broadcast %div3A_99 : vector<400x12x1xf32> to vector<400x12x128xf32>
    %sub3A_100 = arith.subf %add3A_95, %sub3A : vector<400x12x128xf32>
    %integer_pow3A = arith.mulf %sub3A_100, %sub3A_100 : vector<400x12x128xf32>
    %reduce_sum3A_101 = arith.constant dense<0.000000e+00> : vector<400x12xf32>
    %reduce_sum3A_102 = vector.multi_reduction <add>, %integer_pow3A, %reduce_sum3A_101 [2] : vector<400x12x128xf32> to vector<400x12xf32>
    %broadcast_in_dim3A_103 = vector.shape_cast %reduce_sum3A_102 : vector<400x12xf32> to vector<400x12x1xf32>
    %div3A_104 = arith.constant 1.280000e+02 : f32
    %div3A_105 = vector.broadcast %div3A_104 : f32 to vector<400x12x1xf32>
    %div3A_106 = arith.divf %broadcast_in_dim3A_103, %div3A_105 : vector<400x12x1xf32>
    %sub3A_107 = vector.broadcast %div3A_99 : vector<400x12x1xf32> to vector<400x12x128xf32>
    %sub3A_108 = arith.subf %add3A_95, %sub3A_107 : vector<400x12x128xf32>
    %add3A_109 = arith.constant 9.99999974E-6 : f32
    %add3A_110 = vector.broadcast %add3A_109 : f32 to vector<400x12x1xf32>
    %add3A_111 = arith.addf %div3A_106, %add3A_110 : vector<400x12x1xf32>
    %rsqrt3A = math.rsqrt %add3A_111 : vector<400x12x1xf32>
    %mul3A_112 = vector.broadcast %rsqrt3A : vector<400x12x1xf32> to vector<400x12x128xf32>
    %mul3A_113 = arith.mulf %sub3A_108, %mul3A_112 : vector<400x12x128xf32>
    %get3A_114 = arith.constant 0 : index
    %get3A_115 = arith.constant 0 : index
    %get3A_116 = vector.load %arg8[%get3A_114, %get3A_115] : memref<1x128xf32, #tpu.memory_space<vmem>>, vector<1x128xf32>
    %broadcast_in_dim3A_117 = vector.shape_cast %get3A_116 : vector<1x128xf32> to vector<1x1x128xf32>
    %mul3A_118 = vector.broadcast %broadcast_in_dim3A_117 : vector<1x1x128xf32> to vector<400x12x128xf32>
    %mul3A_119 = arith.mulf %mul3A_113, %mul3A_118 : vector<400x12x128xf32>
    %get3A_120 = arith.constant 0 : index
    %get3A_121 = arith.constant 0 : index
    %get3A_122 = vector.load %arg9[%get3A_120, %get3A_121] : memref<1x128xf32, #tpu.memory_space<vmem>>, vector<1x128xf32>
    %broadcast_in_dim3A_123 = vector.shape_cast %get3A_122 : vector<1x128xf32> to vector<1x1x128xf32>
    %add3A_124 = vector.broadcast %broadcast_in_dim3A_123 : vector<1x1x128xf32> to vector<400x12x128xf32>
    %add3A_125 = arith.addf %mul3A_119, %add3A_124 : vector<400x12x128xf32>
    %swap3A = arith.constant 0 : index
    %swap3A_126 = arith.constant 0 : index
    %swap3A_127 = arith.constant 0 : index
    %swap3A_128 = vector.load %arg10[%swap3A, %swap3A_126, %swap3A_127] : memref<400x12x128xf32, #tpu.memory_space<vmem>>, vector<400x12x128xf32>
    tpu.vector_store %arg10[%swap3A, %swap3A_126, %swap3A_127], %add3A_125 {strides = array<i32>} : memref<400x12x128xf32, #tpu.memory_space<vmem>>, vector<400x12x128xf32>,
    return
  }
  func.func @transform_0(%arg0: i32) -> (i32, i32, i32) {
    %c0_i32 = arith.constant 0 : i32
    %c0_i32_0 = arith.constant 0 : i32
    %c0_i32_1 = arith.constant 0 : i32
    return %arg0, %c0_i32, %c0_i32_0 : i32, i32, i32
  }
  func.func @transform_1(%arg0: i32) -> (i32, i32, i32) {
    %c0_i32 = arith.constant 0 : i32
    %c0_i32_0 = arith.constant 0 : i32
    %c0_i32_1 = arith.constant 0 : i32
    return %arg0, %c0_i32, %c0_i32_0 : i32, i32, i32
  }
  func.func @transform_2(%arg0: i32) -> (i32, i32) {
    %c0_i32 = arith.constant 0 : i32
    %c0_i32_0 = arith.constant 0 : i32
    %c0_i32_1 = arith.constant 0 : i32
    return %c0_i32, %c0_i32_0 : i32, i32
  }
  func.func @transform_3(%arg0: i32) -> (i32, i32, i32) {
    %c0_i32 = arith.constant 0 : i32
    %c0_i32_0 = arith.constant 0 : i32
    %c0_i32_1 = arith.constant 0 : i32
    %c0_i32_2 = arith.constant 0 : i32
    return %c0_i32, %c0_i32_0, %c0_i32_1 : i32, i32, i32
  }
  func.func @transform_4(%arg0: i32) -> (i32, i32) {
    %c0_i32 = arith.constant 0 : i32
    %c0_i32_0 = arith.constant 0 : i32
    %c0_i32_1 = arith.constant 0 : i32
    return %c0_i32, %c0_i32_0 : i32, i32
  }
  func.func @transform_5(%arg0: i32) -> (i32, i32, i32) {
    %c0_i32 = arith.constant 0 : i32
    %c0_i32_0 = arith.constant 0 : i32
    %c0_i32_1 = arith.constant 0 : i32
    %c0_i32_2 = arith.constant 0 : i32
    return %c0_i32, %c0_i32_0, %c0_i32_1 : i32, i32, i32
  }
  func.func @transform_6(%arg0: i32) -> (i32, i32) {
    %c0_i32 = arith.constant 0 : i32
    %c0_i32_0 = arith.constant 0 : i32
    %c0_i32_1 = arith.constant 0 : i32
    return %c0_i32, %c0_i32_0 : i32, i32
  }
  func.func @transform_7(%arg0: i32) -> (i32, i32) {
    %c0_i32 = arith.constant 0 : i32
    %c0_i32_0 = arith.constant 0 : i32
    %c0_i32_1 = arith.constant 0 : i32
    return %c0_i32, %c0_i32_0 : i32, i32
  }
  func.func @transform_8(%arg0: i32) -> (i32, i32) {
    %c0_i32 = arith.constant 0 : i32
    %c0_i32_0 = arith.constant 0 : i32
    %c0_i32_1 = arith.constant 0 : i32
    return %c0_i32, %c0_i32_0 : i32, i32
  }
  func.func @transform_9(%arg0: i32) -> (i32, i32, i32) {
    %c0_i32 = arith.constant 0 : i32
    %c0_i32_0 = arith.constant 0 : i32
    %c0_i32_1 = arith.constant 0 : i32
    return %arg0, %c0_i32, %c0_i32_0 : i32, i32, i32
  }
}

</mosaic_0001>

<sc_bundles>
// kernel: kernel.5.cloned.1.call-start
scs
__scs_entry_jumppad:
0x0: {  	(pc) =	sbr.rel $0x88, $3  }
0x1: {  	(tag) =	ssettag $0x0;
	lr =	simm.s32 $0x1  }
0x2: {  	[smem:$0x3F96] =	sst lr;
	_ =	strace $0xD0000000  }
0x3: {  	_ = 	snop  }
0x4: {  	_ = 	snop  }
0x5: {  	_ = 	snop  }
0x6: {  	_ = 	snop  }
0x7: {  	_ = 	snop  }
__scs_overlays_trampoline_lowered:
0x8: {  	[smem:$0x3FA5] =	sst s0  }
0x9: {  	[smem:$0x3FA6] =	sst s1  }
0xa: {  	[smem:$0x3FA7] =	sst s2  }
0xb: {  	[smem:$0x3FA8] =	sst s3  }
0xc: {  	[smem:$0x3FA9] =	sst s4  }
0xd: {  	[smem:$0x3FAA] =	sst s5  }
0xe: {  	[smem:$0x3FAB] =	sst s6  }
0xf: {  	[smem:$0x3FAC] =	sst s7  }
0x10: {  	[smem:$0x3FAD] =	sst s8  }
0x11: {  	[smem:$0x3FAE] =	sst s9;
	s0 =	simm.s32 @!p0 $0x0  }
0x12: {  	s1 =	sld [smem:$0x3F94];
	s0 =	simm.s32 @p0 $0x1  }
0x13: {  	[smem:$0x3FAF] =	sst s0;
	s0 =	simm.s32 @!p1 $0x0  }
0x14: {  	s2 =	sld [smem:$0x3F93];
	s0 =	simm.s32 @p1 $0x1  }
0x15: {  	[smem:$0x3FB0] =	sst s0;
	s0 =	simm.s32 @!p2 $0x0  }
0x16: {  	s3 =	sld [smem:$0x3FDB];
	s0 =	simm.s32 @p2 $0x1  }
0x17: {  	s4 =	simm.s32 $0x1BF5;
	[smem:$0x3FB2] =	sst s0  }
0x18: {  	s0 =	sld [smem:$0x3F95];
	_ =	swait.ge [sflag:s4], $0x0  }
0x19: {  	s7 =	sld [smem:$0x3F96]  }
0x1a: {  	s8 =	sadd.s32 $0xFFFFE003, lr  }
0x1b: {  	s9 =	sadd.s32 $0xFFFFFEF7, lr;
	s5 =	simm.s32 $0xFFFFFFFF;
	p2 =	slt.u32 s8, $0xFFFFF086  }
0x1c: {  	p1 =	slt.u32 s9, $0xF7A;
	s5 =	simm.s32 @!p2 $0x0  }
0x1d: {  	s5 =	simm.s32 @p1 $0x1;
	p0 =	seq.s32 s7, s2  }
0x1e: {  	s7 =	smul.u32 @!p0 $0xF7A, s2;
	p2 =	seq.s32 @!p0 s5, $0x0  }
0x1f: {  	s9 =	smul.u32 $0xF7A, s1;
	s8 =	simm.s32 @!p0 $0x1BF5;
	p2 =	por !p2, p0  }
0x20: {  	[sflag:s8] =	ssyncset.s32 @!p0 $0xFFFFF086;
	s6 =	sadd.s32 @!p0 s3, s7;
	s7 =	simm.s32 @!p0 $0x108  }
0x21: {  	s3 =	sadd.s32 s3, s9;
	s6 =	sadd.s32 @!p0 $0x88, s6;
	s7 =	simm.s32 @p2 $0x1082  }
0x22: {  	[simem:s7], [sflag:s8] =	dma.local @!p0 [hbm:s6], $0xF7A  }
0x23: {  	s9 =	sor.u32 $0xD0000000, s2;
	s6 =	simm.s32 $0x108;
	_ =	swait.ge @!p0 [sflag:s8], $0x0  }
0x24: {  	s3 =	sadd.s32 $0x88, s3;
	s6 =	simm.s32 @!p1 $0x1082;
	[sflag:s4] =	ssyncset.s32 $0xFFFFF086  }
0x25: {  	[simem:s6], [sflag:s4] =	dma.local [hbm:s3], $0xF7A  }
0x26: {  	[smem:$0x3F96] =	sst s1;
	(tag) =	ssettag s2;
	_ =	strace s9  }
0x27: {  	s1 =	sld [smem:$0x3FA6]  }
0x28: {  	s2 =	sld [smem:$0x3FA7]  }
0x29: {  	s4 =	sld [smem:$0x3FA9]  }
0x2a: {  	p0 =	seq.s32 s5, $0x0;
	s5 =	sld [smem:$0x3FAA]  }
0x2b: {  	s6 =	sld [smem:$0x3FAB]  }
0x2c: {  	s7 =	sld [smem:$0x3FAC]  }
0x2d: {  	s3 =	simm.s32 $0x108;
	s8 =	sld [smem:$0x3FAD]  }
0x2e: {  	s3 =	simm.s32 @!p0 $0x1082;
	s9 =	sld [smem:$0x3FAE]  }
0x2f: {  	lr =	sadd.s32 s0, s3;
	s0 =	sld [smem:$0x3FA5]  }
0x30: {  	s3 =	sld [smem:$0x3FA8]  }
0x31: {  	[smem:$0x3FB1] =	sst s10  }
0x32: {  	s10 =	sld [smem:$0x3FAF];
	_ =	sdelay $0x3  }
0x33: {  	p0 =	seq.s32 s10, $0x1;
	s10 =	sld [smem:$0x3FB1];
	_ =	sdelay $0x3  }
0x34: {  	[smem:$0x3FB1] =	sst s10  }
0x35: {  	s10 =	sld [smem:$0x3FB0];
	_ =	sdelay $0x3  }
0x36: {  	p1 =	seq.s32 s10, $0x1;
	s10 =	sld [smem:$0x3FB1];
	_ =	sdelay $0x3  }
0x37: {  	[smem:$0x3FB1] =	sst s10  }
0x38: {  	s10 =	sld [smem:$0x3FB2]  }
0x39: {  	_ = 	snop;
	(pc) =	sbr.ind lr, $3  }
0x3a: {  	_ = 	snop  }
0x3b: {  	_ = 	snop  }
0x3c: {  	p2 =	seq.s32 s10, $0x1;
	s10 =	sld [smem:$0x3FB1]  }
0x3d: {  	_ =	shalt  }
0x3e: {  	_ =	shalt  }
0x3f: {  	_ =	shalt  }
0x40: {  	_ =	shalt  }
0x41: {  	_ =	shalt  }
0x42: {  	_ =	shalt  }
0x43: {  	_ =	shalt  }
0x44: {  	_ =	shalt  }
0x45: {  	_ =	shalt  }
0x46: {  	_ =	shalt  }
0x47: {  	_ =	shalt  }
0x48: {  	_ =	shalt  }
0x49: {  	_ =	shalt  }
0x4a: {  	_ =	shalt  }
0x4b: {  	_ =	shalt  }
0x4c: {  	_ =	shalt  }
0x4d: {  	_ =	shalt  }
0x4e: {  	_ =	shalt  }
0x4f: {  	_ =	shalt  }
0x50: {  	_ =	shalt  }
0x51: {  	_ =	shalt  }
0x52: {  	_ =	shalt  }
0x53: {  	_ =	shalt  }
0x54: {  	_ =	shalt  }
0x55: {  	_ =	shalt  }
0x56: {  	_ =	shalt  }
0x57: {  	_ =	shalt  }
0x58: {  	_ =	shalt  }
0x59: {  	_ =	shalt  }
0x5a: {  	_ =	shalt  }
0x5b: {  	_ =	shalt  }
0x5c: {  	_ =	shalt  }
0x5d: {  	_ =	shalt  }
0x5e: {  	_ =	shalt  }
0x5f: {  	_ =	shalt  }
0x60: {  	_ =	shalt  }
0x61: {  	_ =	shalt  }
0x62: {  	_ =	shalt  }
0x63: {  	_ =	shalt  }
0x64: {  	_ =	shalt  }
0x65: {  	_ =	shalt  }
0x66: {  	_ =	shalt  }
0x67: {  	_ =	shalt  }
0x68: {  	_ =	shalt  }
0x69: {  	_ =	shalt  }
0x6a: {  	_ =	shalt  }
0x6b: {  	_ =	shalt  }
0x6c: {  	_ =	shalt  }
0x6d: {  	_ =	shalt  }
0x6e: {  	_ =	shalt  }
0x6f: {  	_ =	shalt  }
0x70: {  	_ =	shalt  }
0x71: {  	_ =	shalt  }
0x72: {  	_ =	shalt  }
0x73: {  	_ =	shalt  }
0x74: {  	_ =	shalt  }
0x75: {  	_ =	shalt  }
0x76: {  	_ =	shalt  }
0x77: {  	_ =	shalt  }
0x78: {  	_ =	shalt  }
0x79: {  	_ =	shalt  }
0x7a: {  	_ =	shalt  }
0x7b: {  	_ =	shalt  }
0x7c: {  	_ =	shalt  }
0x7d: {  	_ =	shalt  }
0x7e: {  	_ =	shalt  }
0x7f: {  	_ =	shalt  }
0x80: {  	_ =	shalt  }
0x81: {  	_ =	shalt  }
0x82: {  	_ =	shalt  }
0x83: {  	_ =	shalt  }
0x84: {  	_ =	shalt  }
0x85: {  	_ =	shalt  }
0x86: {  	_ =	shalt  }
0x87: {  	_ =	shalt  }
.Lfunc_end0:
.L_simem_size_0:
called_computation_lowered:
.L_overlay_start_0:
0x88: {  	s2 =	sld [smem:$0x3FD9]  }
0x89: {  	s3 =	sld [smem:$0x3FFE];
	_ =	sdelay $0x1  }
0x8a: {  	s1 =	srdreg.scid  }
0x8b: {  	s0 =	sand.u32 $0x1, s1  }
0x8c: {  	s17 =	sshll.u32 s0, $0xA;
	s2 =	sadd.s32 s3, s2  }
0x8d: {  	s2 =	sadd.s32 s2, s17  }
0x8e: {  	[smem:$0x3FBD] =	sst s2  }
0x8f: {  	_ = 	snop  }
0x90: {  	s2 =	sld [smem:$0x3FC7]  }
0x91: {  	s18 =	sld [smem:$0x3FD0];
	(tm) =	ssettm $0x1  }
0x92: {  	s4 =	sld [smem:$0x3FFB];
	_ =	sdelay $0x3  }
0x93: {  	_ =	strace s4  }
0x94: {  	s4 =	sld [smem:$0x3FFC];
	_ =	sdelay $0x3  }
0x95: {  	_ =	strace s4  }
0x96: {  	s4 =	sld [smem:$0x3FFD];
	_ =	sdelay $0x3  }
0x97: {  	_ =	strace s4  }
0x98: {  	_ =	strace $0x8FFFFFFF  }
0x99: {  	s19 =	sld [smem:$0x3FDB];
	_ =	sdelay $0x1  }
0x9a: {  	s5 =	simm.s32 $_scs_section_size  }
0x9b: {  	s6 =	simm.s32 $_size__tile_overlayer_lowered;
	s7 =	simm.s32 $_tile_overlayer_lowered  }
0x9c: {  	s22 =	simm.s32 $0x1BFF;
	s21 =	sshll.u32 s7, $0x1;
	s4 =	sadd.s32 s5, s19  }
0x9d: {  	s8 =	simm.s32 $0x0;
	s20 =	sshll.u32 s6, $0x1;
	s6 =	sadd.s32 s21, s4  }
0x9e: {  	[timem:s8], [sflag:s22] =	dma.local [hbm:s6], s20  }
0x9f: {  	_ =	swait.ge [sflag:s22], s20  }
0xa0: {  	s5 =	ssub.s32 $0x0, s20;
	[sflag:s22] =	ssyncset.done $0x0  }
0xa1: {  	[sflag:s22] =	ssyncadd.s32 s5;
	_ =	sdelay $0x1  }
0xa2: {  	s23 =	simm.s32 $0x1B8B  }
0xa3: {  	_ =	swait.ge [sflag:s23], $0x1  }
0xa4: {  	[sflag:s23] =	ssyncset.done $0x0  }
0xa5: {  	s25 =	simm.s32 $0x1B8E;
	s24 =	sld [smem:$0x3FFE];
	[sflag:s23] =	ssyncadd.s32 $0xFFFFFFFF  }
0xa6: {  	s26 =	simm.s32 $execute0_lowered;
	[smem:$0x3FD2] =	sst s25  }
0xa7: {  	s6 =	sshll.u32 s26, $0x1;
	_ =	strace $0x80000046;
	[dreg:$0x1] =	wrdreg $0xFFFFFFFF  }
0xa8: {  	s28 =	simm.s32 $_size_execute0_lowered;
	s4 =	sadd.s32 s4, s6;
	[dreg:$0x0] =	wrdreg $0x0  }
0xa9: {  	s6 =	sshll.u32 s28, $0x1;
	[dreg:$0x2] =	wrdreg s4  }
0xaa: {  	[dreg:$0x3] =	wrdreg s6  }
0xab: {  	[dreg:$0x4] =	wrdreg $0xC0  }
0xac: {  	_ =	task [dreg:s8], $0x5FFFF  }
0xad: {  	[dreg:$0x1] =	wrdreg $0xFFFFFFFF  }
0xae: {  	[dreg:$0x0] =	wrdreg $0x60  }
0xaf: {  	[dreg:$0x2] =	wrdreg s18  }
0xb0: {  	[dreg:$0x3] =	wrdreg s24  }
0xb1: {  	[dreg:$0x4] =	wrdreg s2  }
0xb2: {  	[dreg:$0x5] =	wrdreg $0x9  }
0xb3: {  	_ =	task.clear_ibuf [dreg:s8], $0x6FFFF;
	_ =	strace $0x90000046  }
0xb4: {  	s29 =	simm.s32 $0x9;
	_ =	strace $0x80000048  }
0xb5: {  	_ =	swait.ge [sflag:s29], $0x1  }
0xb6: {  	[sflag:s29] =	ssyncadd.s32 $0xFFFFFFFF  }
0xb7: {  	_ =	strace $0x90000048  }
0xb8: {  	_ =	sfence  }
0xb9: {  	s30 =	sld [smem:$0x0];
	_ =	sdelay $0x2  }
0xba: {  	s31 =	sshll.u32 s1, $0xD;
	s1 =	sshrl.u32 s1, $0x2  }
0xbb: {  	s3 =	sand.u32 $0x4000, s31;
	s1 =	sadd.s32 s1, s30  }
0xbc: {  	s0 =	sor.u32 s3, s0;
	s1 =	sshll.u32 s1, $0x11  }
0xbd: {  	s0 =	sor.u32 s1, s0  }
0xbe: {  	s0 =	sadd.s32 $0x8F2B, s0  }
0xbf: {  	[sflag:s0] =	ssyncadd.remote.s32 $0x1  }
0xc0: {  	_ =	sfence.sel $0xFFFF  }
0xc1: {  	[dreg:$0x0] =	wrdreg $0xFFFFFFFF;
	(pc) =	sbr.abs _section_cstart, $3  }
0xc2: {  	[dreg:$0x1] =	wrdreg $0xFFFFFFFF  }
0xc3: {  	_ =	task.clear_ibuf [dreg:s8], $0x2FFFF;
	_ =	strace $0x9FFFFFFF  }
0xc4: {  	(tm) =	ssettm $0x7FFFFFFF  }
0xc5: {  	_ =	shalt  }
tec
execute0_lowered:
.L_overlay_start_1:
0x0: {  	(tag) =	ssettag $0x1  }
0x1: {  	s0 =	rddreg [dreg:$0x0]  }
0x2: {  	s3 =	rddreg [dreg:$0x1]  }
0x3: {  	s1 =	rddreg [dreg:$0x2];
	s2 =	simm.s32 $0x0  }
0x4: {  	s6 =	srdreg.scid;
	s12 =	stileid.u32;
	s28 =	simm.s32 $0x2  }
0x5: {  	s29 =	simm.s32 $0x7800;
	[smem:$0x7FF] =	sst s2;
	s4 =	sadd.s32 $0x27C000, s3  }
0x6: {  	s5 =	sadd.s32 $0x272200, s3;
	s6 =	sand.u32 $0x1, s6;
	s7 =	sadd.s32 $0x285E00, s3  }
0x7: {  	s9 =	sadd.s32 s12, s3;
	s15 =	sadd.s32 s0, s12;
	s16 =	sadd.s32 $0x27C0A0, s3  }
0x8: {  	s18 =	sadd.s32 $0x2722A0, s3;
	s19 =	sadd.s32 $0xA0, s1;
	s25 =	smul.u32 $0x1D4C0, s12  }
0x9: {  	_ =	strace $0x80000047;
	[dreg:$0x4] =	wrdreg s7;
	s8 =	ssub.s32 $0x2, s6  }
0xa: {  	s11 =	sshll.u32 s6, $0x4;
	s7 =	sadd.s32 $0x288600, s3;
	[dreg:$0x7] =	wrdreg s16  }
0xb: {  	s17 =	smul.u32 $0x6, s6;
	[dreg:$0x9] =	wrdreg s18;
	s21 =	sadd.s32 $0x631E00, s9  }
0xc: {  	[dreg:$0xa] =	wrdreg s19;
	s22 =	smul.u32 $0x1D4C00, s6;
	s24 =	sadd.s32 $0x1CFDE0, s15  }
0xd: {  	[dreg:$0x6] =	wrdreg s15;
	s31 =	sadd.s32 $0x4E20, s15;
	s18 =	simm.s32 $0x2780  }
0xe: {  	s9 =	simm.s32 $0x7400;
	s6 =	simm.s32 $0x4;
	[dreg:$0xb] =	wrdreg s21  }
0xf: {  	s3 =	simm.s32 $0x0;
	s10 =	sshrl.u32 s8, $0x1;
	[dreg:$0xd] =	wrdreg s24  }
0x10: {  	s14 =	sor.u32 s12, s11;
	[dreg:$0x10] =	wrdreg s31;
	s21 =	simm.s32 $0x8  }
0x11: {  	s24 =	simm.s32 $0x1;
	s8 =	ssub.s32 s8, s10;
	s10 =	smul.u32 $0x1D4C0, s14  }
0x12: {  	[dreg:$0x8] =	wrdreg s17;
	s30 =	sadd.s32 s22, s7;
	s22 =	simm.s32 $0x80  }
.Ltmp0:
0x13: {  	s17 =	simm.s32 $0x7000;
	s23 =	smax.u32 s8, $0x1;
	(pc) =	sbr.rel .LBB2_1-.Ltmp0, $4  }
0x14: {  	s19 =	sadd.s32 s25, s30;
	[dreg:$0x5] =	wrdreg s10;
	s20 =	sadd.s32 s7, s10  }
0x15: {  	s25 =	simm.s32 $0x5000;
	[dreg:$0xc] =	wrdreg s23;
	s26 =	sadd.s32 $0x1CAFC, s20  }
0x16: {  	v0 =	vlaneseq.u32;
	s23 =	simm.s32 $0x2800;
	s0 =	sadd.s32 $0x1CFDE, s20;
	[dreg:$0xe] =	wrdreg s26  }
0x17: {  	v0 =	vmul.u32 $0x8, v0;
	s20 =	simm.s32 $0x3;
	[dreg:$0xf] =	wrdreg s0;
	s26 =	simm.s32 $0x5  }
.LBB2_20:
0x18: {  	s3 =	rddreg [dreg:$0x11]  }
0x19: {  	s0 =	rddreg [dreg:$0xc];
	s3 =	sadd.s32 $0x1, s3  }
0x1a: {  	p0 =	sne.s32 s3, s0  }
.Ltmp1:
0x1b: {  	_ = 	snop;
	(pc) =	sbr.rel @!p0 .LBB2_21-.Ltmp1, $1  }
0x1c: {  	_ =	sdelay $0x3  }
.LBB2_1:
0x1d: {  	[dreg:$0x11] =	wrdreg s3  }
0x1e: {  	s0 =	rddreg [dreg:$0x6]  }
0x1f: {  	[tilespmem:s23], [sflag:$0x1] =	stream.strided.gather [hbm4b:s0+s21], $0x2710, s22, s21, $0x38;
	[tilespmem:$0x1B080] =	vst v63  }
0x20: {  	_ =	swait.ge [sflag:s24], $0x2710  }
0x21: {  	[sflag:s24] =	ssyncset.done $0x0  }
0x22: {  	s8 =	rddreg [dreg:$0x10];
	[sflag:s24] =	ssyncadd.s32 $0xFFFFD8F0  }
0x23: {  	[tilespmem:s25], [sflag:$0x2] =	stream.strided.gather [hbm4b:s8+s21], $0x2710, s22, s21, $0x38;
	[tilespmem:$0x1B080] =	vst v63  }
0x24: {  	s30 =	sadd.s32 $0x0, s19  }
0x25: {  	[hbm4b:s30+s2] =	stream.linear.scatter [tilespmem:s23], [sflag:$0x5], $0x2710, $0x38;
	[tilespmem:$0x1B080] =	vst v63  }
0x26: {  	_ =	swait.ge [sflag:s26], $0x2710  }
0x27: {  	[sflag:s26] =	ssyncset.done $0x0  }
0x28: {  	[sflag:s26] =	ssyncadd.s32 $0xFFFFD8F0  }
0x29: {  	_ =	swait.ge [sflag:s28], $0x2710  }
0x2a: {  	[sflag:s28] =	ssyncset.done $0x0  }
0x2b: {  	s31 =	sadd.s32 $0x4E20, s8;
	[sflag:s28] =	ssyncadd.s32 $0xFFFFD8F0  }
0x2c: {  	[tilespmem:s23], [sflag:$0x1] =	stream.strided.gather [hbm4b:s31+s21], $0x2710, s22, s21, $0x38;
	[tilespmem:$0x1B080] =	vst v63  }
0x2d: {  	s0 =	sadd.s32 $0x4E2, s30  }
0x2e: {  	[hbm4b:s0+s2] =	stream.linear.scatter [tilespmem:s25], [sflag:$0x5], $0x2710, $0x38;
	[tilespmem:$0x1B080] =	vst v63  }
0x2f: {  	_ =	swait.ge [sflag:s26], $0x2710  }
0x30: {  	s3 =	smov.u32 s8;
	s0 =	simm.s32 $0x9C4;
	[sflag:s26] =	ssyncset.done $0x0  }
.LBB2_2:
0x31: {  	p0 =	seq.s32 s0, $0x1C138;
	[sflag:s26] =	ssyncadd.s32 $0xFFFFD8F0;
	s3 =	sadd.s32 $0x9C40, s3  }
0x32: {  	s8 =	smov.u32 s0;
	s0 =	sadd.s32 $0x9C4, s0  }
0x33: {  	_ =	swait.ge [sflag:s24], $0x2710  }
0x34: {  	[sflag:s24] =	ssyncset.done $0x0  }
0x35: {  	[sflag:s24] =	ssyncadd.s32 $0xFFFFD8F0  }
0x36: {  	[tilespmem:s25], [sflag:$0x2] =	stream.strided.gather [hbm4b:s3+s21], $0x2710, s22, s21, $0x38;
	[tilespmem:$0x1B080] =	vst v63  }
0x37: {  	s8 =	sadd.s32 s8, s19  }
0x38: {  	[hbm4b:s8+s2] =	stream.linear.scatter [tilespmem:s23], [sflag:$0x5], $0x2710, $0x38;
	[tilespmem:$0x1B080] =	vst v63  }
0x39: {  	_ =	swait.ge [sflag:s26], $0x2710  }
0x3a: {  	[sflag:s26] =	ssyncset.done $0x0  }
0x3b: {  	[sflag:s26] =	ssyncadd.s32 $0xFFFFD8F0  }
0x3c: {  	_ =	swait.ge [sflag:s28], $0x2710  }
0x3d: {  	[sflag:s28] =	ssyncset.done $0x0  }
0x3e: {  	s10 =	sadd.s32 $0x4E20, s3;
	[sflag:s28] =	ssyncadd.s32 $0xFFFFD8F0  }
0x3f: {  	[tilespmem:s23], [sflag:$0x1] =	stream.strided.gather [hbm4b:s10+s21], $0x2710, s22, s21, $0x38;
	[tilespmem:$0x1B080] =	vst v63  }
.Ltmp2:
0x40: {  	_ = 	snop;
	(pc) =	sbr.rel @!p0 .LBB2_2-.Ltmp2, $4  }
0x41: {  	s8 =	sadd.s32 $0x4E2, s8  }
0x42: {  	[hbm4b:s8+s2] =	stream.linear.scatter [tilespmem:s25], [sflag:$0x5], $0x2710, $0x38;
	[tilespmem:$0x1B080] =	vst v63  }
0x43: {  	_ =	swait.ge [sflag:s26], $0x2710  }
0x44: {  	[sflag:s26] =	ssyncset.done $0x0  }
0x45: {  	[sflag:s26] =	ssyncadd.s32 $0xFFFFD8F0  }
0x46: {  	_ =	swait.ge [sflag:s24], $0x2710  }
0x47: {  	[sflag:s24] =	ssyncset.done $0x0  }
0x48: {  	s0 =	rddreg [dreg:$0xd];
	[sflag:s24] =	ssyncadd.s32 $0xFFFFD8F0  }
0x49: {  	[tilespmem:s25], [sflag:$0x2] =	stream.strided.gather [hbm4b:s0+s21], $0x2710, s22, s21, $0x38;
	[tilespmem:$0x1B080] =	vst v63  }
0x4a: {  	s3 =	simm.s32 $0x0;
	s30 =	rddreg [dreg:$0xe]  }
0x4b: {  	[hbm4b:s30+s3] =	stream.linear.scatter [tilespmem:s23], [sflag:$0x5], $0x2710, $0x38;
	[tilespmem:$0x1B080] =	vst v63  }
0x4c: {  	_ =	swait.ge [sflag:s26], $0x2710  }
0x4d: {  	[sflag:s26] =	ssyncset.done $0x0  }
0x4e: {  	[sflag:s26] =	ssyncadd.s32 $0xFFFFD8F0  }
0x4f: {  	_ =	swait.ge [sflag:s28], $0x2710  }
0x50: {  	[sflag:s28] =	ssyncset.done $0x0  }
.Ltmp3:
0x51: {  	s31 =	rddreg [dreg:$0xf];
	[sflag:s28] =	ssyncadd.s32 $0xFFFFD8F0;
	(pc) =	sbr.rel .LBB2_4-.Ltmp3, $4  }
0x52: {  	[hbm4b:s31+s3] =	stream.linear.scatter [tilespmem:s25], [sflag:$0x5], $0x2710, $0x38;
	[tilespmem:$0x1B080] =	vst v63  }
0x53: {  	_ =	swait.ge [sflag:s26], $0x2710  }
0x54: {  	[sflag:s26] =	ssyncset.done $0x0  }
0x55: {  	[sflag:s26] =	ssyncadd.s32 $0xFFFFD8F0  }
.LBB2_19:
0x56: {  	s0 =	rddreg [dreg:$0x13]  }
0x57: {  	s3 =	rddreg [dreg:$0xb];
	s0 =	sshll.u32 s0, $0x4  }
0x58: {  	s30 =	simm.s32 $0x600;
	s0 =	sadd.s32 s0, s3  }
0x59: {  	[hbm4b:s0+s21] =	stream.strided.scatter [tilespmem:s29], [sflag:$0x5], $0x13880, s30, s21, $0x38;
	[tilespmem:$0x1B080] =	vst v63  }
0x5a: {  	_ =	swait.ge [sflag:s26], $0x13880  }
0x5b: {  	s31 =	rddreg [dreg:$0x12]  }
0x5c: {  	s3 =	sadd.s32 $0x1, s31  }
0x5d: {  	p0 =	sne.s32 s3, $0x6  }
.Ltmp4:
0x5e: {  	_ = 	snop;
	(pc) =	sbr.rel @!p0 .LBB2_20-.Ltmp4, $3  }
0x5f: {  	_ =	sdelay $0x1  }
0x60: {  	[sflag:s26] =	ssyncset.done $0x0  }
0x61: {  	[sflag:s26] =	ssyncadd.s32 $0xFFFEC780  }
.LBB2_4:
0x62: {  	s0 =	rddreg [dreg:$0x4]  }
0x63: {  	[tilespmem:s29], [sflag:$0x5] =	stream.linear.gather [hbm4b:s0+s2], $0x13880, $0x38;
	[tilespmem:$0x1B080] =	vst v63  }
0x64: {  	_ =	swait.ge [sflag:s26], $0x13880  }
0x65: {  	[sflag:s26] =	ssyncset.done $0x0  }
0x66: {  	[sflag:s26] =	ssyncadd.s32 $0xFFFEC780  }
0x67: {  	[tilespmem:s2], [sflag:$0x1] =	stream.linear.gather [hbm4b:s4+s2], $0x500, $0x38;
	[tilespmem:$0x1B080] =	vst v63  }
0x68: {  	s12 =	simm.s32 $0xA00  }
0x69: {  	[tilespmem:s12], [sflag:$0x1] =	stream.linear.gather [hbm4b:s5+s2], $0x500, $0x38;
	[tilespmem:$0x1B080] =	vst v63  }
0x6a: {  	s13 =	simm.s32 $0x1400  }
0x6b: {  	[tilespmem:s13], [sflag:$0x1] =	stream.linear.gather [hbm4b:s1+s2], $0x500, $0x38;
	[tilespmem:$0x1B080] =	vst v63  }
0x6c: {  	_ =	swait.ge [sflag:s24], $0x500  }
0x6d: {  	[sflag:s24] =	ssyncset.done $0x0  }
0x6e: {  	[sflag:s24] =	ssyncadd.s32 $0xFFFFFB00  }
0x6f: {  	_ =	swait.ge [sflag:s24], $0x500  }
0x70: {  	[sflag:s24] =	ssyncset.done $0x0  }
0x71: {  	[sflag:s24] =	ssyncadd.s32 $0xFFFFFB00  }
0x72: {  	_ =	swait.ge [sflag:s24], $0x500  }
0x73: {  	[sflag:s24] =	ssyncset.done $0x0  }
0x74: {  	s30 =	simm.s32 $0x80;
	[sflag:s24] =	ssyncadd.s32 $0xFFFFFB00  }
0x75: {  	v2 =	vld [tilespmem:s30+$0x0]  }
0x76: {  	s14 =	rddreg [dreg:$0x8]  }
0x77: {  	s16 =	rddreg [dreg:$0x5];
	s15 =	sadd.s32 s14, s3  }
0x78: {  	s0 =	sor.u32 s16, s15  }
0x79: {  	[dreg:$0x12] =	wrdreg s3;
	v1 =	vmov s0  }
0x7a: {  	s10 =	simm.s32 $0x1E80;
	[dreg:$0x13] =	wrdreg s15;
	v2 =	vadd.s32 v1, v2  }
0x7b: {  	[tilespmem:s10+$0x0] =	vst v2  }
0x7c: {  	v2 =	vld [tilespmem:s30+$0x10];
	_ =	sdelay $0x3  }
0x7d: {  	v3 =	vld [tilespmem:s30+$0xFFFFFF80]  }
0x7e: {  	v2 =	vadd.s32 v1, v2  }
0x7f: {  	[tilespmem:s10+$0x10] =	vst v2  }
0x80: {  	s11 =	simm.s32 $0x180;
	v2 =	vld [tilespmem:s30+$0x20]  }
0x81: {  	v4 =	vld [tilespmem:s11+$0x0]  }
0x82: {  	v3 =	vadd.s32 v1, v3  }
0x83: {  	[tilespmem:s10+$0xFFFFFF80] =	vst v3  }
0x84: {  	v3 =	vld [tilespmem:s30+$0xFFFFFF90]  }
0x85: {  	v2 =	vadd.s32 v1, v2  }
0x86: {  	s8 =	simm.s32 $0x1F80;
	[tilespmem:s10+$0x20] =	vst v2;
	v2 =	vadd.s32 v1, v4  }
0x87: {  	v4 =	vld [tilespmem:s30+$0x30];
	[tilespmem:s8+$0x0] =	vst v2  }
0x88: {  	v2 =	vld [tilespmem:s11+$0x10]  }
0x89: {  	v5 =	vld [tilespmem:s11+$0xFFFFFF80];
	v3 =	vadd.s32 v1, v3  }
0x8a: {  	[tilespmem:s10+$0xFFFFFF90] =	vst v3  }
0x8b: {  	v3 =	vld [tilespmem:s30+$0xFFFFFFA0]  }
0x8c: {  	v4 =	vadd.s32 v1, v4  }
0x8d: {  	[tilespmem:s10+$0x30] =	vst v4;
	v2 =	vadd.s32 v1, v2  }
0x8e: {  	v5 =	vadd.s32 v1, v5;
	v4 =	vld [tilespmem:s30+$0x40];
	[tilespmem:s8+$0x10] =	vst v2  }
0x8f: {  	[tilespmem:s8+$0xFFFFFF80] =	vst v5;
	v2 =	vld [tilespmem:s11+$0x20]  }
0x90: {  	s12 =	simm.s32 $0x280;
	v5 =	vld [tilespmem:s11+$0xFFFFFF90];
	v3 =	vadd.s32 v1, v3  }
0x91: {  	[tilespmem:s10+$0xFFFFFFA0] =	vst v3;
	v3 =	vld [tilespmem:s12+$0x0]  }
0x92: {  	v6 =	vld [tilespmem:s30+$0xFFFFFFB0]  }
0x93: {  	v4 =	vadd.s32 v1, v4  }
0x94: {  	v7 =	vld [tilespmem:s12+$0xFFFFFF80];
	[tilespmem:s10+$0x40] =	vst v4;
	v2 =	vadd.s32 v1, v2  }
0x95: {  	v5 =	vadd.s32 v1, v5;
	v4 =	vld [tilespmem:s30+$0x50];
	[tilespmem:s8+$0x20] =	vst v2  }
0x96: {  	s13 =	simm.s32 $0x2080;
	[tilespmem:s8+$0xFFFFFF90] =	vst v5;
	v2 =	vadd.s32 v1, v3;
	v3 =	vld [tilespmem:s11+$0x30]  }
0x97: {  	v5 =	vadd.s32 v1, v6;
	v6 =	vld [tilespmem:s11+$0xFFFFFFA0];
	[tilespmem:s13+$0x0] =	vst v2  }
0x98: {  	[tilespmem:s10+$0xFFFFFFB0] =	vst v5;
	v2 =	vld [tilespmem:s12+$0x10]  }
0x99: {  	v7 =	vadd.s32 v1, v7;
	v5 =	vld [tilespmem:s30+$0xFFFFFFC0]  }
0x9a: {  	[tilespmem:s13+$0xFFFFFF80] =	vst v7;
	v4 =	vadd.s32 v1, v4  }
0x9b: {  	v7 =	vld [tilespmem:s12+$0xFFFFFF90];
	[tilespmem:s10+$0x50] =	vst v4;
	v3 =	vadd.s32 v1, v3  }
0x9c: {  	v6 =	vadd.s32 v1, v6;
	v4 =	vld [tilespmem:s30+$0x60];
	[tilespmem:s8+$0x30] =	vst v3  }
0x9d: {  	[tilespmem:s8+$0xFFFFFFA0] =	vst v6;
	v2 =	vadd.s32 v1, v2;
	v3 =	vld [tilespmem:s11+$0x40]  }
0x9e: {  	v6 =	vld [tilespmem:s11+$0xFFFFFFB0];
	v5 =	vadd.s32 v1, v5;
	[tilespmem:s13+$0x10] =	vst v2  }
0x9f: {  	[tilespmem:s10+$0xFFFFFFC0] =	vst v5;
	v2 =	vld [tilespmem:s12+$0x20]  }
0xa0: {  	s14 =	simm.s32 $0x380;
	v7 =	vadd.s32 v1, v7;
	v5 =	vld [tilespmem:s30+$0xFFFFFFD0]  }
0xa1: {  	v8 =	vld [tilespmem:s14+$0x0];
	[tilespmem:s13+$0xFFFFFF90] =	vst v7;
	v4 =	vadd.s32 v1, v4  }
0xa2: {  	v7 =	vld [tilespmem:s14+$0xFFFFFF80];
	[tilespmem:s10+$0x60] =	vst v4;
	v3 =	vadd.s32 v1, v3  }
0xa3: {  	v6 =	vadd.s32 v1, v6;
	v4 =	vld [tilespmem:s30+$0x70];
	[tilespmem:s8+$0x40] =	vst v3  }
0xa4: {  	[tilespmem:s8+$0xFFFFFFB0] =	vst v6;
	v2 =	vadd.s32 v1, v2;
	v3 =	vld [tilespmem:s11+$0x50]  }
0xa5: {  	v6 =	vld [tilespmem:s12+$0xFFFFFFA0];
	v5 =	vadd.s32 v1, v5;
	[tilespmem:s13+$0x20] =	vst v2  }
0xa6: {  	s31 =	simm.s32 $0x2180;
	[tilespmem:s10+$0xFFFFFFD0] =	vst v5;
	v2 =	vadd.s32 v1, v8;
	v5 =	vld [tilespmem:s12+$0x30]  }
0xa7: {  	v7 =	vadd.s32 v1, v7;
	[tilespmem:s31+$0x0] =	vst v2;
	v2 =	vld [tilespmem:s11+$0xFFFFFFC0]  }
0xa8: {  	[tilespmem:s31+$0xFFFFFF80] =	vst v7;
	v8 =	vld [tilespmem:s14+$0x10];
	v4 =	vadd.s32 v1, v4  }
0xa9: {  	v7 =	vld [tilespmem:s30+$0xFFFFFFE0];
	[tilespmem:s10+$0x70] =	vst v4;
	v3 =	vadd.s32 v1, v3  }
0xaa: {  	v9 =	vld [tilespmem:s14+$0xFFFFFF90];
	v4 =	vadd.s32 v1, v6;
	[tilespmem:s8+$0x50] =	vst v3  }
0xab: {  	[tilespmem:s13+$0xFFFFFFA0] =	vst v4;
	v3 =	vadd.s32 v1, v5;
	v5 =	vld [tilespmem:s11+$0x60]  }
0xac: {  	v2 =	vadd.s32 v1, v2;
	v6 =	vld [tilespmem:s12+$0xFFFFFFB0];
	[tilespmem:s13+$0x30] =	vst v3  }
0xad: {  	v3 =	vadd.s32 v1, v8;
	[tilespmem:s8+$0xFFFFFFC0] =	vst v2;
	v4 =	vld [tilespmem:s12+$0x40]  }
0xae: {  	v2 =	vadd.s32 v1, v7;
	[tilespmem:s31+$0x10] =	vst v3;
	v3 =	vld [tilespmem:s11+$0xFFFFFFD0]  }
0xaf: {  	v8 =	vadd.s32 v1, v9;
	[tilespmem:s10+$0xFFFFFFE0] =	vst v2;
	v7 =	vld [tilespmem:s14+$0x20]  }
0xb0: {  	s3 =	simm.s32 $0x480;
	s0 =	simm.s32 $0x6;
	[tilespmem:s31+$0xFFFFFF90] =	vst v8;
	v2 =	vld [tilespmem:s30+$0xFFFFFFF0];
	s30 =	simm.s32 $0x2180;
	v5 =	vadd.s32 v1, v5  }
.LBB2_5:
0xb1: {  	v8 =	vld [tilespmem:s3+$0x0];
	s0 =	sadd.s32 $0x2, s0;
	v6 =	vadd.s32 v1, v6;
	[tilespmem:s8+$0x60] =	vst v5;
	s15 =	smov.u32 s14;
	s14 =	smov.u32 s3  }
0xb2: {  	p0 =	slt.u32 s0, $0x8;
	[tilespmem:s13+$0xFFFFFFB0] =	vst v6;
	v4 =	vadd.s32 v1, v4;
	v5 =	vld [tilespmem:s11+$0x70]  }
0xb3: {  	v6 =	vld [tilespmem:s3+$0xFFFFFF80];
	[tilespmem:s13+$0x40] =	vst v4;
	v3 =	vadd.s32 v1, v3  }
0xb4: {  	v4 =	vadd.s32 v1, v7;
	v7 =	vld [tilespmem:s12+$0x50];
	[tilespmem:s8+$0xFFFFFFD0] =	vst v3  }
0xb5: {  	v3 =	vld [tilespmem:s15+$0xFFFFFFA0];
	[tilespmem:s31+$0x20] =	vst v4;
	v2 =	vadd.s32 v1, v2  }
0xb6: {  	s31 =	sadd.s32 $0x100, s31;
	v4 =	vadd.s32 v1, v8;
	v8 =	vld [tilespmem:s15+$0x30];
	[tilespmem:s10+$0xFFFFFFF0] =	vst v2;
	s10 =	smov.u32 s8;
	s8 =	smov.u32 s13  }
0xb7: {  	s13 =	smov.u32 s30;
	s30 =	smov.u32 s31;
	[tilespmem:s31+$0x0] =	vst v4;
	v2 =	vld [tilespmem:s12+$0xFFFFFFC0];
	v4 =	vadd.s32 v1, v5  }
0xb8: {  	v5 =	vadd.s32 v1, v6;
	v9 =	vld [tilespmem:s3+$0x10];
	[tilespmem:s10+$0x70] =	vst v4  }
0xb9: {  	[tilespmem:s31+$0xFFFFFF80] =	vst v5;
	v4 =	vadd.s32 v1, v7;
	v5 =	vld [tilespmem:s11+$0xFFFFFFE0]  }
0xba: {  	v7 =	vld [tilespmem:s3+$0xFFFFFF90];
	v3 =	vadd.s32 v1, v3;
	[tilespmem:s8+$0x50] =	vst v4  }
0xbb: {  	[tilespmem:s13+$0xFFFFFFA0] =	vst v3;
	v3 =	vadd.s32 v1, v8;
	v8 =	vld [tilespmem:s12+$0x60]  }
.Ltmp5:
0xbc: {  	v6 =	vld [tilespmem:s15+$0xFFFFFFB0];
	[tilespmem:s13+$0x30] =	vst v3;
	v2 =	vadd.s32 v1, v2;
	(pc) =	sbr.rel @p0 .LBB2_5-.Ltmp5, $4  }
0xbd: {  	v3 =	vadd.s32 v1, v9;
	v4 =	vld [tilespmem:s15+$0x40];
	[tilespmem:s8+$0xFFFFFFC0] =	vst v2  }
0xbe: {  	[tilespmem:s31+$0x10] =	vst v3;
	v3 =	vld [tilespmem:s12+$0xFFFFFFD0];
	v2 =	vadd.s32 v1, v5  }
0xbf: {  	v5 =	vadd.s32 v1, v7;
	v7 =	vld [tilespmem:s3+$0x20];
	[tilespmem:s10+$0xFFFFFFE0] =	vst v2  }
0xc0: {  	s3 =	sadd.s32 $0x100, s3;
	[tilespmem:s31+$0xFFFFFF90] =	vst v5;
	v5 =	vadd.s32 v1, v8;
	v2 =	vld [tilespmem:s11+$0xFFFFFFF0];
	s11 =	smov.u32 s12;
	s12 =	smov.u32 s15  }
0xc1: {  	v8 =	vld [tilespmem:s14+$0xFFFFFFA0];
	_ =	sdelay $0x3  }
0xc2: {  	v7 =	vadd.s32 v1, v7  }
0xc3: {  	[tilespmem:s31+$0x20] =	vst v7;
	v38 =	vadd.s32 v1, v8  }
0xc4: {  	v39 =	vld [tilespmem:s14+$0x30];
	[tilespmem:s30+$0xFFFFFFA0] =	vst v38  }
0xc5: {  	v7 =	vld [tilespmem:s14+$0xFFFFFFB0];
	_ =	sdelay $0x2  }
0xc6: {  	v6 =	vadd.s32 v1, v6  }
0xc7: {  	[tilespmem:s13+$0xFFFFFFB0] =	vst v6;
	v40 =	vadd.s32 v1, v39  }
0xc8: {  	v41 =	vld [tilespmem:s12+$0xFFFFFFC0];
	[tilespmem:s30+$0x30] =	vst v40;
	v42 =	vadd.s32 v1, v7  }
0xc9: {  	v43 =	vld [tilespmem:s14+$0x40];
	[tilespmem:s30+$0xFFFFFFB0] =	vst v42  }
0xca: {  	v6 =	vld [tilespmem:s14+$0xFFFFFFC0];
	_ =	sdelay $0x1  }
0xcb: {  	v4 =	vadd.s32 v1, v4  }
0xcc: {  	[tilespmem:s13+$0x40] =	vst v4;
	v44 =	vadd.s32 v1, v41  }
0xcd: {  	v45 =	vld [tilespmem:s12+$0x50];
	[tilespmem:s13+$0xFFFFFFC0] =	vst v44;
	v46 =	vadd.s32 v1, v43  }
0xce: {  	v47 =	vld [tilespmem:s12+$0xFFFFFFD0];
	[tilespmem:s30+$0x40] =	vst v46;
	v48 =	vadd.s32 v1, v6  }
0xcf: {  	v49 =	vld [tilespmem:s14+$0x50];
	[tilespmem:s30+$0xFFFFFFC0] =	vst v48  }
0xd0: {  	v4 =	vld [tilespmem:s14+$0xFFFFFFD0]  }
0xd1: {  	v3 =	vadd.s32 v1, v3  }
0xd2: {  	[tilespmem:s8+$0xFFFFFFD0] =	vst v3;
	v3 =	vadd.s32 v1, v45  }
0xd3: {  	v50 =	vld [tilespmem:s11+$0xFFFFFFE0];
	[tilespmem:s13+$0x50] =	vst v3;
	v3 =	vadd.s32 v1, v47  }
0xd4: {  	v51 =	vld [tilespmem:s12+$0x60];
	[tilespmem:s13+$0xFFFFFFD0] =	vst v3;
	v3 =	vadd.s32 v1, v49  }
0xd5: {  	v52 =	vld [tilespmem:s12+$0xFFFFFFE0];
	[tilespmem:s30+$0x50] =	vst v3;
	v3 =	vadd.s32 v1, v4  }
0xd6: {  	v53 =	vld [tilespmem:s14+$0x60];
	[tilespmem:s30+$0xFFFFFFD0] =	vst v3  }
0xd7: {  	v3 =	vld [tilespmem:s14+$0xFFFFFFE0]  }
0xd8: {  	[tilespmem:s8+$0x60] =	vst v5;
	v54 =	vadd.s32 v1, v50  }
0xd9: {  	v55 =	vld [tilespmem:s11+$0x70];
	[tilespmem:s8+$0xFFFFFFE0] =	vst v54;
	v56 =	vadd.s32 v1, v51  }
0xda: {  	v57 =	vld [tilespmem:s11+$0xFFFFFFF0];
	[tilespmem:s13+$0x60] =	vst v56;
	v58 =	vadd.s32 v1, v52  }
0xdb: {  	v59 =	vld [tilespmem:s12+$0x70];
	[tilespmem:s13+$0xFFFFFFE0] =	vst v58;
	v4 =	vadd.s32 v1, v53  }
0xdc: {  	v5 =	vld [tilespmem:s12+$0xFFFFFFF0];
	[tilespmem:s30+$0x60] =	vst v4;
	v3 =	vadd.s32 v1, v3  }
0xdd: {  	v2 =	vadd.s32 v1, v2;
	[tilespmem:s30+$0xFFFFFFE0] =	vst v3;
	v3 =	vld [tilespmem:s14+$0x70]  }
0xde: {  	[tilespmem:s10+$0xFFFFFFF0] =	vst v2;
	v60 =	vadd.s32 v1, v55;
	v2 =	vld [tilespmem:s14+$0xFFFFFFF0]  }
0xdf: {  	[tilespmem:s8+$0x70] =	vst v60;
	v61 =	vadd.s32 v1, v57  }
0xe0: {  	[tilespmem:s8+$0xFFFFFFF0] =	vst v61;
	v62 =	vadd.s32 v1, v59  }
0xe1: {  	[tilespmem:s13+$0x70] =	vst v62;
	v63 =	vadd.s32 v1, v5  }
0xe2: {  	[tilespmem:s13+$0xFFFFFFF0] =	vst v63;
	v3 =	vadd.s32 v1, v3  }
0xe3: {  	[tilespmem:s30+$0x70] =	vst v3;
	v2 =	vadd.s32 v1, v2  }
0xe4: {  	s0 =	simm.s32 $0x1E00;
	[tilespmem:s30+$0xFFFFFFF0] =	vst v2  }
0xe5: {  	[tilespmem:s23], [sflag:$0x3] =	stream.indirect.gather [hbm4b:s7+s22], $0x8, s0, s22, $0xb8;
	[tilespmem:$0x1B080] =	vst v63  }
0xe6: {  	s16 =	simm.s32 $0x1E80;
	s3 =	simm.s32 $0x2C00  }
0xe7: {  	[tilespmem:s3], [sflag:$0x3] =	stream.indirect.gather [hbm4b:s7+s22], $0x8, s16, s22, $0xb8;
	[tilespmem:$0x1B080] =	vst v63  }
0xe8: {  	s31 =	simm.s32 $0x3000;
	s30 =	simm.s32 $0x1F00  }
0xe9: {  	[tilespmem:s31], [sflag:$0x3] =	stream.indirect.gather [hbm4b:s7+s22], $0x8, s30, s22, $0xb8;
	[tilespmem:$0x1B080] =	vst v63  }
0xea: {  	s10 =	simm.s32 $0x3400;
	s8 =	simm.s32 $0x1F80  }
0xeb: {  	[tilespmem:s10], [sflag:$0x3] =	stream.indirect.gather [hbm4b:s7+s22], $0x8, s8, s22, $0xb8;
	[tilespmem:$0x1B080] =	vst v63  }
0xec: {  	s11 =	simm.s32 $0x2000;
	s12 =	simm.s32 $0x3800  }
0xed: {  	[tilespmem:s12], [sflag:$0x3] =	stream.indirect.gather [hbm4b:s7+s22], $0x8, s11, s22, $0xb8;
	[tilespmem:$0x1B080] =	vst v63  }
0xee: {  	s13 =	simm.s32 $0x2080;
	s14 =	simm.s32 $0x3C00  }
0xef: {  	[tilespmem:s14], [sflag:$0x3] =	stream.indirect.gather [hbm4b:s7+s22], $0x8, s13, s22, $0xb8;
	[tilespmem:$0x1B080] =	vst v63  }
0xf0: {  	s15 =	simm.s32 $0x2100;
	s16 =	simm.s32 $0x4000  }
0xf1: {  	[tilespmem:s16], [sflag:$0x3] =	stream.indirect.gather [hbm4b:s7+s22], $0x8, s15, s22, $0xb8;
	[tilespmem:$0x1B080] =	vst v63  }
0xf2: {  	s30 =	simm.s32 $0x2180;
	s31 =	simm.s32 $0x4400  }
0xf3: {  	[tilespmem:s31], [sflag:$0x3] =	stream.indirect.gather [hbm4b:s7+s22], $0x8, s30, s22, $0xb8;
	[tilespmem:$0x1B080] =	vst v63  }
0xf4: {  	s8 =	simm.s32 $0x2200;
	s10 =	simm.s32 $0x4800  }
0xf5: {  	[tilespmem:s10], [sflag:$0x3] =	stream.indirect.gather [hbm4b:s7+s22], $0x8, s8, s22, $0xb8;
	[tilespmem:$0x1B080] =	vst v63  }
0xf6: {  	s11 =	simm.s32 $0x2280;
	s12 =	simm.s32 $0x4C00  }
0xf7: {  	[tilespmem:s12], [sflag:$0x3] =	stream.indirect.gather [hbm4b:s7+s22], $0x8, s11, s22, $0xb8;
	[tilespmem:$0x1B080] =	vst v63  }
0xf8: {  	s13 =	rddreg [dreg:$0x7];
	s14 =	simm.s32 $0x500;
	s10 =	simm.s32 $0x0  }
0xf9: {  	[tilespmem:s14], [sflag:$0x2] =	stream.linear.gather [hbm4b:s13+s10], $0x500, $0x38;
	[tilespmem:$0x1B080] =	vst v63  }
0xfa: {  	s15 =	rddreg [dreg:$0x9];
	s16 =	simm.s32 $0xF00  }
0xfb: {  	[tilespmem:s16], [sflag:$0x2] =	stream.linear.gather [hbm4b:s15+s10], $0x500, $0x38;
	[tilespmem:$0x1B080] =	vst v63  }
0xfc: {  	s30 =	rddreg [dreg:$0xa];
	s31 =	simm.s32 $0x1900  }
0xfd: {  	[tilespmem:s31], [sflag:$0x2] =	stream.linear.gather [hbm4b:s30+s10], $0x500, $0x38;
	[tilespmem:$0x1B080] =	vst v63  }
.LBB2_7:
0xfe: {  	_ =	swait.ge [sflag:s28], $0x500  }
0xff: {  	[sflag:s28] =	ssyncset.done $0x0  }
0x100: {  	[sflag:s28] =	ssyncadd.s32 $0xFFFFFB00  }
0x101: {  	_ =	swait.ge [sflag:s28], $0x500  }
0x102: {  	[sflag:s28] =	ssyncset.done $0x0  }
0x103: {  	[sflag:s28] =	ssyncadd.s32 $0xFFFFFB00  }
0x104: {  	_ =	swait.ge [sflag:s28], $0x500  }
0x105: {  	[sflag:s28] =	ssyncset.done $0x0  }
0x106: {  	s31 =	simm.s32 $0x580;
	[sflag:s28] =	ssyncadd.s32 $0xFFFFFB00  }
0x107: {  	v2 =	vld [tilespmem:s31+$0x0];
	_ =	sdelay $0x4  }
0x108: {  	s8 =	simm.s32 $0x23F0;
	v2 =	vadd.s32 v1, v2  }
0x109: {  	[tilespmem:s8+$0xFFFFFF90] =	vst v2  }
0x10a: {  	v2 =	vld [tilespmem:s31+$0x10];
	_ =	sdelay $0x3  }
0x10b: {  	v3 =	vld [tilespmem:s31+$0xFFFFFF80]  }
0x10c: {  	v2 =	vadd.s32 v1, v2  }
0x10d: {  	[tilespmem:s8+$0xFFFFFFA0] =	vst v2  }
0x10e: {  	s12 =	simm.s32 $0x680;
	v2 =	vld [tilespmem:s31+$0x20]  }
0x10f: {  	v4 =	vld [tilespmem:s12+$0x0]  }
0x110: {  	v3 =	vadd.s32 v1, v3  }
0x111: {  	[tilespmem:s8+$0xFFFFFF10] =	vst v3  }
0x112: {  	v3 =	vld [tilespmem:s31+$0xFFFFFF90]  }
0x113: {  	v2 =	vadd.s32 v1, v2  }
0x114: {  	s11 =	simm.s32 $0x24F0;
	[tilespmem:s8+$0xFFFFFFB0] =	vst v2;
	v2 =	vadd.s32 v1, v4  }
0x115: {  	v4 =	vld [tilespmem:s31+$0x30];
	[tilespmem:s11+$0xFFFFFF90] =	vst v2  }
0x116: {  	v2 =	vld [tilespmem:s12+$0x10]  }
0x117: {  	v5 =	vld [tilespmem:s12+$0xFFFFFF80];
	v3 =	vadd.s32 v1, v3  }
0x118: {  	[tilespmem:s8+$0xFFFFFF20] =	vst v3  }
0x119: {  	v3 =	vld [tilespmem:s31+$0xFFFFFFA0]  }
0x11a: {  	v4 =	vadd.s32 v1, v4  }
0x11b: {  	[tilespmem:s8+$0xFFFFFFC0] =	vst v4;
	v2 =	vadd.s32 v1, v2  }
0x11c: {  	v5 =	vadd.s32 v1, v5;
	v4 =	vld [tilespmem:s31+$0x40];
	[tilespmem:s11+$0xFFFFFFA0] =	vst v2  }
0x11d: {  	[tilespmem:s11+$0xFFFFFF10] =	vst v5;
	v2 =	vld [tilespmem:s12+$0x20]  }
0x11e: {  	s13 =	simm.s32 $0x780;
	v5 =	vld [tilespmem:s12+$0xFFFFFF90];
	v3 =	vadd.s32 v1, v3  }
0x11f: {  	[tilespmem:s8+$0xFFFFFF30] =	vst v3;
	v3 =	vld [tilespmem:s13+$0x0]  }
0x120: {  	v6 =	vld [tilespmem:s31+$0xFFFFFFB0]  }
0x121: {  	v4 =	vadd.s32 v1, v4  }
0x122: {  	v7 =	vld [tilespmem:s13+$0xFFFFFF80];
	[tilespmem:s8+$0xFFFFFFD0] =	vst v4;
	v2 =	vadd.s32 v1, v2  }
0x123: {  	v5 =	vadd.s32 v1, v5;
	v4 =	vld [tilespmem:s31+$0x50];
	[tilespmem:s11+$0xFFFFFFB0] =	vst v2  }
0x124: {  	s14 =	simm.s32 $0x25F0;
	[tilespmem:s11+$0xFFFFFF20] =	vst v5;
	v2 =	vadd.s32 v1, v3;
	v3 =	vld [tilespmem:s12+$0x30]  }
0x125: {  	v5 =	vadd.s32 v1, v6;
	v6 =	vld [tilespmem:s12+$0xFFFFFFA0];
	[tilespmem:s14+$0xFFFFFF90] =	vst v2  }
0x126: {  	[tilespmem:s8+$0xFFFFFF40] =	vst v5;
	v2 =	vld [tilespmem:s13+$0x10]  }
0x127: {  	v7 =	vadd.s32 v1, v7;
	v5 =	vld [tilespmem:s31+$0xFFFFFFC0]  }
0x128: {  	[tilespmem:s14+$0xFFFFFF10] =	vst v7;
	v4 =	vadd.s32 v1, v4  }
0x129: {  	v7 =	vld [tilespmem:s13+$0xFFFFFF90];
	[tilespmem:s8+$0xFFFFFFE0] =	vst v4;
	v3 =	vadd.s32 v1, v3  }
0x12a: {  	v6 =	vadd.s32 v1, v6;
	v4 =	vld [tilespmem:s31+$0x60];
	[tilespmem:s11+$0xFFFFFFC0] =	vst v3  }
0x12b: {  	[tilespmem:s11+$0xFFFFFF30] =	vst v6;
	v2 =	vadd.s32 v1, v2;
	v3 =	vld [tilespmem:s12+$0x40]  }
0x12c: {  	v6 =	vld [tilespmem:s12+$0xFFFFFFB0];
	v5 =	vadd.s32 v1, v5;
	[tilespmem:s14+$0xFFFFFFA0] =	vst v2  }
0x12d: {  	[tilespmem:s8+$0xFFFFFF50] =	vst v5;
	v2 =	vld [tilespmem:s13+$0x20]  }
0x12e: {  	s30 =	simm.s32 $0x880;
	v7 =	vadd.s32 v1, v7;
	v5 =	vld [tilespmem:s31+$0xFFFFFFD0]  }
0x12f: {  	v8 =	vld [tilespmem:s30+$0x0];
	[tilespmem:s14+$0xFFFFFF20] =	vst v7;
	v4 =	vadd.s32 v1, v4  }
0x130: {  	v7 =	vld [tilespmem:s30+$0xFFFFFF80];
	[tilespmem:s8+$0xFFFFFFF0] =	vst v4;
	v3 =	vadd.s32 v1, v3  }
0x131: {  	v6 =	vadd.s32 v1, v6;
	v4 =	vld [tilespmem:s31+$0x70];
	[tilespmem:s11+$0xFFFFFFD0] =	vst v3  }
0x132: {  	[tilespmem:s11+$0xFFFFFF40] =	vst v6;
	v2 =	vadd.s32 v1, v2;
	v3 =	vld [tilespmem:s12+$0x50]  }
0x133: {  	v6 =	vld [tilespmem:s13+$0xFFFFFFA0];
	v5 =	vadd.s32 v1, v5;
	[tilespmem:s14+$0xFFFFFFB0] =	vst v2  }
0x134: {  	s0 =	simm.s32 $0x26F0;
	[tilespmem:s8+$0xFFFFFF60] =	vst v5;
	v2 =	vadd.s32 v1, v8;
	v5 =	vld [tilespmem:s13+$0x30]  }
0x135: {  	v7 =	vadd.s32 v1, v7;
	[tilespmem:s0+$0xFFFFFF90] =	vst v2;
	v2 =	vld [tilespmem:s12+$0xFFFFFFC0]  }
0x136: {  	[tilespmem:s0+$0xFFFFFF10] =	vst v7;
	v8 =	vld [tilespmem:s30+$0x10];
	v4 =	vadd.s32 v1, v4  }
0x137: {  	v7 =	vld [tilespmem:s31+$0xFFFFFFE0];
	[tilespmem:s8+$0x0] =	vst v4;
	v3 =	vadd.s32 v1, v3  }
0x138: {  	v9 =	vld [tilespmem:s30+$0xFFFFFF90];
	v4 =	vadd.s32 v1, v6;
	[tilespmem:s11+$0xFFFFFFE0] =	vst v3  }
0x139: {  	[tilespmem:s14+$0xFFFFFF30] =	vst v4;
	v3 =	vadd.s32 v1, v5;
	v5 =	vld [tilespmem:s12+$0x60]  }
0x13a: {  	v2 =	vadd.s32 v1, v2;
	v6 =	vld [tilespmem:s13+$0xFFFFFFB0];
	[tilespmem:s14+$0xFFFFFFC0] =	vst v3  }
0x13b: {  	v3 =	vadd.s32 v1, v8;
	[tilespmem:s11+$0xFFFFFF50] =	vst v2;
	v4 =	vld [tilespmem:s13+$0x40]  }
0x13c: {  	v2 =	vadd.s32 v1, v7;
	[tilespmem:s0+$0xFFFFFFA0] =	vst v3;
	v3 =	vld [tilespmem:s12+$0xFFFFFFD0]  }
0x13d: {  	v8 =	vadd.s32 v1, v9;
	[tilespmem:s8+$0xFFFFFF70] =	vst v2;
	v7 =	vld [tilespmem:s30+$0x20]  }
0x13e: {  	s3 =	simm.s32 $0x6;
	s15 =	simm.s32 $0x980;
	[tilespmem:s0+$0xFFFFFF20] =	vst v8;
	v2 =	vld [tilespmem:s31+$0xFFFFFFF0];
	s31 =	simm.s32 $0x26F0;
	v5 =	vadd.s32 v1, v5  }
.LBB2_8:
0x13f: {  	v8 =	vld [tilespmem:s15+$0x0];
	s3 =	sadd.s32 $0x2, s3;
	v6 =	vadd.s32 v1, v6;
	[tilespmem:s11+$0xFFFFFFF0] =	vst v5;
	s16 =	smov.u32 s30;
	s30 =	smov.u32 s15  }
0x140: {  	p0 =	slt.u32 s3, $0x8;
	[tilespmem:s14+$0xFFFFFF40] =	vst v6;
	v4 =	vadd.s32 v1, v4;
	v5 =	vld [tilespmem:s12+$0x70]  }
0x141: {  	v6 =	vld [tilespmem:s15+$0xFFFFFF80];
	[tilespmem:s14+$0xFFFFFFD0] =	vst v4;
	v3 =	vadd.s32 v1, v3  }
0x142: {  	v4 =	vadd.s32 v1, v7;
	v7 =	vld [tilespmem:s13+$0x50];
	[tilespmem:s11+$0xFFFFFF60] =	vst v3  }
0x143: {  	v3 =	vld [tilespmem:s16+$0xFFFFFFA0];
	[tilespmem:s0+$0xFFFFFFB0] =	vst v4;
	v2 =	vadd.s32 v1, v2  }
0x144: {  	s0 =	sadd.s32 $0x100, s0;
	v4 =	vadd.s32 v1, v8;
	v8 =	vld [tilespmem:s16+$0x30];
	[tilespmem:s8+$0xFFFFFF80] =	vst v2;
	s8 =	smov.u32 s11;
	s11 =	smov.u32 s14  }
0x145: {  	s14 =	smov.u32 s31;
	s31 =	smov.u32 s0;
	[tilespmem:s0+$0xFFFFFF90] =	vst v4;
	v2 =	vld [tilespmem:s13+$0xFFFFFFC0];
	v4 =	vadd.s32 v1, v5  }
0x146: {  	v5 =	vadd.s32 v1, v6;
	v9 =	vld [tilespmem:s15+$0x10];
	[tilespmem:s8+$0x0] =	vst v4  }
0x147: {  	[tilespmem:s0+$0xFFFFFF10] =	vst v5;
	v4 =	vadd.s32 v1, v7;
	v5 =	vld [tilespmem:s12+$0xFFFFFFE0]  }
0x148: {  	v7 =	vld [tilespmem:s15+$0xFFFFFF90];
	v3 =	vadd.s32 v1, v3;
	[tilespmem:s11+$0xFFFFFFE0] =	vst v4  }
0x149: {  	[tilespmem:s14+$0xFFFFFF30] =	vst v3;
	v3 =	vadd.s32 v1, v8;
	v8 =	vld [tilespmem:s13+$0x60]  }
.Ltmp6:
0x14a: {  	v6 =	vld [tilespmem:s16+$0xFFFFFFB0];
	[tilespmem:s14+$0xFFFFFFC0] =	vst v3;
	v2 =	vadd.s32 v1, v2;
	(pc) =	sbr.rel @p0 .LBB2_8-.Ltmp6, $4  }
0x14b: {  	v3 =	vadd.s32 v1, v9;
	v4 =	vld [tilespmem:s16+$0x40];
	[tilespmem:s11+$0xFFFFFF50] =	vst v2  }
0x14c: {  	[tilespmem:s0+$0xFFFFFFA0] =	vst v3;
	v3 =	vld [tilespmem:s13+$0xFFFFFFD0];
	v2 =	vadd.s32 v1, v5  }
0x14d: {  	v5 =	vadd.s32 v1, v7;
	v7 =	vld [tilespmem:s15+$0x20];
	[tilespmem:s8+$0xFFFFFF70] =	vst v2  }
0x14e: {  	s15 =	sadd.s32 $0x100, s15;
	[tilespmem:s0+$0xFFFFFF20] =	vst v5;
	v5 =	vadd.s32 v1, v8;
	v2 =	vld [tilespmem:s12+$0xFFFFFFF0];
	s12 =	smov.u32 s13;
	s13 =	smov.u32 s16  }
0x14f: {  	v8 =	vld [tilespmem:s30+$0xFFFFFFA0];
	_ =	sdelay $0x3  }
0x150: {  	v7 =	vadd.s32 v1, v7  }
0x151: {  	[tilespmem:s0+$0xFFFFFFB0] =	vst v7;
	v7 =	vadd.s32 v1, v8  }
0x152: {  	v8 =	vld [tilespmem:s30+$0x30];
	[tilespmem:s31+$0xFFFFFF30] =	vst v7  }
0x153: {  	v7 =	vld [tilespmem:s30+$0xFFFFFFB0];
	_ =	sdelay $0x2  }
0x154: {  	v6 =	vadd.s32 v1, v6  }
0x155: {  	[tilespmem:s14+$0xFFFFFF40] =	vst v6;
	v6 =	vadd.s32 v1, v8  }
0x156: {  	v8 =	vld [tilespmem:s13+$0xFFFFFFC0];
	[tilespmem:s31+$0xFFFFFFC0] =	vst v6;
	v6 =	vadd.s32 v1, v7  }
0x157: {  	v7 =	vld [tilespmem:s30+$0x40];
	[tilespmem:s31+$0xFFFFFF40] =	vst v6  }
0x158: {  	v6 =	vld [tilespmem:s30+$0xFFFFFFC0];
	_ =	sdelay $0x1  }
0x159: {  	v4 =	vadd.s32 v1, v4  }
0x15a: {  	[tilespmem:s14+$0xFFFFFFD0] =	vst v4;
	v4 =	vadd.s32 v1, v8  }
0x15b: {  	v8 =	vld [tilespmem:s13+$0x50];
	[tilespmem:s14+$0xFFFFFF50] =	vst v4;
	v4 =	vadd.s32 v1, v7  }
0x15c: {  	v7 =	vld [tilespmem:s13+$0xFFFFFFD0];
	[tilespmem:s31+$0xFFFFFFD0] =	vst v4;
	v4 =	vadd.s32 v1, v6  }
0x15d: {  	v6 =	vld [tilespmem:s30+$0x50];
	[tilespmem:s31+$0xFFFFFF50] =	vst v4  }
0x15e: {  	v4 =	vld [tilespmem:s30+$0xFFFFFFD0]  }
0x15f: {  	v3 =	vadd.s32 v1, v3  }
0x160: {  	[tilespmem:s11+$0xFFFFFF60] =	vst v3;
	v3 =	vadd.s32 v1, v8  }
0x161: {  	v8 =	vld [tilespmem:s12+$0xFFFFFFE0];
	[tilespmem:s14+$0xFFFFFFE0] =	vst v3;
	v3 =	vadd.s32 v1, v7  }
0x162: {  	v7 =	vld [tilespmem:s13+$0x60];
	[tilespmem:s14+$0xFFFFFF60] =	vst v3;
	v3 =	vadd.s32 v1, v6  }
0x163: {  	v6 =	vld [tilespmem:s13+$0xFFFFFFE0];
	[tilespmem:s31+$0xFFFFFFE0] =	vst v3;
	v3 =	vadd.s32 v1, v4  }
0x164: {  	v4 =	vld [tilespmem:s30+$0x60];
	[tilespmem:s31+$0xFFFFFF60] =	vst v3  }
0x165: {  	v3 =	vld [tilespmem:s30+$0xFFFFFFE0]  }
0x166: {  	[tilespmem:s11+$0xFFFFFFF0] =	vst v5;
	v5 =	vadd.s32 v1, v8  }
0x167: {  	v8 =	vld [tilespmem:s12+$0x70];
	[tilespmem:s11+$0xFFFFFF70] =	vst v5;
	v5 =	vadd.s32 v1, v7  }
0x168: {  	v7 =	vld [tilespmem:s12+$0xFFFFFFF0];
	[tilespmem:s14+$0xFFFFFFF0] =	vst v5;
	v5 =	vadd.s32 v1, v6  }
0x169: {  	v6 =	vld [tilespmem:s13+$0x70];
	[tilespmem:s14+$0xFFFFFF70] =	vst v5;
	v4 =	vadd.s32 v1, v4  }
0x16a: {  	v5 =	vld [tilespmem:s13+$0xFFFFFFF0];
	[tilespmem:s31+$0xFFFFFFF0] =	vst v4;
	v3 =	vadd.s32 v1, v3  }
0x16b: {  	v2 =	vadd.s32 v1, v2;
	v4 =	vld [tilespmem:s30+$0x70];
	[tilespmem:s31+$0xFFFFFF70] =	vst v3  }
0x16c: {  	[tilespmem:s8+$0xFFFFFF80] =	vst v2;
	v2 =	vadd.s32 v1, v8;
	v3 =	vld [tilespmem:s30+$0xFFFFFFF0]  }
0x16d: {  	[tilespmem:s11+$0x0] =	vst v2;
	v2 =	vadd.s32 v1, v7  }
0x16e: {  	[tilespmem:s11+$0xFFFFFF80] =	vst v2;
	v2 =	vadd.s32 v1, v6  }
0x16f: {  	[tilespmem:s14+$0x0] =	vst v2;
	v2 =	vadd.s32 v1, v5  }
0x170: {  	[tilespmem:s14+$0xFFFFFF80] =	vst v2;
	v2 =	vadd.s32 v1, v4  }
0x171: {  	[tilespmem:s31+$0x0] =	vst v2;
	v2 =	vadd.s32 v1, v3  }
0x172: {  	s13 =	simm.s32 $0x2300;
	[tilespmem:s31+$0xFFFFFF80] =	vst v2  }
0x173: {  	[tilespmem:s25], [sflag:$0x4] =	stream.indirect.gather [hbm4b:s7+s22], $0x8, s13, s22, $0xb8;
	[tilespmem:$0x1B080] =	vst v63  }
0x174: {  	s3 =	simm.s32 $0x5400;
	s14 =	simm.s32 $0x2380  }
0x175: {  	[tilespmem:s3], [sflag:$0x4] =	stream.indirect.gather [hbm4b:s7+s22], $0x8, s14, s22, $0xb8;
	[tilespmem:$0x1B080] =	vst v63  }
0x176: {  	s15 =	simm.s32 $0x2400;
	s16 =	simm.s32 $0x5800  }
0x177: {  	[tilespmem:s16], [sflag:$0x4] =	stream.indirect.gather [hbm4b:s7+s22], $0x8, s15, s22, $0xb8;
	[tilespmem:$0x1B080] =	vst v63  }
0x178: {  	s30 =	simm.s32 $0x2480;
	s31 =	simm.s32 $0x5C00  }
0x179: {  	[tilespmem:s31], [sflag:$0x4] =	stream.indirect.gather [hbm4b:s7+s22], $0x8, s30, s22, $0xb8;
	[tilespmem:$0x1B080] =	vst v63  }
0x17a: {  	s8 =	simm.s32 $0x6000;
	s3 =	simm.s32 $0x2500  }
0x17b: {  	[tilespmem:s8], [sflag:$0x4] =	stream.indirect.gather [hbm4b:s7+s22], $0x8, s3, s22, $0xb8;
	[tilespmem:$0x1B080] =	vst v63  }
0x17c: {  	s12 =	simm.s32 $0x6400;
	s11 =	simm.s32 $0x2580  }
0x17d: {  	[tilespmem:s12], [sflag:$0x4] =	stream.indirect.gather [hbm4b:s7+s22], $0x8, s11, s22, $0xb8;
	[tilespmem:$0x1B080] =	vst v63  }
0x17e: {  	s13 =	simm.s32 $0x2600;
	s14 =	simm.s32 $0x6800  }
0x17f: {  	[tilespmem:s14], [sflag:$0x4] =	stream.indirect.gather [hbm4b:s7+s22], $0x8, s13, s22, $0xb8;
	[tilespmem:$0x1B080] =	vst v63  }
0x180: {  	s15 =	simm.s32 $0x2680;
	s16 =	simm.s32 $0x6C00  }
0x181: {  	[tilespmem:s16], [sflag:$0x4] =	stream.indirect.gather [hbm4b:s7+s22], $0x8, s15, s22, $0xb8;
	[tilespmem:$0x1B080] =	vst v63  }
0x182: {  	s30 =	simm.s32 $0x2700  }
0x183: {  	[tilespmem:s17], [sflag:$0x4] =	stream.indirect.gather [hbm4b:s7+s22], $0x8, s30, s22, $0xb8;
	[tilespmem:$0x1B080] =	vst v63  }
0x184: {  	_ = 	snop  }
0x185: {  	[tilespmem:s9], [sflag:$0x4] =	stream.indirect.gather [hbm4b:s7+s22], $0x8, s18, s22, $0xb8;
	[tilespmem:$0x1B080] =	vst v63  }
0x186: {  	_ =	swait.ge [sflag:s20], $0x400  }
0x187: {  	[sflag:s20] =	ssyncset.done $0x0  }
0x188: {  	[sflag:s20] =	ssyncadd.s32 $0xFFFFFC00  }
0x189: {  	_ =	swait.ge [sflag:s20], $0x400  }
0x18a: {  	[sflag:s20] =	ssyncset.done $0x0  }
0x18b: {  	[sflag:s20] =	ssyncadd.s32 $0xFFFFFC00  }
0x18c: {  	_ =	swait.ge [sflag:s20], $0x400  }
0x18d: {  	[sflag:s20] =	ssyncset.done $0x0  }
0x18e: {  	[sflag:s20] =	ssyncadd.s32 $0xFFFFFC00  }
0x18f: {  	_ =	swait.ge [sflag:s20], $0x400  }
0x190: {  	[sflag:s20] =	ssyncset.done $0x0  }
0x191: {  	[sflag:s20] =	ssyncadd.s32 $0xFFFFFC00  }
0x192: {  	_ =	swait.ge [sflag:s20], $0x400  }
0x193: {  	[sflag:s20] =	ssyncset.done $0x0  }
0x194: {  	[sflag:s20] =	ssyncadd.s32 $0xFFFFFC00  }
0x195: {  	_ =	swait.ge [sflag:s20], $0x400  }
0x196: {  	[sflag:s20] =	ssyncset.done $0x0  }
0x197: {  	[sflag:s20] =	ssyncadd.s32 $0xFFFFFC00  }
0x198: {  	_ =	swait.ge [sflag:s20], $0x400  }
0x199: {  	[sflag:s20] =	ssyncset.done $0x0  }
0x19a: {  	[sflag:s20] =	ssyncadd.s32 $0xFFFFFC00  }
0x19b: {  	_ =	swait.ge [sflag:s20], $0x400  }
0x19c: {  	[sflag:s20] =	ssyncset.done $0x0  }
0x19d: {  	[sflag:s20] =	ssyncadd.s32 $0xFFFFFC00  }
0x19e: {  	_ =	swait.ge [sflag:s20], $0x400  }
0x19f: {  	s31 =	simm.s32 $0x0;
	[sflag:s20] =	ssyncset.done $0x0  }
0x1a0: {  	v2 =	vmov s31;
	[sflag:s20] =	ssyncadd.s32 $0xFFFFFC00  }
0x1a1: {  	v2 =	vshll.u32 v2, $0x3;
	_ =	swait.ge [sflag:s20], $0x400  }
0x1a2: {  	v6 =	vor.u32 v0, v2;
	[sflag:s20] =	ssyncset.done $0x0  }
0x1a3: {  	s3 =	simm.s32 $0xA10;
	[sflag:s20] =	ssyncadd.s32 $0xFFFFFC00  }
0x1a4: {  	v2 =	vld [tilespmem:s3+$0xFFFFFFF0]  }
0x1a5: {  	s11 =	simm.s32 $0x1410  }
0x1a6: {  	v8 =	vld [tilespmem:s11+$0xFFFFFFF0]  }
0x1a7: {  	v3 =	vld.idx.msk [tilespmem:v6+s23+$0x0], $0xffff;
	_ =	sdelay $0x1  }
0x1a8: {  	v9 =	vshll.u32 v2, $0x3  }
0x1a9: {  	v2 =	vor.u32 $0x1, v6  }
0x1aa: {  	s12 =	simm.s32 $0x10  }
0x1ab: {  	v4 =	vmov s12;
	v3 =	vmul.f32 v3, v8  }
0x1ac: {  	v4 =	vshll.u32 v4, $0x3  }
0x1ad: {  	v10 =	vor.u32 v0, v4;
	[tilespmem:v9+s29+$0x0] =	vst.idx.add.f32.msk $0xffff, v3  }
0x1ae: {  	v3 =	vld.idx.msk [tilespmem:v2+s23+$0x0], $0xffff;
	_ =	sdelay $0x1  }
0x1af: {  	v4 =	vld [tilespmem:s3+$0x0];
	v5 =	vor.u32 $0x1, v9  }
0x1b0: {  	v7 =	vor.u32 $0x2, v6  }
0x1b1: {  	v11 =	vld.idx.msk [tilespmem:v10+s23+$0x0], $0xffff  }
0x1b2: {  	v2 =	vld [tilespmem:s11+$0x0];
	v3 =	vmul.f32 v3, v8;
	_ =	sdelay $0x1  }
0x1b3: {  	v12 =	vshll.u32 v4, $0x3;
	[tilespmem:v5+s29+$0x0] =	vst.idx.add.f32.msk $0xffff, v3  }
0x1b4: {  	v3 =	vor.u32 $0x1, v10;
	v4 =	vld.idx.msk [tilespmem:v7+s23+$0x0], $0xffff;
	_ =	sdelay $0x1  }
0x1b5: {  	v5 =	vmul.f32 v11, v2;
	v7 =	vor.u32 $0x2, v9  }
0x1b6: {  	v11 =	vor.u32 $0x3, v6  }
0x1b7: {  	[tilespmem:v12+s29+$0x0] =	vst.idx.add.f32.msk $0xffff, v5  }
0x1b8: {  	v3 =	vld.idx.msk [tilespmem:v3+s23+$0x0], $0xffff;
	v4 =	vmul.f32 v4, v8  }
0x1b9: {  	s13 =	simm.s32 $0x20  }
0x1ba: {  	v5 =	vor.u32 $0x1, v12;
	[tilespmem:v7+s29+$0x0] =	vst.idx.add.f32.msk $0xffff, v4;
	v4 =	vmov s13  }
0x1bb: {  	v7 =	vld.idx.msk [tilespmem:v11+s23+$0x0], $0xffff;
	v4 =	vshll.u32 v4, $0x3  }
0x1bc: {  	s14 =	simm.s32 $0xA30;
	v28 =	vor.u32 v0, v4  }
0x1bd: {  	v13 =	vld [tilespmem:s14+$0xFFFFFFF0];
	s11 =	simm.s32 $0xA50;
	v3 =	vmul.f32 v3, v2;
	v4 =	vor.u32 $0x3, v9  }
0x1be: {  	s15 =	simm.s32 $0x30;
	v22 =	vld [tilespmem:s11+$0x0];
	v11 =	vor.u32 $0x4, v6  }
0x1bf: {  	s16 =	simm.s32 $0x1430;
	[tilespmem:v5+s29+$0x0] =	vst.idx.add.f32.msk $0xffff, v3;
	v3 =	vmov s15  }
0x1c0: {  	v14 =	vor.u32 $0x2, v10;
	v5 =	vshll.u32 v3, $0x3;
	v3 =	vld [tilespmem:s16+$0xFFFFFFF0];
	v7 =	vmul.f32 v7, v8  }
0x1c1: {  	v15 =	vld.idx.msk [tilespmem:v28+s23+$0x0], $0xffff  }
0x1c2: {  	v16 =	vor.u32 v0, v5;
	[tilespmem:v4+s29+$0x0] =	vst.idx.add.f32.msk $0xffff, v7  }
0x1c3: {  	v5 =	vshll.u32 v13, $0x3;
	v7 =	vld.idx.msk [tilespmem:v11+s23+$0x0], $0xffff  }
0x1c4: {  	v13 =	vld [tilespmem:s14+$0x0];
	v11 =	vor.u32 $0x1, v28  }
0x1c5: {  	v17 =	vor.u32 $0x4, v9;
	v14 =	vld.idx.msk [tilespmem:v14+s23+$0x0], $0xffff  }
0x1c6: {  	v19 =	vor.u32 $0x5, v6;
	v4 =	vld [tilespmem:s16+$0x0];
	v15 =	vmul.f32 v15, v3  }
0x1c7: {  	v20 =	vor.u32 $0x2, v12;
	v18 =	vld.idx.msk [tilespmem:v16+s23+$0x0], $0xffff  }
0x1c8: {  	v21 =	vor.u32 $0x3, v10;
	[tilespmem:v5+s29+$0x0] =	vst.idx.add.f32.msk $0xffff, v15;
	v7 =	vmul.f32 v7, v8  }
0x1c9: {  	v23 =	vshll.u32 v13, $0x3;
	v11 =	vld.idx.msk [tilespmem:v11+s23+$0x0], $0xffff  }
0x1ca: {  	v14 =	vmul.f32 v14, v2;
	v13 =	vor.u32 $0x1, v16;
	[tilespmem:v17+s29+$0x0] =	vst.idx.add.f32.msk $0xffff, v7  }
0x1cb: {  	v15 =	vor.u32 $0x1, v5;
	v7 =	vld.idx.msk [tilespmem:v19+s23+$0x0], $0xffff  }
0x1cc: {  	[tilespmem:v20+s29+$0x0] =	vst.idx.add.f32.msk $0xffff, v14;
	v14 =	vmul.f32 v18, v4;
	v17 =	vor.u32 $0x2, v28  }
0x1cd: {  	v18 =	vld.idx.msk [tilespmem:v21+s23+$0x0], $0xffff;
	v19 =	vor.u32 $0x5, v9  }
0x1ce: {  	[tilespmem:v23+s29+$0x0] =	vst.idx.add.f32.msk $0xffff, v14;
	v14 =	vor.u32 $0x6, v6;
	v11 =	vmul.f32 v11, v3  }
0x1cf: {  	v20 =	vor.u32 $0x3, v12;
	v13 =	vld.idx.msk [tilespmem:v13+s23+$0x0], $0xffff  }
0x1d0: {  	v21 =	vor.u32 $0x4, v10;
	[tilespmem:v15+s29+$0x0] =	vst.idx.add.f32.msk $0xffff, v11;
	v7 =	vmul.f32 v7, v8  }
0x1d1: {  	v11 =	vor.u32 $0x1, v23;
	v15 =	vld.idx.msk [tilespmem:v17+s23+$0x0], $0xffff  }
0x1d2: {  	v18 =	vmul.f32 v18, v2;
	v17 =	vor.u32 $0x2, v16;
	[tilespmem:v19+s29+$0x0] =	vst.idx.add.f32.msk $0xffff, v7  }
0x1d3: {  	v7 =	vld.idx.msk [tilespmem:v14+s23+$0x0], $0xffff;
	v14 =	vor.u32 $0x2, v5  }
0x1d4: {  	[tilespmem:v20+s29+$0x0] =	vst.idx.add.f32.msk $0xffff, v18;
	v18 =	vor.u32 $0x3, v28;
	v13 =	vmul.f32 v13, v4  }
0x1d5: {  	v20 =	vor.u32 $0x6, v9;
	v19 =	vld.idx.msk [tilespmem:v21+s23+$0x0], $0xffff  }
0x1d6: {  	v6 =	vor.u32 $0x7, v6;
	[tilespmem:v11+s29+$0x0] =	vst.idx.add.f32.msk $0xffff, v13;
	v15 =	vmul.f32 v15, v3  }
0x1d7: {  	v11 =	vor.u32 $0x4, v12;
	v13 =	vld.idx.msk [tilespmem:v17+s23+$0x0], $0xffff  }
0x1d8: {  	s30 =	simm.s32 $0x40;
	v17 =	vor.u32 $0x5, v10;
	[tilespmem:v14+s29+$0x0] =	vst.idx.add.f32.msk $0xffff, v15;
	v7 =	vmul.f32 v7, v8  }
0x1d9: {  	v15 =	vmov s30;
	v14 =	vld.idx.msk [tilespmem:v18+s23+$0x0], $0xffff  }
0x1da: {  	v18 =	vmul.f32 v19, v2;
	[tilespmem:v20+s29+$0x0] =	vst.idx.add.f32.msk $0xffff, v7;
	v7 =	vshll.u32 v15, $0x3  }
0x1db: {  	s31 =	simm.s32 $0x50;
	v15 =	vld.idx.msk [tilespmem:v6+s23+$0x0], $0xffff;
	v7 =	vor.u32 v0, v7  }
0x1dc: {  	[tilespmem:v11+s29+$0x0] =	vst.idx.add.f32.msk $0xffff, v18;
	v11 =	vor.u32 $0x3, v5;
	v6 =	vmov s31  }
0x1dd: {  	v19 =	vor.u32 $0x4, v28;
	v17 =	vld.idx.msk [tilespmem:v17+s23+$0x0], $0xffff;
	v18 =	vshll.u32 v6, $0x3  }
0x1de: {  	s8 =	simm.s32 $0x1450;
	v9 =	vor.u32 $0x7, v9;
	v21 =	vor.u32 v0, v18;
	v18 =	vld [tilespmem:s11+$0xFFFFFFF0]  }
0x1df: {  	v6 =	vld [tilespmem:s8+$0xFFFFFFF0];
	v14 =	vmul.f32 v14, v3  }
0x1e0: {  	v20 =	vld.idx.msk [tilespmem:v7+s23+$0x0], $0xffff  }
0x1e1: {  	v8 =	vmul.f32 v15, v8;
	[tilespmem:v11+s29+$0x0] =	vst.idx.add.f32.msk $0xffff, v14;
	v11 =	vor.u32 $0x2, v23  }
0x1e2: {  	v14 =	vor.u32 $0x3, v16;
	v15 =	vld.idx.msk [tilespmem:v19+s23+$0x0], $0xffff  }
0x1e3: {  	[tilespmem:v9+s29+$0x0] =	vst.idx.add.f32.msk $0xffff, v8;
	v9 =	vshll.u32 v18, $0x3  }
0x1e4: {  	v13 =	vmul.f32 v13, v4;
	v19 =	vor.u32 $0x1, v7;
	v18 =	vld.idx.msk [tilespmem:v21+s23+$0x0], $0xffff  }
0x1e5: {  	v24 =	vor.u32 $0x4, v5;
	v8 =	vld [tilespmem:s8+$0x0]  }
0x1e6: {  	v25 =	vor.u32 $0x5, v28;
	v20 =	vmul.f32 v20, v6;
	[tilespmem:v11+s29+$0x0] =	vst.idx.add.f32.msk $0xffff, v13  }
0x1e7: {  	v11 =	vor.u32 $0x5, v12;
	v26 =	vld.idx.msk [tilespmem:v14+s23+$0x0], $0xffff  }
0x1e8: {  	v30 =	vshll.u32 v22, $0x3;
	v14 =	vmul.f32 v15, v3;
	[tilespmem:v9+s29+$0x0] =	vst.idx.add.f32.msk $0xffff, v20  }
0x1e9: {  	v13 =	vor.u32 $0x6, v10;
	v15 =	vld.idx.msk [tilespmem:v19+s23+$0x0], $0xffff  }
0x1ea: {  	v17 =	vmul.f32 v17, v2;
	v19 =	vor.u32 $0x1, v21;
	[tilespmem:v24+s29+$0x0] =	vst.idx.add.f32.msk $0xffff, v14  }
0x1eb: {  	v20 =	vor.u32 $0x1, v9;
	v18 =	vmul.f32 v18, v8;
	v14 =	vld.idx.msk [tilespmem:v25+s23+$0x0], $0xffff  }
0x1ec: {  	[tilespmem:v11+s29+$0x0] =	vst.idx.add.f32.msk $0xffff, v17;
	v17 =	vor.u32 $0x2, v7  }
0x1ed: {  	v31 =	vor.u32 $0x6, v12;
	v25 =	vor.u32 $0x5, v5;
	[tilespmem:v30+s29+$0x0] =	vst.idx.add.f32.msk $0xffff, v18  }
0x1ee: {  	v35 =	vor.u32 $0x1, v30;
	v27 =	vor.u32 $0x6, v28;
	v24 =	vld.idx.msk [tilespmem:v13+s23+$0x0], $0xffff;
	v13 =	vmul.f32 v15, v6  }
0x1ef: {  	v29 =	vor.u32 $0x4, v16;
	v32 =	vor.u32 $0x3, v23;
	v22 =	vor.u32 $0x4, v23;
	v33 =	vld.idx.msk [tilespmem:v19+s23+$0x0], $0xffff  }
0x1f0: {  	v11 =	vor.u32 $0x7, v10;
	v10 =	vor.u32 $0x7, v12;
	v12 =	vmul.f32 v14, v3;
	[tilespmem:v20+s29+$0x0] =	vst.idx.add.f32.msk $0xffff, v13  }
0x1f1: {  	v19 =	vor.u32 $0x5, v16;
	v15 =	vor.u32 $0x6, v16;
	v13 =	vor.u32 $0x7, v16;
	v16 =	vld.idx.msk [tilespmem:v17+s23+$0x0], $0xffff  }
0x1f2: {  	v37 =	vor.u32 $0x2, v21;
	v18 =	vor.u32 $0x5, v23;
	v17 =	vmul.f32 v26, v4;
	[tilespmem:v25+s29+$0x0] =	vst.idx.add.f32.msk $0xffff, v12  }
0x1f3: {  	v14 =	vor.u32 $0x6, v23;
	v12 =	vor.u32 $0x7, v23;
	v23 =	vmul.f32 v24, v2;
	v38 =	vld.idx.msk [tilespmem:v27+s23+$0x0], $0xffff  }
0x1f4: {  	v36 =	vor.u32 $0x3, v7;
	v39 =	vor.u32 $0x2, v9;
	v20 =	vor.u32 $0x6, v21;
	[tilespmem:v32+s29+$0x0] =	vst.idx.add.f32.msk $0xffff, v17  }
0x1f5: {  	v26 =	vor.u32 $0x3, v21;
	v25 =	vor.u32 $0x4, v21;
	v63 =	vmul.f32 v33, v8;
	[tilespmem:v31+s29+$0x0] =	vst.idx.add.f32.msk $0xffff, v23  }
0x1f6: {  	v24 =	vor.u32 $0x5, v21;
	v27 =	vor.u32 $0x3, v30;
	v33 =	vor.u32 $0x6, v5;
	v34 =	vld.idx.msk [tilespmem:v29+s23+$0x0], $0xffff  }
0x1f7: {  	v17 =	vor.u32 $0x7, v21;
	v32 =	vor.u32 $0x7, v28;
	[tilespmem:v35+s29+$0x0] =	vst.idx.add.f32.msk $0xffff, v63;
	v40 =	vmul.f32 v16, v6  }
0x1f8: {  	v31 =	vor.u32 $0x4, v30;
	v23 =	vor.u32 $0x5, v30;
	v21 =	vor.u32 $0x6, v30;
	v35 =	vld.idx.msk [tilespmem:v37+s23+$0x0], $0xffff  }
0x1f9: {  	s12 =	simm.s32 $0x4;
	s13 =	simm.s32 $0x70;
	v29 =	vor.u32 $0x2, v30;
	v16 =	vor.u32 $0x7, v30;
	v28 =	vmul.f32 v38, v3;
	[tilespmem:v39+s29+$0x0] =	vst.idx.add.f32.msk $0xffff, v40  }
.LBB2_10:
0x1fa: {  	s0 =	sadd.s32 $0xFFFFFFF0, s13;
	v30 =	vmov s13;
	v36 =	vld.idx.msk [tilespmem:v36+s23+$0x0], $0xffff  }
0x1fb: {  	v37 =	vmov s0;
	v30 =	vshll.u32 v30, $0x3;
	[tilespmem:v33+s29+$0x0] =	vst.idx.add.f32.msk $0xffff, v28;
	v33 =	vmul.f32 v34, v4  }
0x1fc: {  	v28 =	vshll.u32 v37, $0x3;
	v34 =	vor.u32 v0, v30;
	v32 =	vld.idx.msk [tilespmem:v32+s23+$0x0], $0xffff  }
0x1fd: {  	s12 =	sadd.s32 $0x2, s12;
	v28 =	vor.u32 v0, v28;
	v37 =	vor.u32 $0x1, v34;
	v30 =	vor.u32 $0x2, v34;
	[tilespmem:v22+s29+$0x0] =	vst.idx.add.f32.msk $0xffff, v33;
	v22 =	vmovc v31  }
0x1fe: {  	p0 =	slt.u32 s12, $0x4E;
	v31 =	vor.u32 $0x3, v34;
	v33 =	vor.u32 $0x3, v9;
	v35 =	vmul.f32 v35, v8;
	v38 =	vld.idx.msk [tilespmem:v19+s23+$0x0], $0xffff;
	v19 =	vmovc v24  }
0x1ff: {  	s8 =	sadd.s32 $0x20, s8;
	v40 =	vor.u32 $0x7, v5;
	v39 =	vor.u32 $0x4, v34;
	v24 =	vor.u32 $0x5, v34;
	v41 =	vld.idx.msk [tilespmem:v11+s23+$0x0], $0xffff;
	v11 =	vmovc v13;
	v13 =	vmovc v17  }
0x200: {  	v44 =	vor.u32 $0x4, v7;
	s11 =	sadd.s32 $0x20, s11;
	v5 =	vmovc v9;
	v43 =	vor.u32 $0x6, v34;
	v17 =	vor.u32 $0x7, v34;
	v42 =	vld [tilespmem:s8+$0xFFFFFFF0]  }
0x201: {  	v36 =	vmul.f32 v36, v6;
	v9 =	vld [tilespmem:s11+$0xFFFFFFF0]  }
0x202: {  	v32 =	vmul.f32 v32, v3;
	v3 =	vmov v6;
	v45 =	vld.idx.msk [tilespmem:v28+s23+$0x0], $0xffff  }
0x203: {  	[tilespmem:v33+s29+$0x0] =	vst.idx.add.f32.msk $0xffff, v36  }
0x204: {  	[tilespmem:v40+s29+$0x0] =	vst.idx.add.f32.msk $0xffff, v32;
	v32 =	vmul.f32 v38, v4  }
0x205: {  	v36 =	vmul.f32 v41, v2;
	v2 =	vmovc v4;
	v4 =	vmov v8;
	v33 =	vld.idx.msk [tilespmem:v44+s23+$0x0], $0xffff;
	v6 =	vmov v42  }
0x206: {  	v9 =	vshll.u32 v9, $0x3;
	v34 =	vld.idx.msk [tilespmem:v34+s23+$0x0], $0xffff  }
0x207: {  	v38 =	vor.u32 $0x1, v28;
	v8 =	vld [tilespmem:s8+$0x0]  }
0x208: {  	v41 =	vor.u32 $0x4, v5;
	v40 =	vld [tilespmem:s11+$0x0]  }
0x209: {  	v44 =	vor.u32 $0x5, v7;
	v42 =	vmul.f32 v45, v6;
	[tilespmem:v29+s29+$0x0] =	vst.idx.add.f32.msk $0xffff, v35  }
0x20a: {  	v35 =	vld.idx.msk [tilespmem:v26+s23+$0x0], $0xffff;
	v26 =	vmov v31  }
0x20b: {  	v29 =	vmul.f32 v33, v3;
	[tilespmem:v9+s29+$0x0] =	vst.idx.add.f32.msk $0xffff, v42  }
0x20c: {  	v33 =	vld.idx.msk [tilespmem:v38+s23+$0x0], $0xffff;
	v34 =	vmul.f32 v34, v8  }
0x20d: {  	v38 =	vshll.u32 v40, $0x3;
	[tilespmem:v41+s29+$0x0] =	vst.idx.add.f32.msk $0xffff, v29  }
0x20e: {  	v40 =	vor.u32 $0x1, v38;
	v29 =	vor.u32 $0x2, v38;
	v41 =	vor.u32 $0x3, v38;
	v42 =	vld.idx.msk [tilespmem:v44+s23+$0x0], $0xffff  }
0x20f: {  	v44 =	vor.u32 $0x1, v9;
	v31 =	vor.u32 $0x4, v38;
	[tilespmem:v18+s29+$0x0] =	vst.idx.add.f32.msk $0xffff, v32;
	v18 =	vmovc v23;
	v23 =	vor.u32 $0x5, v38  }
0x210: {  	v45 =	vor.u32 $0x6, v38;
	v32 =	vor.u32 $0x2, v28;
	v35 =	vmul.f32 v35, v4;
	v46 =	vld.idx.msk [tilespmem:v15+s23+$0x0], $0xffff;
	v15 =	vmovc v20;
	v20 =	vmovc v43  }
0x211: {  	v43 =	vor.u32 $0x5, v5;
	[tilespmem:v10+s29+$0x0] =	vst.idx.add.f32.msk $0xffff, v36;
	v10 =	vmovc v12;
	v12 =	vmov v16;
	v16 =	vor.u32 $0x7, v38  }
0x212: {  	v33 =	vmul.f32 v33, v6;
	[tilespmem:v38+s29+$0x0] =	vst.idx.add.f32.msk $0xffff, v34;
	v34 =	vor.u32 $0x6, v7  }
0x213: {  	v37 =	vld.idx.msk [tilespmem:v37+s23+$0x0], $0xffff  }
0x214: {  	[tilespmem:v44+s29+$0x0] =	vst.idx.add.f32.msk $0xffff, v33;
	v33 =	vmul.f32 v42, v3  }
0x215: {  	v32 =	vld.idx.msk [tilespmem:v32+s23+$0x0], $0xffff  }
0x216: {  	v38 =	vmul.f32 v46, v2;
	[tilespmem:v43+s29+$0x0] =	vst.idx.add.f32.msk $0xffff, v33  }
0x217: {  	v42 =	vld.idx.msk [tilespmem:v34+s23+$0x0], $0xffff  }
0x218: {  	v43 =	vor.u32 $0x2, v9;
	[tilespmem:v27+s29+$0x0] =	vst.idx.add.f32.msk $0xffff, v35;
	v27 =	vmov v41  }
.Ltmp7:
0x219: {  	v36 =	vor.u32 $0x3, v28;
	v35 =	vmul.f32 v37, v8;
	v34 =	vld.idx.msk [tilespmem:v25+s23+$0x0], $0xffff;
	v25 =	vmov v39;
	(pc) =	sbr.rel @p0 .LBB2_10-.Ltmp7, $4  }
0x21a: {  	v33 =	vor.u32 $0x6, v5;
	[tilespmem:v14+s29+$0x0] =	vst.idx.add.f32.msk $0xffff, v38;
	v14 =	vmov v21;
	v21 =	vmov v45  }
0x21b: {  	v37 =	vmul.f32 v32, v6;
	v32 =	vor.u32 $0x7, v7;
	v7 =	vmov v28;
	[tilespmem:v40+s29+$0x0] =	vst.idx.add.f32.msk $0xffff, v35  }
0x21c: {  	v35 =	vld.idx.msk [tilespmem:v30+s23+$0x0], $0xffff  }
0x21d: {  	s13 =	sadd.s32 $0x20, s13;
	v28 =	vmul.f32 v42, v3;
	[tilespmem:v43+s29+$0x0] =	vst.idx.add.f32.msk $0xffff, v37  }
0x21e: {  	_ =	sdelay $0x2  }
0x21f: {  	v35 =	vmul.f32 v35, v8  }
0x220: {  	v30 =	vld.idx.msk [tilespmem:v36+s23+$0x0], $0xffff  }
0x221: {  	[tilespmem:v29+s29+$0x0] =	vst.idx.add.f32.msk $0xffff, v35  }
0x222: {  	v49 =	vor.u32 $0x3, v9;
	v26 =	vld.idx.msk [tilespmem:v26+s23+$0x0], $0xffff  }
0x223: {  	v50 =	vor.u32 $0x4, v7;
	_ =	sdelay $0x1  }
0x224: {  	v30 =	vmul.f32 v30, v6;
	_ =	sdelay $0x1  }
0x225: {  	[tilespmem:v49+s29+$0x0] =	vst.idx.add.f32.msk $0xffff, v30;
	v26 =	vmul.f32 v26, v8  }
0x226: {  	v29 =	vld.idx.msk [tilespmem:v50+s23+$0x0], $0xffff  }
0x227: {  	[tilespmem:v27+s29+$0x0] =	vst.idx.add.f32.msk $0xffff, v26  }
0x228: {  	v51 =	vor.u32 $0x4, v9;
	v25 =	vld.idx.msk [tilespmem:v25+s23+$0x0], $0xffff  }
0x229: {  	v52 =	vmul.f32 v34, v4;
	v53 =	vor.u32 $0x5, v7;
	_ =	sdelay $0x1  }
0x22a: {  	[tilespmem:v22+s29+$0x0] =	vst.idx.add.f32.msk $0xffff, v52;
	v54 =	vmul.f32 v29, v6  }
0x22b: {  	v19 =	vld.idx.msk [tilespmem:v19+s23+$0x0], $0xffff  }
0x22c: {  	[tilespmem:v51+s29+$0x0] =	vst.idx.add.f32.msk $0xffff, v54;
	v25 =	vmul.f32 v25, v8  }
0x22d: {  	v22 =	vld.idx.msk [tilespmem:v53+s23+$0x0], $0xffff  }
0x22e: {  	[tilespmem:v31+s29+$0x0] =	vst.idx.add.f32.msk $0xffff, v25  }
0x22f: {  	v55 =	vor.u32 $0x5, v9;
	v24 =	vld.idx.msk [tilespmem:v24+s23+$0x0], $0xffff  }
0x230: {  	v56 =	vor.u32 $0x6, v7;
	v19 =	vmul.f32 v19, v4  }
0x231: {  	v11 =	vld.idx.msk [tilespmem:v11+s23+$0x0], $0xffff  }
0x232: {  	[tilespmem:v18+s29+$0x0] =	vst.idx.add.f32.msk $0xffff, v19;
	v57 =	vmul.f32 v22, v6  }
0x233: {  	v15 =	vld.idx.msk [tilespmem:v15+s23+$0x0], $0xffff  }
0x234: {  	[tilespmem:v55+s29+$0x0] =	vst.idx.add.f32.msk $0xffff, v57;
	v58 =	vmul.f32 v24, v8  }
0x235: {  	v18 =	vld.idx.msk [tilespmem:v56+s23+$0x0], $0xffff  }
0x236: {  	[tilespmem:v23+s29+$0x0] =	vst.idx.add.f32.msk $0xffff, v58  }
0x237: {  	v59 =	vor.u32 $0x6, v9;
	v19 =	vld.idx.msk [tilespmem:v20+s23+$0x0], $0xffff  }
0x238: {  	v60 =	vor.u32 $0x7, v7;
	[tilespmem:v33+s29+$0x0] =	vst.idx.add.f32.msk $0xffff, v28;
	v15 =	vmul.f32 v15, v4  }
0x239: {  	v61 =	vld.idx.msk [tilespmem:v32+s23+$0x0], $0xffff  }
0x23a: {  	[tilespmem:v14+s29+$0x0] =	vst.idx.add.f32.msk $0xffff, v15;
	v18 =	vmul.f32 v18, v6  }
0x23b: {  	v13 =	vld.idx.msk [tilespmem:v13+s23+$0x0], $0xffff  }
0x23c: {  	[tilespmem:v59+s29+$0x0] =	vst.idx.add.f32.msk $0xffff, v18;
	v62 =	vmul.f32 v19, v8  }
0x23d: {  	v5 =	vor.u32 $0x7, v5;
	v7 =	vld.idx.msk [tilespmem:v60+s23+$0x0], $0xffff  }
0x23e: {  	[tilespmem:v21+s29+$0x0] =	vst.idx.add.f32.msk $0xffff, v62  }
0x23f: {  	v63 =	vor.u32 $0x7, v9;
	v14 =	vld.idx.msk [tilespmem:v17+s23+$0x0], $0xffff  }
0x240: {  	v3 =	vmul.f32 v61, v3  }
0x241: {  	p0 =	seq.s32 s10, $0x7C;
	v2 =	vmul.f32 v11, v2  }
.Ltmp8:
0x242: {  	[tilespmem:v5+s29+$0x0] =	vst.idx.add.f32.msk $0xffff, v3;
	v3 =	vmul.f32 v7, v6;
	(pc) =	sbr.rel @p0 .LBB2_15-.Ltmp8, $4  }
0x243: {  	[tilespmem:v10+s29+$0x0] =	vst.idx.add.f32.msk $0xffff, v2;
	v2 =	vmul.f32 v13, v4  }
0x244: {  	[tilespmem:v63+s29+$0x0] =	vst.idx.add.f32.msk $0xffff, v3;
	v3 =	vmul.f32 v14, v8  }
0x245: {  	[tilespmem:v12+s29+$0x0] =	vst.idx.add.f32.msk $0xffff, v2  }
0x246: {  	[tilespmem:v16+s29+$0x0] =	vst.idx.add.f32.msk $0xffff, v3  }
0x247: {  	s0 =	smul.u32 $0xA00, s10;
	_ =	sdelay $0x1  }
0x248: {  	s0 =	sshrl.u32 s0, $0x3  }
0x249: {  	s0 =	sadd.s32 $0x140, s0  }
0x24a: {  	s3 =	sadd.s32 s4, s0  }
0x24b: {  	[tilespmem:s2], [sflag:$0x1] =	stream.linear.gather [hbm4b:s3+s2], $0x500, $0x38;
	[tilespmem:$0x1B080] =	vst v63  }
0x24c: {  	s8 =	simm.s32 $0xA00;
	s15 =	sadd.s32 s5, s0  }
0x24d: {  	[tilespmem:s8], [sflag:$0x1] =	stream.linear.gather [hbm4b:s15+s2], $0x500, $0x38;
	[tilespmem:$0x1B080] =	vst v63  }
0x24e: {  	s16 =	simm.s32 $0x1400;
	s0 =	sadd.s32 s1, s0  }
0x24f: {  	[tilespmem:s16], [sflag:$0x1] =	stream.linear.gather [hbm4b:s0+s2], $0x500, $0x38;
	[tilespmem:$0x1B080] =	vst v63  }
0x250: {  	_ =	swait.ge [sflag:s24], $0x500  }
0x251: {  	[sflag:s24] =	ssyncset.done $0x0  }
0x252: {  	[sflag:s24] =	ssyncadd.s32 $0xFFFFFB00  }
0x253: {  	_ =	swait.ge [sflag:s24], $0x500  }
0x254: {  	[sflag:s24] =	ssyncset.done $0x0  }
0x255: {  	[sflag:s24] =	ssyncadd.s32 $0xFFFFFB00  }
0x256: {  	_ =	swait.ge [sflag:s24], $0x500  }
0x257: {  	[sflag:s24] =	ssyncset.done $0x0  }
0x258: {  	s31 =	simm.s32 $0x80;
	[sflag:s24] =	ssyncadd.s32 $0xFFFFFB00  }
0x259: {  	v2 =	vld [tilespmem:s31+$0x0];
	_ =	sdelay $0x4  }
0x25a: {  	s8 =	simm.s32 $0x1E80;
	v2 =	vadd.s32 v1, v2  }
0x25b: {  	[tilespmem:s8+$0x0] =	vst v2  }
0x25c: {  	v2 =	vld [tilespmem:s31+$0x10];
	_ =	sdelay $0x3  }
0x25d: {  	v3 =	vld [tilespmem:s31+$0xFFFFFF80]  }
0x25e: {  	v2 =	vadd.s32 v1, v2  }
0x25f: {  	[tilespmem:s8+$0x10] =	vst v2  }
0x260: {  	s12 =	simm.s32 $0x180;
	v2 =	vld [tilespmem:s31+$0x20]  }
0x261: {  	v4 =	vld [tilespmem:s12+$0x0]  }
0x262: {  	v3 =	vadd.s32 v1, v3  }
0x263: {  	[tilespmem:s8+$0xFFFFFF80] =	vst v3  }
0x264: {  	v3 =	vld [tilespmem:s31+$0xFFFFFF90]  }
0x265: {  	v2 =	vadd.s32 v1, v2  }
0x266: {  	s11 =	simm.s32 $0x1F80;
	[tilespmem:s8+$0x20] =	vst v2;
	v2 =	vadd.s32 v1, v4  }
0x267: {  	v4 =	vld [tilespmem:s31+$0x30];
	[tilespmem:s11+$0x0] =	vst v2  }
0x268: {  	v2 =	vld [tilespmem:s12+$0x10]  }
0x269: {  	v5 =	vld [tilespmem:s12+$0xFFFFFF80];
	v3 =	vadd.s32 v1, v3  }
0x26a: {  	[tilespmem:s8+$0xFFFFFF90] =	vst v3  }
0x26b: {  	v3 =	vld [tilespmem:s31+$0xFFFFFFA0]  }
0x26c: {  	v4 =	vadd.s32 v1, v4  }
0x26d: {  	[tilespmem:s8+$0x30] =	vst v4;
	v2 =	vadd.s32 v1, v2  }
0x26e: {  	v5 =	vadd.s32 v1, v5;
	v4 =	vld [tilespmem:s31+$0x40];
	[tilespmem:s11+$0x10] =	vst v2  }
0x26f: {  	[tilespmem:s11+$0xFFFFFF80] =	vst v5;
	v2 =	vld [tilespmem:s12+$0x20]  }
0x270: {  	s13 =	simm.s32 $0x280;
	v5 =	vld [tilespmem:s12+$0xFFFFFF90];
	v3 =	vadd.s32 v1, v3  }
0x271: {  	[tilespmem:s8+$0xFFFFFFA0] =	vst v3;
	v3 =	vld [tilespmem:s13+$0x0]  }
0x272: {  	v6 =	vld [tilespmem:s31+$0xFFFFFFB0]  }
0x273: {  	v4 =	vadd.s32 v1, v4  }
0x274: {  	v7 =	vld [tilespmem:s13+$0xFFFFFF80];
	[tilespmem:s8+$0x40] =	vst v4;
	v2 =	vadd.s32 v1, v2  }
0x275: {  	v5 =	vadd.s32 v1, v5;
	v4 =	vld [tilespmem:s31+$0x50];
	[tilespmem:s11+$0x20] =	vst v2  }
0x276: {  	s14 =	simm.s32 $0x2080;
	[tilespmem:s11+$0xFFFFFF90] =	vst v5;
	v2 =	vadd.s32 v1, v3;
	v3 =	vld [tilespmem:s12+$0x30]  }
0x277: {  	v5 =	vadd.s32 v1, v6;
	v6 =	vld [tilespmem:s12+$0xFFFFFFA0];
	[tilespmem:s14+$0x0] =	vst v2  }
0x278: {  	[tilespmem:s8+$0xFFFFFFB0] =	vst v5;
	v2 =	vld [tilespmem:s13+$0x10]  }
0x279: {  	v7 =	vadd.s32 v1, v7;
	v5 =	vld [tilespmem:s31+$0xFFFFFFC0]  }
0x27a: {  	[tilespmem:s14+$0xFFFFFF80] =	vst v7;
	v4 =	vadd.s32 v1, v4  }
0x27b: {  	v7 =	vld [tilespmem:s13+$0xFFFFFF90];
	[tilespmem:s8+$0x50] =	vst v4;
	v3 =	vadd.s32 v1, v3  }
0x27c: {  	v6 =	vadd.s32 v1, v6;
	v4 =	vld [tilespmem:s31+$0x60];
	[tilespmem:s11+$0x30] =	vst v3  }
0x27d: {  	[tilespmem:s11+$0xFFFFFFA0] =	vst v6;
	v2 =	vadd.s32 v1, v2;
	v3 =	vld [tilespmem:s12+$0x40]  }
0x27e: {  	v6 =	vld [tilespmem:s12+$0xFFFFFFB0];
	v5 =	vadd.s32 v1, v5;
	[tilespmem:s14+$0x10] =	vst v2  }
0x27f: {  	[tilespmem:s8+$0xFFFFFFC0] =	vst v5;
	v2 =	vld [tilespmem:s13+$0x20]  }
0x280: {  	s30 =	simm.s32 $0x380;
	v7 =	vadd.s32 v1, v7;
	v5 =	vld [tilespmem:s31+$0xFFFFFFD0]  }
0x281: {  	v8 =	vld [tilespmem:s30+$0x0];
	[tilespmem:s14+$0xFFFFFF90] =	vst v7;
	v4 =	vadd.s32 v1, v4  }
0x282: {  	v7 =	vld [tilespmem:s30+$0xFFFFFF80];
	[tilespmem:s8+$0x60] =	vst v4;
	v3 =	vadd.s32 v1, v3  }
0x283: {  	v6 =	vadd.s32 v1, v6;
	v4 =	vld [tilespmem:s31+$0x70];
	[tilespmem:s11+$0x40] =	vst v3  }
0x284: {  	[tilespmem:s11+$0xFFFFFFB0] =	vst v6;
	v2 =	vadd.s32 v1, v2;
	v3 =	vld [tilespmem:s12+$0x50]  }
0x285: {  	v6 =	vld [tilespmem:s13+$0xFFFFFFA0];
	v5 =	vadd.s32 v1, v5;
	[tilespmem:s14+$0x20] =	vst v2  }
0x286: {  	s0 =	simm.s32 $0x2180;
	[tilespmem:s8+$0xFFFFFFD0] =	vst v5;
	v2 =	vadd.s32 v1, v8;
	v5 =	vld [tilespmem:s13+$0x30]  }
0x287: {  	v7 =	vadd.s32 v1, v7;
	[tilespmem:s0+$0x0] =	vst v2;
	v2 =	vld [tilespmem:s12+$0xFFFFFFC0]  }
0x288: {  	[tilespmem:s0+$0xFFFFFF80] =	vst v7;
	v8 =	vld [tilespmem:s30+$0x10];
	v4 =	vadd.s32 v1, v4  }
0x289: {  	v7 =	vld [tilespmem:s31+$0xFFFFFFE0];
	[tilespmem:s8+$0x70] =	vst v4;
	v3 =	vadd.s32 v1, v3  }
0x28a: {  	v9 =	vld [tilespmem:s30+$0xFFFFFF90];
	v4 =	vadd.s32 v1, v6;
	[tilespmem:s11+$0x50] =	vst v3  }
0x28b: {  	[tilespmem:s14+$0xFFFFFFA0] =	vst v4;
	v3 =	vadd.s32 v1, v5;
	v5 =	vld [tilespmem:s12+$0x60]  }
0x28c: {  	v2 =	vadd.s32 v1, v2;
	v6 =	vld [tilespmem:s13+$0xFFFFFFB0];
	[tilespmem:s14+$0x30] =	vst v3  }
0x28d: {  	v3 =	vadd.s32 v1, v8;
	[tilespmem:s11+$0xFFFFFFC0] =	vst v2;
	v4 =	vld [tilespmem:s13+$0x40]  }
0x28e: {  	v2 =	vadd.s32 v1, v7;
	[tilespmem:s0+$0x10] =	vst v3;
	v3 =	vld [tilespmem:s12+$0xFFFFFFD0]  }
0x28f: {  	v8 =	vadd.s32 v1, v9;
	[tilespmem:s8+$0xFFFFFFE0] =	vst v2;
	v7 =	vld [tilespmem:s30+$0x20]  }
0x290: {  	s3 =	simm.s32 $0x6;
	s15 =	simm.s32 $0x480;
	[tilespmem:s0+$0xFFFFFF90] =	vst v8;
	v2 =	vld [tilespmem:s31+$0xFFFFFFF0];
	s31 =	simm.s32 $0x2180;
	v5 =	vadd.s32 v1, v5  }
.LBB2_13:
0x291: {  	v8 =	vld [tilespmem:s15+$0x0];
	s3 =	sadd.s32 $0x2, s3;
	v6 =	vadd.s32 v1, v6;
	[tilespmem:s11+$0x60] =	vst v5;
	s16 =	smov.u32 s30;
	s30 =	smov.u32 s15  }
0x292: {  	p1 =	slt.u32 s3, $0x8;
	[tilespmem:s14+$0xFFFFFFB0] =	vst v6;
	v4 =	vadd.s32 v1, v4;
	v5 =	vld [tilespmem:s12+$0x70]  }
0x293: {  	v6 =	vld [tilespmem:s15+$0xFFFFFF80];
	[tilespmem:s14+$0x40] =	vst v4;
	v3 =	vadd.s32 v1, v3  }
0x294: {  	v4 =	vadd.s32 v1, v7;
	v7 =	vld [tilespmem:s13+$0x50];
	[tilespmem:s11+$0xFFFFFFD0] =	vst v3  }
0x295: {  	v3 =	vld [tilespmem:s16+$0xFFFFFFA0];
	[tilespmem:s0+$0x20] =	vst v4;
	v2 =	vadd.s32 v1, v2  }
0x296: {  	s0 =	sadd.s32 $0x100, s0;
	v4 =	vadd.s32 v1, v8;
	v8 =	vld [tilespmem:s16+$0x30];
	[tilespmem:s8+$0xFFFFFFF0] =	vst v2;
	s8 =	smov.u32 s11;
	s11 =	smov.u32 s14  }
0x297: {  	s14 =	smov.u32 s31;
	s31 =	smov.u32 s0;
	[tilespmem:s0+$0x0] =	vst v4;
	v2 =	vld [tilespmem:s13+$0xFFFFFFC0];
	v4 =	vadd.s32 v1, v5  }
0x298: {  	v5 =	vadd.s32 v1, v6;
	v9 =	vld [tilespmem:s15+$0x10];
	[tilespmem:s8+$0x70] =	vst v4  }
0x299: {  	[tilespmem:s0+$0xFFFFFF80] =	vst v5;
	v4 =	vadd.s32 v1, v7;
	v5 =	vld [tilespmem:s12+$0xFFFFFFE0]  }
0x29a: {  	v7 =	vld [tilespmem:s15+$0xFFFFFF90];
	v3 =	vadd.s32 v1, v3;
	[tilespmem:s11+$0x50] =	vst v4  }
0x29b: {  	[tilespmem:s14+$0xFFFFFFA0] =	vst v3;
	v3 =	vadd.s32 v1, v8;
	v8 =	vld [tilespmem:s13+$0x60]  }
.Ltmp9:
0x29c: {  	v6 =	vld [tilespmem:s16+$0xFFFFFFB0];
	[tilespmem:s14+$0x30] =	vst v3;
	v2 =	vadd.s32 v1, v2;
	(pc) =	sbr.rel @p1 .LBB2_13-.Ltmp9, $4  }
0x29d: {  	v3 =	vadd.s32 v1, v9;
	v4 =	vld [tilespmem:s16+$0x40];
	[tilespmem:s11+$0xFFFFFFC0] =	vst v2  }
0x29e: {  	[tilespmem:s0+$0x10] =	vst v3;
	v3 =	vld [tilespmem:s13+$0xFFFFFFD0];
	v2 =	vadd.s32 v1, v5  }
0x29f: {  	v5 =	vadd.s32 v1, v7;
	v7 =	vld [tilespmem:s15+$0x20];
	[tilespmem:s8+$0xFFFFFFE0] =	vst v2  }
0x2a0: {  	s15 =	sadd.s32 $0x100, s15;
	[tilespmem:s0+$0xFFFFFF90] =	vst v5;
	v5 =	vadd.s32 v1, v8;
	v2 =	vld [tilespmem:s12+$0xFFFFFFF0];
	s12 =	smov.u32 s13;
	s13 =	smov.u32 s16  }
0x2a1: {  	v8 =	vld [tilespmem:s30+$0xFFFFFFA0];
	_ =	sdelay $0x3  }
0x2a2: {  	v7 =	vadd.s32 v1, v7  }
0x2a3: {  	[tilespmem:s0+$0x20] =	vst v7;
	v38 =	vadd.s32 v1, v8  }
0x2a4: {  	v39 =	vld [tilespmem:s30+$0x30];
	[tilespmem:s31+$0xFFFFFFA0] =	vst v38  }
0x2a5: {  	v7 =	vld [tilespmem:s30+$0xFFFFFFB0];
	_ =	sdelay $0x2  }
0x2a6: {  	v6 =	vadd.s32 v1, v6  }
0x2a7: {  	[tilespmem:s14+$0xFFFFFFB0] =	vst v6;
	v40 =	vadd.s32 v1, v39  }
0x2a8: {  	v41 =	vld [tilespmem:s13+$0xFFFFFFC0];
	[tilespmem:s31+$0x30] =	vst v40;
	v42 =	vadd.s32 v1, v7  }
0x2a9: {  	v43 =	vld [tilespmem:s30+$0x40];
	[tilespmem:s31+$0xFFFFFFB0] =	vst v42  }
0x2aa: {  	v6 =	vld [tilespmem:s30+$0xFFFFFFC0];
	_ =	sdelay $0x1  }
0x2ab: {  	v4 =	vadd.s32 v1, v4  }
0x2ac: {  	[tilespmem:s14+$0x40] =	vst v4;
	v44 =	vadd.s32 v1, v41  }
0x2ad: {  	v45 =	vld [tilespmem:s13+$0x50];
	[tilespmem:s14+$0xFFFFFFC0] =	vst v44;
	v46 =	vadd.s32 v1, v43  }
0x2ae: {  	v47 =	vld [tilespmem:s13+$0xFFFFFFD0];
	[tilespmem:s31+$0x40] =	vst v46;
	v48 =	vadd.s32 v1, v6  }
0x2af: {  	v49 =	vld [tilespmem:s30+$0x50];
	[tilespmem:s31+$0xFFFFFFC0] =	vst v48  }
0x2b0: {  	v4 =	vld [tilespmem:s30+$0xFFFFFFD0]  }
0x2b1: {  	v3 =	vadd.s32 v1, v3  }
0x2b2: {  	[tilespmem:s11+$0xFFFFFFD0] =	vst v3;
	v3 =	vadd.s32 v1, v45  }
0x2b3: {  	v50 =	vld [tilespmem:s12+$0xFFFFFFE0];
	[tilespmem:s14+$0x50] =	vst v3;
	v3 =	vadd.s32 v1, v47  }
0x2b4: {  	v51 =	vld [tilespmem:s13+$0x60];
	[tilespmem:s14+$0xFFFFFFD0] =	vst v3;
	v3 =	vadd.s32 v1, v49  }
0x2b5: {  	v52 =	vld [tilespmem:s13+$0xFFFFFFE0];
	[tilespmem:s31+$0x50] =	vst v3;
	v3 =	vadd.s32 v1, v4  }
0x2b6: {  	v53 =	vld [tilespmem:s30+$0x60];
	[tilespmem:s31+$0xFFFFFFD0] =	vst v3  }
0x2b7: {  	v3 =	vld [tilespmem:s30+$0xFFFFFFE0]  }
0x2b8: {  	[tilespmem:s11+$0x60] =	vst v5;
	v54 =	vadd.s32 v1, v50  }
0x2b9: {  	v55 =	vld [tilespmem:s12+$0x70];
	[tilespmem:s11+$0xFFFFFFE0] =	vst v54;
	v56 =	vadd.s32 v1, v51  }
0x2ba: {  	v57 =	vld [tilespmem:s12+$0xFFFFFFF0];
	[tilespmem:s14+$0x60] =	vst v56;
	v58 =	vadd.s32 v1, v52  }
0x2bb: {  	v59 =	vld [tilespmem:s13+$0x70];
	[tilespmem:s14+$0xFFFFFFE0] =	vst v58;
	v4 =	vadd.s32 v1, v53  }
0x2bc: {  	v5 =	vld [tilespmem:s13+$0xFFFFFFF0];
	[tilespmem:s31+$0x60] =	vst v4;
	v3 =	vadd.s32 v1, v3  }
0x2bd: {  	v2 =	vadd.s32 v1, v2;
	[tilespmem:s31+$0xFFFFFFE0] =	vst v3;
	v3 =	vld [tilespmem:s30+$0x70]  }
0x2be: {  	[tilespmem:s8+$0xFFFFFFF0] =	vst v2;
	v60 =	vadd.s32 v1, v55;
	v2 =	vld [tilespmem:s30+$0xFFFFFFF0]  }
0x2bf: {  	[tilespmem:s11+$0x70] =	vst v60;
	v61 =	vadd.s32 v1, v57  }
0x2c0: {  	[tilespmem:s11+$0xFFFFFFF0] =	vst v61;
	v62 =	vadd.s32 v1, v59  }
0x2c1: {  	[tilespmem:s14+$0x70] =	vst v62;
	v63 =	vadd.s32 v1, v5  }
0x2c2: {  	[tilespmem:s14+$0xFFFFFFF0] =	vst v63;
	v3 =	vadd.s32 v1, v3  }
0x2c3: {  	[tilespmem:s31+$0x70] =	vst v3;
	v2 =	vadd.s32 v1, v2  }
0x2c4: {  	s11 =	simm.s32 $0x1E00;
	[tilespmem:s31+$0xFFFFFFF0] =	vst v2  }
0x2c5: {  	[tilespmem:s23], [sflag:$0x3] =	stream.indirect.gather [hbm4b:s7+s22], $0x8, s11, s22, $0xb8;
	[tilespmem:$0x1B080] =	vst v63  }
0x2c6: {  	s3 =	simm.s32 $0x2C00;
	s12 =	simm.s32 $0x1E80  }
0x2c7: {  	[tilespmem:s3], [sflag:$0x3] =	stream.indirect.gather [hbm4b:s7+s22], $0x8, s12, s22, $0xb8;
	[tilespmem:$0x1B080] =	vst v63  }
0x2c8: {  	s13 =	simm.s32 $0x1F00;
	s14 =	simm.s32 $0x3000  }
0x2c9: {  	[tilespmem:s14], [sflag:$0x3] =	stream.indirect.gather [hbm4b:s7+s22], $0x8, s13, s22, $0xb8;
	[tilespmem:$0x1B080] =	vst v63  }
0x2ca: {  	s15 =	simm.s32 $0x1F80;
	s16 =	simm.s32 $0x3400  }
0x2cb: {  	[tilespmem:s16], [sflag:$0x3] =	stream.indirect.gather [hbm4b:s7+s22], $0x8, s15, s22, $0xb8;
	[tilespmem:$0x1B080] =	vst v63  }
0x2cc: {  	s30 =	simm.s32 $0x2000;
	s31 =	simm.s32 $0x3800  }
0x2cd: {  	[tilespmem:s31], [sflag:$0x3] =	stream.indirect.gather [hbm4b:s7+s22], $0x8, s30, s22, $0xb8;
	[tilespmem:$0x1B080] =	vst v63  }
0x2ce: {  	s8 =	simm.s32 $0x3C00;
	s3 =	simm.s32 $0x2080  }
0x2cf: {  	[tilespmem:s8], [sflag:$0x3] =	stream.indirect.gather [hbm4b:s7+s22], $0x8, s3, s22, $0xb8;
	[tilespmem:$0x1B080] =	vst v63  }
0x2d0: {  	s11 =	simm.s32 $0x2100;
	s12 =	simm.s32 $0x4000  }
0x2d1: {  	[tilespmem:s12], [sflag:$0x3] =	stream.indirect.gather [hbm4b:s7+s22], $0x8, s11, s22, $0xb8;
	[tilespmem:$0x1B080] =	vst v63  }
0x2d2: {  	s13 =	simm.s32 $0x2180;
	s14 =	simm.s32 $0x4400  }
0x2d3: {  	[tilespmem:s14], [sflag:$0x3] =	stream.indirect.gather [hbm4b:s7+s22], $0x8, s13, s22, $0xb8;
	[tilespmem:$0x1B080] =	vst v63  }
0x2d4: {  	s15 =	simm.s32 $0x2200;
	s16 =	simm.s32 $0x4800  }
0x2d5: {  	[tilespmem:s16], [sflag:$0x3] =	stream.indirect.gather [hbm4b:s7+s22], $0x8, s15, s22, $0xb8;
	[tilespmem:$0x1B080] =	vst v63  }
0x2d6: {  	s30 =	simm.s32 $0x2280;
	s31 =	simm.s32 $0x4C00  }
0x2d7: {  	[tilespmem:s31], [sflag:$0x3] =	stream.indirect.gather [hbm4b:s7+s22], $0x8, s30, s22, $0xb8;
	[tilespmem:$0x1B080] =	vst v63  }
.LBB2_15:
0x2d8: {  	_ =	swait.ge [sflag:s6], $0x400  }
0x2d9: {  	[sflag:s6] =	ssyncset.done $0x0  }
0x2da: {  	[sflag:s6] =	ssyncadd.s32 $0xFFFFFC00  }
0x2db: {  	_ =	swait.ge [sflag:s6], $0x400  }
0x2dc: {  	[sflag:s6] =	ssyncset.done $0x0  }
0x2dd: {  	[sflag:s6] =	ssyncadd.s32 $0xFFFFFC00  }
0x2de: {  	_ =	swait.ge [sflag:s6], $0x400  }
0x2df: {  	[sflag:s6] =	ssyncset.done $0x0  }
0x2e0: {  	[sflag:s6] =	ssyncadd.s32 $0xFFFFFC00  }
0x2e1: {  	_ =	swait.ge [sflag:s6], $0x400  }
0x2e2: {  	[sflag:s6] =	ssyncset.done $0x0  }
0x2e3: {  	[sflag:s6] =	ssyncadd.s32 $0xFFFFFC00  }
0x2e4: {  	_ =	swait.ge [sflag:s6], $0x400  }
0x2e5: {  	[sflag:s6] =	ssyncset.done $0x0  }
0x2e6: {  	[sflag:s6] =	ssyncadd.s32 $0xFFFFFC00  }
0x2e7: {  	_ =	swait.ge [sflag:s6], $0x400  }
0x2e8: {  	[sflag:s6] =	ssyncset.done $0x0  }
0x2e9: {  	[sflag:s6] =	ssyncadd.s32 $0xFFFFFC00  }
0x2ea: {  	_ =	swait.ge [sflag:s6], $0x400  }
0x2eb: {  	[sflag:s6] =	ssyncset.done $0x0  }
0x2ec: {  	[sflag:s6] =	ssyncadd.s32 $0xFFFFFC00  }
0x2ed: {  	_ =	swait.ge [sflag:s6], $0x400  }
0x2ee: {  	[sflag:s6] =	ssyncset.done $0x0  }
0x2ef: {  	[sflag:s6] =	ssyncadd.s32 $0xFFFFFC00  }
0x2f0: {  	_ =	swait.ge [sflag:s6], $0x400  }
0x2f1: {  	s0 =	simm.s32 $0x0;
	[sflag:s6] =	ssyncset.done $0x0  }
0x2f2: {  	v2 =	vmov s0;
	[sflag:s6] =	ssyncadd.s32 $0xFFFFFC00  }
0x2f3: {  	v2 =	vshll.u32 v2, $0x3;
	_ =	swait.ge [sflag:s6], $0x400  }
0x2f4: {  	v6 =	vor.u32 v0, v2;
	[sflag:s6] =	ssyncset.done $0x0  }
0x2f5: {  	s12 =	simm.s32 $0xF10;
	[sflag:s6] =	ssyncadd.s32 $0xFFFFFC00  }
0x2f6: {  	v2 =	vld [tilespmem:s12+$0xFFFFFFF0]  }
0x2f7: {  	s3 =	simm.s32 $0x1910  }
0x2f8: {  	v8 =	vld [tilespmem:s3+$0xFFFFFFF0]  }
0x2f9: {  	v3 =	vld.idx.msk [tilespmem:v6+s25+$0x0], $0xffff;
	_ =	sdelay $0x1  }
0x2fa: {  	v9 =	vshll.u32 v2, $0x3  }
0x2fb: {  	v2 =	vor.u32 $0x1, v6  }
0x2fc: {  	s8 =	simm.s32 $0x10  }
0x2fd: {  	v4 =	vmov s8;
	v3 =	vmul.f32 v3, v8  }
0x2fe: {  	v4 =	vshll.u32 v4, $0x3  }
0x2ff: {  	v10 =	vor.u32 v0, v4;
	[tilespmem:v9+s29+$0x0] =	vst.idx.add.f32.msk $0xffff, v3  }
0x300: {  	v3 =	vld.idx.msk [tilespmem:v2+s25+$0x0], $0xffff;
	_ =	sdelay $0x1  }
0x301: {  	v4 =	vld [tilespmem:s12+$0x0];
	v5 =	vor.u32 $0x1, v9  }
0x302: {  	v7 =	vor.u32 $0x2, v6  }
0x303: {  	v11 =	vld.idx.msk [tilespmem:v10+s25+$0x0], $0xffff  }
0x304: {  	v2 =	vld [tilespmem:s3+$0x0];
	v3 =	vmul.f32 v3, v8;
	_ =	sdelay $0x1  }
0x305: {  	v12 =	vshll.u32 v4, $0x3;
	[tilespmem:v5+s29+$0x0] =	vst.idx.add.f32.msk $0xffff, v3  }
0x306: {  	v3 =	vor.u32 $0x1, v10;
	v4 =	vld.idx.msk [tilespmem:v7+s25+$0x0], $0xffff;
	_ =	sdelay $0x1  }
0x307: {  	v5 =	vmul.f32 v11, v2;
	v7 =	vor.u32 $0x2, v9  }
0x308: {  	v11 =	vor.u32 $0x3, v6  }
0x309: {  	[tilespmem:v12+s29+$0x0] =	vst.idx.add.f32.msk $0xffff, v5  }
0x30a: {  	v3 =	vld.idx.msk [tilespmem:v3+s25+$0x0], $0xffff;
	v4 =	vmul.f32 v4, v8  }
0x30b: {  	s13 =	simm.s32 $0x20  }
0x30c: {  	v5 =	vor.u32 $0x1, v12;
	[tilespmem:v7+s29+$0x0] =	vst.idx.add.f32.msk $0xffff, v4;
	v4 =	vmov s13  }
0x30d: {  	v7 =	vld.idx.msk [tilespmem:v11+s25+$0x0], $0xffff;
	v4 =	vshll.u32 v4, $0x3  }
0x30e: {  	s14 =	simm.s32 $0xF30;
	v28 =	vor.u32 v0, v4  }
0x30f: {  	s11 =	simm.s32 $0xF50;
	v13 =	vld [tilespmem:s14+$0xFFFFFFF0];
	v3 =	vmul.f32 v3, v2;
	v4 =	vor.u32 $0x3, v9  }
0x310: {  	s15 =	simm.s32 $0x30;
	v22 =	vld [tilespmem:s11+$0x0];
	v11 =	vor.u32 $0x4, v6  }
0x311: {  	s16 =	simm.s32 $0x1930;
	[tilespmem:v5+s29+$0x0] =	vst.idx.add.f32.msk $0xffff, v3;
	v3 =	vmov s15  }
0x312: {  	v14 =	vor.u32 $0x2, v10;
	v5 =	vshll.u32 v3, $0x3;
	v3 =	vld [tilespmem:s16+$0xFFFFFFF0];
	v7 =	vmul.f32 v7, v8  }
0x313: {  	v15 =	vld.idx.msk [tilespmem:v28+s25+$0x0], $0xffff  }
0x314: {  	v16 =	vor.u32 v0, v5;
	[tilespmem:v4+s29+$0x0] =	vst.idx.add.f32.msk $0xffff, v7  }
0x315: {  	v5 =	vshll.u32 v13, $0x3;
	v7 =	vld.idx.msk [tilespmem:v11+s25+$0x0], $0xffff  }
0x316: {  	v13 =	vld [tilespmem:s14+$0x0];
	v11 =	vor.u32 $0x1, v28  }
0x317: {  	v17 =	vor.u32 $0x4, v9;
	v14 =	vld.idx.msk [tilespmem:v14+s25+$0x0], $0xffff  }
0x318: {  	v19 =	vor.u32 $0x5, v6;
	v4 =	vld [tilespmem:s16+$0x0];
	v15 =	vmul.f32 v15, v3  }
0x319: {  	v20 =	vor.u32 $0x2, v12;
	v18 =	vld.idx.msk [tilespmem:v16+s25+$0x0], $0xffff  }
0x31a: {  	v21 =	vor.u32 $0x3, v10;
	[tilespmem:v5+s29+$0x0] =	vst.idx.add.f32.msk $0xffff, v15;
	v7 =	vmul.f32 v7, v8  }
0x31b: {  	v23 =	vshll.u32 v13, $0x3;
	v11 =	vld.idx.msk [tilespmem:v11+s25+$0x0], $0xffff  }
0x31c: {  	v14 =	vmul.f32 v14, v2;
	v13 =	vor.u32 $0x1, v16;
	[tilespmem:v17+s29+$0x0] =	vst.idx.add.f32.msk $0xffff, v7  }
0x31d: {  	v15 =	vor.u32 $0x1, v5;
	v7 =	vld.idx.msk [tilespmem:v19+s25+$0x0], $0xffff  }
0x31e: {  	[tilespmem:v20+s29+$0x0] =	vst.idx.add.f32.msk $0xffff, v14;
	v14 =	vmul.f32 v18, v4;
	v17 =	vor.u32 $0x2, v28  }
0x31f: {  	v18 =	vld.idx.msk [tilespmem:v21+s25+$0x0], $0xffff;
	v19 =	vor.u32 $0x5, v9  }
0x320: {  	[tilespmem:v23+s29+$0x0] =	vst.idx.add.f32.msk $0xffff, v14;
	v14 =	vor.u32 $0x6, v6;
	v11 =	vmul.f32 v11, v3  }
0x321: {  	v20 =	vor.u32 $0x3, v12;
	v13 =	vld.idx.msk [tilespmem:v13+s25+$0x0], $0xffff  }
0x322: {  	v21 =	vor.u32 $0x4, v10;
	[tilespmem:v15+s29+$0x0] =	vst.idx.add.f32.msk $0xffff, v11;
	v7 =	vmul.f32 v7, v8  }
0x323: {  	v11 =	vor.u32 $0x1, v23;
	v15 =	vld.idx.msk [tilespmem:v17+s25+$0x0], $0xffff  }
0x324: {  	v18 =	vmul.f32 v18, v2;
	v17 =	vor.u32 $0x2, v16;
	[tilespmem:v19+s29+$0x0] =	vst.idx.add.f32.msk $0xffff, v7  }
0x325: {  	v7 =	vld.idx.msk [tilespmem:v14+s25+$0x0], $0xffff;
	v14 =	vor.u32 $0x2, v5  }
0x326: {  	[tilespmem:v20+s29+$0x0] =	vst.idx.add.f32.msk $0xffff, v18;
	v18 =	vor.u32 $0x3, v28;
	v13 =	vmul.f32 v13, v4  }
0x327: {  	v20 =	vor.u32 $0x6, v9;
	v19 =	vld.idx.msk [tilespmem:v21+s25+$0x0], $0xffff  }
0x328: {  	v6 =	vor.u32 $0x7, v6;
	[tilespmem:v11+s29+$0x0] =	vst.idx.add.f32.msk $0xffff, v13;
	v15 =	vmul.f32 v15, v3  }
0x329: {  	v11 =	vor.u32 $0x4, v12;
	v13 =	vld.idx.msk [tilespmem:v17+s25+$0x0], $0xffff  }
0x32a: {  	s30 =	simm.s32 $0x40;
	v17 =	vor.u32 $0x5, v10;
	[tilespmem:v14+s29+$0x0] =	vst.idx.add.f32.msk $0xffff, v15;
	v7 =	vmul.f32 v7, v8  }
0x32b: {  	v15 =	vmov s30;
	v14 =	vld.idx.msk [tilespmem:v18+s25+$0x0], $0xffff  }
0x32c: {  	v18 =	vmul.f32 v19, v2;
	[tilespmem:v20+s29+$0x0] =	vst.idx.add.f32.msk $0xffff, v7;
	v7 =	vshll.u32 v15, $0x3  }
0x32d: {  	s31 =	simm.s32 $0x50;
	v15 =	vld.idx.msk [tilespmem:v6+s25+$0x0], $0xffff;
	v7 =	vor.u32 v0, v7  }
0x32e: {  	[tilespmem:v11+s29+$0x0] =	vst.idx.add.f32.msk $0xffff, v18;
	v11 =	vor.u32 $0x3, v5;
	v6 =	vmov s31  }
0x32f: {  	v19 =	vor.u32 $0x4, v28;
	v17 =	vld.idx.msk [tilespmem:v17+s25+$0x0], $0xffff;
	v18 =	vshll.u32 v6, $0x3  }
0x330: {  	s8 =	simm.s32 $0x1950;
	v9 =	vor.u32 $0x7, v9;
	v21 =	vor.u32 v0, v18;
	v18 =	vld [tilespmem:s11+$0xFFFFFFF0]  }
0x331: {  	v6 =	vld [tilespmem:s8+$0xFFFFFFF0];
	v14 =	vmul.f32 v14, v3  }
0x332: {  	v20 =	vld.idx.msk [tilespmem:v7+s25+$0x0], $0xffff  }
0x333: {  	v8 =	vmul.f32 v15, v8;
	[tilespmem:v11+s29+$0x0] =	vst.idx.add.f32.msk $0xffff, v14;
	v11 =	vor.u32 $0x2, v23  }
0x334: {  	v14 =	vor.u32 $0x3, v16;
	v15 =	vld.idx.msk [tilespmem:v19+s25+$0x0], $0xffff  }
0x335: {  	[tilespmem:v9+s29+$0x0] =	vst.idx.add.f32.msk $0xffff, v8;
	v9 =	vshll.u32 v18, $0x3  }
0x336: {  	v13 =	vmul.f32 v13, v4;
	v19 =	vor.u32 $0x1, v7;
	v18 =	vld.idx.msk [tilespmem:v21+s25+$0x0], $0xffff  }
0x337: {  	v24 =	vor.u32 $0x4, v5;
	v8 =	vld [tilespmem:s8+$0x0]  }
0x338: {  	v25 =	vor.u32 $0x5, v28;
	v20 =	vmul.f32 v20, v6;
	[tilespmem:v11+s29+$0x0] =	vst.idx.add.f32.msk $0xffff, v13  }
0x339: {  	v11 =	vor.u32 $0x5, v12;
	v26 =	vld.idx.msk [tilespmem:v14+s25+$0x0], $0xffff  }
0x33a: {  	v30 =	vshll.u32 v22, $0x3;
	v14 =	vmul.f32 v15, v3;
	[tilespmem:v9+s29+$0x0] =	vst.idx.add.f32.msk $0xffff, v20  }
0x33b: {  	v13 =	vor.u32 $0x6, v10;
	v15 =	vld.idx.msk [tilespmem:v19+s25+$0x0], $0xffff  }
0x33c: {  	v17 =	vmul.f32 v17, v2;
	v19 =	vor.u32 $0x1, v21;
	[tilespmem:v24+s29+$0x0] =	vst.idx.add.f32.msk $0xffff, v14  }
0x33d: {  	v20 =	vor.u32 $0x1, v9;
	v18 =	vmul.f32 v18, v8;
	v14 =	vld.idx.msk [tilespmem:v25+s25+$0x0], $0xffff  }
0x33e: {  	[tilespmem:v11+s29+$0x0] =	vst.idx.add.f32.msk $0xffff, v17;
	v17 =	vor.u32 $0x2, v7  }
0x33f: {  	v31 =	vor.u32 $0x6, v12;
	v25 =	vor.u32 $0x5, v5;
	[tilespmem:v30+s29+$0x0] =	vst.idx.add.f32.msk $0xffff, v18  }
0x340: {  	v35 =	vor.u32 $0x1, v30;
	v27 =	vor.u32 $0x6, v28;
	v24 =	vld.idx.msk [tilespmem:v13+s25+$0x0], $0xffff;
	v13 =	vmul.f32 v15, v6  }
0x341: {  	v29 =	vor.u32 $0x4, v16;
	v32 =	vor.u32 $0x3, v23;
	v22 =	vor.u32 $0x4, v23;
	v33 =	vld.idx.msk [tilespmem:v19+s25+$0x0], $0xffff  }
0x342: {  	v11 =	vor.u32 $0x7, v10;
	v10 =	vor.u32 $0x7, v12;
	v12 =	vmul.f32 v14, v3;
	[tilespmem:v20+s29+$0x0] =	vst.idx.add.f32.msk $0xffff, v13  }
0x343: {  	v19 =	vor.u32 $0x5, v16;
	v15 =	vor.u32 $0x6, v16;
	v13 =	vor.u32 $0x7, v16;
	v16 =	vld.idx.msk [tilespmem:v17+s25+$0x0], $0xffff  }
0x344: {  	v37 =	vor.u32 $0x2, v21;
	v18 =	vor.u32 $0x5, v23;
	v17 =	vmul.f32 v26, v4;
	[tilespmem:v25+s29+$0x0] =	vst.idx.add.f32.msk $0xffff, v12  }
0x345: {  	v14 =	vor.u32 $0x6, v23;
	v12 =	vor.u32 $0x7, v23;
	v23 =	vmul.f32 v24, v2;
	v38 =	vld.idx.msk [tilespmem:v27+s25+$0x0], $0xffff  }
0x346: {  	v36 =	vor.u32 $0x3, v7;
	v39 =	vor.u32 $0x2, v9;
	v20 =	vor.u32 $0x6, v21;
	[tilespmem:v32+s29+$0x0] =	vst.idx.add.f32.msk $0xffff, v17  }
0x347: {  	v26 =	vor.u32 $0x3, v21;
	v25 =	vor.u32 $0x4, v21;
	v63 =	vmul.f32 v33, v8;
	[tilespmem:v31+s29+$0x0] =	vst.idx.add.f32.msk $0xffff, v23  }
0x348: {  	v24 =	vor.u32 $0x5, v21;
	v27 =	vor.u32 $0x3, v30;
	v33 =	vor.u32 $0x6, v5;
	v34 =	vld.idx.msk [tilespmem:v29+s25+$0x0], $0xffff  }
0x349: {  	v17 =	vor.u32 $0x7, v21;
	v32 =	vor.u32 $0x7, v28;
	[tilespmem:v35+s29+$0x0] =	vst.idx.add.f32.msk $0xffff, v63;
	v40 =	vmul.f32 v16, v6  }
0x34a: {  	v31 =	vor.u32 $0x4, v30;
	v23 =	vor.u32 $0x5, v30;
	v21 =	vor.u32 $0x6, v30;
	v35 =	vld.idx.msk [tilespmem:v37+s25+$0x0], $0xffff  }
0x34b: {  	s12 =	simm.s32 $0x4;
	s13 =	simm.s32 $0x70;
	v29 =	vor.u32 $0x2, v30;
	v16 =	vor.u32 $0x7, v30;
	v28 =	vmul.f32 v38, v3;
	[tilespmem:v39+s29+$0x0] =	vst.idx.add.f32.msk $0xffff, v40  }
.LBB2_16:
0x34c: {  	s0 =	sadd.s32 $0xFFFFFFF0, s13;
	v30 =	vmov s13;
	v36 =	vld.idx.msk [tilespmem:v36+s25+$0x0], $0xffff  }
0x34d: {  	v37 =	vmov s0;
	v30 =	vshll.u32 v30, $0x3;
	[tilespmem:v33+s29+$0x0] =	vst.idx.add.f32.msk $0xffff, v28;
	v33 =	vmul.f32 v34, v4  }
0x34e: {  	v28 =	vshll.u32 v37, $0x3;
	v34 =	vor.u32 v0, v30;
	v32 =	vld.idx.msk [tilespmem:v32+s25+$0x0], $0xffff  }
0x34f: {  	s12 =	sadd.s32 $0x2, s12;
	v28 =	vor.u32 v0, v28;
	v37 =	vor.u32 $0x1, v34;
	v30 =	vor.u32 $0x2, v34;
	[tilespmem:v22+s29+$0x0] =	vst.idx.add.f32.msk $0xffff, v33;
	v22 =	vmovc v31  }
0x350: {  	p1 =	slt.u32 s12, $0x4E;
	v31 =	vor.u32 $0x3, v34;
	v33 =	vor.u32 $0x3, v9;
	v35 =	vmul.f32 v35, v8;
	v38 =	vld.idx.msk [tilespmem:v19+s25+$0x0], $0xffff;
	v19 =	vmovc v24  }
0x351: {  	s8 =	sadd.s32 $0x20, s8;
	v40 =	vor.u32 $0x7, v5;
	v39 =	vor.u32 $0x4, v34;
	v24 =	vor.u32 $0x5, v34;
	v41 =	vld.idx.msk [tilespmem:v11+s25+$0x0], $0xffff;
	v11 =	vmovc v13;
	v13 =	vmovc v17  }
0x352: {  	v44 =	vor.u32 $0x4, v7;
	s11 =	sadd.s32 $0x20, s11;
	v5 =	vmovc v9;
	v43 =	vor.u32 $0x6, v34;
	v17 =	vor.u32 $0x7, v34;
	v42 =	vld [tilespmem:s8+$0xFFFFFFF0]  }
0x353: {  	v36 =	vmul.f32 v36, v6;
	v9 =	vld [tilespmem:s11+$0xFFFFFFF0]  }
0x354: {  	v32 =	vmul.f32 v32, v3;
	v3 =	vmov v6;
	v45 =	vld.idx.msk [tilespmem:v28+s25+$0x0], $0xffff  }
0x355: {  	[tilespmem:v33+s29+$0x0] =	vst.idx.add.f32.msk $0xffff, v36  }
0x356: {  	[tilespmem:v40+s29+$0x0] =	vst.idx.add.f32.msk $0xffff, v32;
	v32 =	vmul.f32 v38, v4  }
0x357: {  	v36 =	vmul.f32 v41, v2;
	v2 =	vmovc v4;
	v4 =	vmov v8;
	v33 =	vld.idx.msk [tilespmem:v44+s25+$0x0], $0xffff;
	v6 =	vmov v42  }
0x358: {  	v9 =	vshll.u32 v9, $0x3;
	v34 =	vld.idx.msk [tilespmem:v34+s25+$0x0], $0xffff  }
0x359: {  	v38 =	vor.u32 $0x1, v28;
	v8 =	vld [tilespmem:s8+$0x0]  }
0x35a: {  	v41 =	vor.u32 $0x4, v5;
	v40 =	vld [tilespmem:s11+$0x0]  }
0x35b: {  	v44 =	vor.u32 $0x5, v7;
	v42 =	vmul.f32 v45, v6;
	[tilespmem:v29+s29+$0x0] =	vst.idx.add.f32.msk $0xffff, v35  }
0x35c: {  	v35 =	vld.idx.msk [tilespmem:v26+s25+$0x0], $0xffff;
	v26 =	vmov v31  }
0x35d: {  	v29 =	vmul.f32 v33, v3;
	[tilespmem:v9+s29+$0x0] =	vst.idx.add.f32.msk $0xffff, v42  }
0x35e: {  	v33 =	vld.idx.msk [tilespmem:v38+s25+$0x0], $0xffff;
	v34 =	vmul.f32 v34, v8  }
0x35f: {  	v38 =	vshll.u32 v40, $0x3;
	[tilespmem:v41+s29+$0x0] =	vst.idx.add.f32.msk $0xffff, v29  }
0x360: {  	v40 =	vor.u32 $0x1, v38;
	v29 =	vor.u32 $0x2, v38;
	v41 =	vor.u32 $0x3, v38;
	v42 =	vld.idx.msk [tilespmem:v44+s25+$0x0], $0xffff  }
0x361: {  	v44 =	vor.u32 $0x1, v9;
	v31 =	vor.u32 $0x4, v38;
	[tilespmem:v18+s29+$0x0] =	vst.idx.add.f32.msk $0xffff, v32;
	v18 =	vmovc v23;
	v23 =	vor.u32 $0x5, v38  }
0x362: {  	v45 =	vor.u32 $0x6, v38;
	v32 =	vor.u32 $0x2, v28;
	v35 =	vmul.f32 v35, v4;
	v46 =	vld.idx.msk [tilespmem:v15+s25+$0x0], $0xffff;
	v15 =	vmovc v20;
	v20 =	vmovc v43  }
0x363: {  	v43 =	vor.u32 $0x5, v5;
	[tilespmem:v10+s29+$0x0] =	vst.idx.add.f32.msk $0xffff, v36;
	v10 =	vmovc v12;
	v12 =	vmov v16;
	v16 =	vor.u32 $0x7, v38  }
0x364: {  	v33 =	vmul.f32 v33, v6;
	[tilespmem:v38+s29+$0x0] =	vst.idx.add.f32.msk $0xffff, v34;
	v34 =	vor.u32 $0x6, v7  }
0x365: {  	v37 =	vld.idx.msk [tilespmem:v37+s25+$0x0], $0xffff  }
0x366: {  	[tilespmem:v44+s29+$0x0] =	vst.idx.add.f32.msk $0xffff, v33;
	v33 =	vmul.f32 v42, v3  }
0x367: {  	v32 =	vld.idx.msk [tilespmem:v32+s25+$0x0], $0xffff  }
0x368: {  	v38 =	vmul.f32 v46, v2;
	[tilespmem:v43+s29+$0x0] =	vst.idx.add.f32.msk $0xffff, v33  }
0x369: {  	v42 =	vld.idx.msk [tilespmem:v34+s25+$0x0], $0xffff  }
0x36a: {  	v43 =	vor.u32 $0x2, v9;
	[tilespmem:v27+s29+$0x0] =	vst.idx.add.f32.msk $0xffff, v35;
	v27 =	vmov v41  }
.Ltmp10:
0x36b: {  	v36 =	vor.u32 $0x3, v28;
	v35 =	vmul.f32 v37, v8;
	v34 =	vld.idx.msk [tilespmem:v25+s25+$0x0], $0xffff;
	v25 =	vmov v39;
	(pc) =	sbr.rel @p1 .LBB2_16-.Ltmp10, $4  }
0x36c: {  	v33 =	vor.u32 $0x6, v5;
	[tilespmem:v14+s29+$0x0] =	vst.idx.add.f32.msk $0xffff, v38;
	v14 =	vmov v21;
	v21 =	vmov v45  }
0x36d: {  	v37 =	vmul.f32 v32, v6;
	v32 =	vor.u32 $0x7, v7;
	v7 =	vmov v28;
	[tilespmem:v40+s29+$0x0] =	vst.idx.add.f32.msk $0xffff, v35  }
0x36e: {  	v35 =	vld.idx.msk [tilespmem:v30+s25+$0x0], $0xffff  }
0x36f: {  	s13 =	sadd.s32 $0x20, s13;
	v28 =	vmul.f32 v42, v3;
	[tilespmem:v43+s29+$0x0] =	vst.idx.add.f32.msk $0xffff, v37  }
0x370: {  	_ =	sdelay $0x2  }
0x371: {  	v35 =	vmul.f32 v35, v8  }
0x372: {  	v30 =	vld.idx.msk [tilespmem:v36+s25+$0x0], $0xffff  }
0x373: {  	[tilespmem:v29+s29+$0x0] =	vst.idx.add.f32.msk $0xffff, v35  }
0x374: {  	v49 =	vor.u32 $0x3, v9;
	v26 =	vld.idx.msk [tilespmem:v26+s25+$0x0], $0xffff  }
0x375: {  	v50 =	vor.u32 $0x4, v7;
	_ =	sdelay $0x1  }
0x376: {  	v30 =	vmul.f32 v30, v6;
	_ =	sdelay $0x1  }
0x377: {  	[tilespmem:v49+s29+$0x0] =	vst.idx.add.f32.msk $0xffff, v30;
	v26 =	vmul.f32 v26, v8  }
0x378: {  	v29 =	vld.idx.msk [tilespmem:v50+s25+$0x0], $0xffff  }
0x379: {  	[tilespmem:v27+s29+$0x0] =	vst.idx.add.f32.msk $0xffff, v26  }
0x37a: {  	v51 =	vor.u32 $0x4, v9;
	v25 =	vld.idx.msk [tilespmem:v25+s25+$0x0], $0xffff  }
0x37b: {  	v52 =	vmul.f32 v34, v4;
	v53 =	vor.u32 $0x5, v7;
	_ =	sdelay $0x1  }
0x37c: {  	[tilespmem:v22+s29+$0x0] =	vst.idx.add.f32.msk $0xffff, v52;
	v54 =	vmul.f32 v29, v6  }
0x37d: {  	v19 =	vld.idx.msk [tilespmem:v19+s25+$0x0], $0xffff  }
0x37e: {  	[tilespmem:v51+s29+$0x0] =	vst.idx.add.f32.msk $0xffff, v54;
	v25 =	vmul.f32 v25, v8  }
0x37f: {  	v22 =	vld.idx.msk [tilespmem:v53+s25+$0x0], $0xffff  }
0x380: {  	[tilespmem:v31+s29+$0x0] =	vst.idx.add.f32.msk $0xffff, v25  }
0x381: {  	v55 =	vor.u32 $0x5, v9;
	v24 =	vld.idx.msk [tilespmem:v24+s25+$0x0], $0xffff  }
0x382: {  	v56 =	vor.u32 $0x6, v7;
	v19 =	vmul.f32 v19, v4  }
0x383: {  	v11 =	vld.idx.msk [tilespmem:v11+s25+$0x0], $0xffff  }
0x384: {  	[tilespmem:v18+s29+$0x0] =	vst.idx.add.f32.msk $0xffff, v19;
	v57 =	vmul.f32 v22, v6  }
0x385: {  	v15 =	vld.idx.msk [tilespmem:v15+s25+$0x0], $0xffff  }
0x386: {  	[tilespmem:v55+s29+$0x0] =	vst.idx.add.f32.msk $0xffff, v57;
	v58 =	vmul.f32 v24, v8  }
0x387: {  	v18 =	vld.idx.msk [tilespmem:v56+s25+$0x0], $0xffff  }
0x388: {  	[tilespmem:v23+s29+$0x0] =	vst.idx.add.f32.msk $0xffff, v58  }
0x389: {  	v59 =	vor.u32 $0x6, v9;
	v19 =	vld.idx.msk [tilespmem:v20+s25+$0x0], $0xffff  }
0x38a: {  	v60 =	vor.u32 $0x7, v7;
	[tilespmem:v33+s29+$0x0] =	vst.idx.add.f32.msk $0xffff, v28;
	v15 =	vmul.f32 v15, v4  }
0x38b: {  	v61 =	vld.idx.msk [tilespmem:v32+s25+$0x0], $0xffff  }
0x38c: {  	[tilespmem:v14+s29+$0x0] =	vst.idx.add.f32.msk $0xffff, v15;
	v18 =	vmul.f32 v18, v6  }
0x38d: {  	v13 =	vld.idx.msk [tilespmem:v13+s25+$0x0], $0xffff  }
0x38e: {  	[tilespmem:v59+s29+$0x0] =	vst.idx.add.f32.msk $0xffff, v18;
	v62 =	vmul.f32 v19, v8  }
0x38f: {  	v5 =	vor.u32 $0x7, v5;
	v7 =	vld.idx.msk [tilespmem:v60+s25+$0x0], $0xffff  }
0x390: {  	[tilespmem:v21+s29+$0x0] =	vst.idx.add.f32.msk $0xffff, v62  }
0x391: {  	v63 =	vor.u32 $0x7, v9;
	v14 =	vld.idx.msk [tilespmem:v17+s25+$0x0], $0xffff  }
0x392: {  	v3 =	vmul.f32 v61, v3  }
0x393: {  	v2 =	vmul.f32 v11, v2  }
.Ltmp11:
0x394: {  	[tilespmem:v5+s29+$0x0] =	vst.idx.add.f32.msk $0xffff, v3;
	v3 =	vmul.f32 v7, v6;
	(pc) =	sbr.rel @p0 .LBB2_19-.Ltmp11, $4  }
0x395: {  	[tilespmem:v10+s29+$0x0] =	vst.idx.add.f32.msk $0xffff, v2;
	v2 =	vmul.f32 v13, v4  }
0x396: {  	[tilespmem:v63+s29+$0x0] =	vst.idx.add.f32.msk $0xffff, v3;
	v3 =	vmul.f32 v14, v8  }
0x397: {  	[tilespmem:v12+s29+$0x0] =	vst.idx.add.f32.msk $0xffff, v2  }
0x398: {  	[tilespmem:v16+s29+$0x0] =	vst.idx.add.f32.msk $0xffff, v3  }
0x399: {  	s0 =	smul.u32 $0xA00, s10;
	_ =	sdelay $0x1  }
0x39a: {  	s0 =	sshrl.u32 s0, $0x3  }
0x39b: {  	s0 =	sadd.s32 $0x1E0, s0  }
0x39c: {  	s8 =	simm.s32 $0x500;
	s3 =	sadd.s32 s4, s0  }
0x39d: {  	[tilespmem:s8], [sflag:$0x2] =	stream.linear.gather [hbm4b:s3+s2], $0x500, $0x38;
	[tilespmem:$0x1B080] =	vst v63  }
.Ltmp12:
0x39e: {  	_ = 	snop;
	(pc) =	sbr.rel .LBB2_7-.Ltmp12, $4  }
0x39f: {  	s30 =	simm.s32 $0xF00;
	s16 =	sadd.s32 s5, s0  }
0x3a0: {  	[tilespmem:s30], [sflag:$0x2] =	stream.linear.gather [hbm4b:s16+s2], $0x500, $0x38;
	[tilespmem:$0x1B080] =	vst v63  }
0x3a1: {  	s31 =	simm.s32 $0x1900;
	s10 =	sadd.s32 $0x1, s10;
	s0 =	sadd.s32 s1, s0  }
0x3a2: {  	[tilespmem:s31], [sflag:$0x2] =	stream.linear.gather [hbm4b:s0+s2], $0x500, $0x38;
	[tilespmem:$0x1B080] =	vst v63  }
.LBB2_21:
0x3a3: {  	_ =	sfence.sel $0x180000  }
0x3a4: {  	[bflag:$0x0] =	sbarrier.arrive $0xFFFF  }
0x3a5: {  	_ =	strace $0x90000047  }
0x3a6: {  	s0 =	stileid.u32;
	[bflag:$0x2] =	sbarrier.arrive $0xFFFF  }
0x3a7: {  	p0 =	sne.s32 s0, $0x0;
	s0 =	rddreg [dreg:$0x3]  }
0x3a8: {  	s0 =	sadd.s32 @!p0 $0x100000, s0  }
0x3a9: {  	[sflag:s0] =	ssyncadd.tile.s32 @!p0 $0x1;
	_ =	shalt  }
.Lfunc_end2:
_tile_overlayer_lowered:
.L_overlay_start_2:
0x3aa: {  	(tag) =	ssettag $0x2  }
0x3ab: {  	s0 =	rddreg [dreg:$0x0];
	s2 =	stileid.u32  }
0x3ac: {  	s1 =	rddreg [dreg:$0x1];
	p0 =	sne.s32 s2, $0x0  }
0x3ad: {  	s3 =	rddreg [dreg:$0x2];
	[bflag:$0x3] =	sbarrier.arrive $0xFFFF;
	s2 =	simm.s32 @!p0 $0x1C05  }
0x3ae: {  	[timem:s3], [sflag:s2] =	dma.local @!p0 [hbm:s0], s1  }
0x3af: {  	s0 =	simm.s32 @!p0 $0x5  }
0x3b0: {  	_ =	swait.ge @!p0 [sflag:s0], s1  }
0x3b1: {  	s1 =	ssub.s32 @!p0 $0x0, s1;
	[sflag:s0] =	ssyncset.done @!p0 $0x0  }
0x3b2: {  	[sflag:s0] =	ssyncadd.s32 @!p0 s1  }
0x3b3: {  	[bflag:$0x3] =	sbarrier.arrive $0xFFFF  }
0x3b4: {  	_ =	shalt  }

</sc_bundles>
